<compile_context>
chip_gen: v7x
topology: tpu7x:2x2x1
jax: 0.10.2.dev20260603
libtpu: 0.0.44.dev20260713+nightly
codegen_flags: <defaults>
</compile_context>

<pallas_src>
import functools

import jax
import jax.numpy as jnp
from jax import lax
from jax.experimental import pallas as pl
from jax.experimental.pallas import tpu as pltpu
from jax.experimental.pallas import tpu_sc as plsc

N = 8192
IN_DIM = 64
H = 128
KNN = 4
HALF = N // 2
ROW_BLK = 1024
DEC_BLK = 1024


def _topk_scan(pv_ref, sqt_ref, idx_ref):
    r = ROW_BLK
    lane = 128
    inf = jnp.float32(jnp.inf)
    base_iota = lax.broadcasted_iota(jnp.int32, (r, lane), 1)
    a_v = [jnp.full((r, lane), inf, jnp.float32) for _ in range(KNN)]
    a_i = [jnp.zeros((r, lane), jnp.int32) for _ in range(KNN)]
    for j in range(N // lane):
        x = pv_ref[:, j * lane:(j + 1) * lane] + sqt_ref[:, j * lane:(j + 1) * lane]
        ix = base_iota + jnp.int32(j * lane)
        for k in range(KNN):
            c = x < a_v[k]
            nv = jnp.where(c, x, a_v[k])
            dv = jnp.where(c, a_v[k], x)
            ni = jnp.where(c, ix, a_i[k])
            di = jnp.where(c, a_i[k], ix)
            a_v[k], x, a_i[k], ix = nv, dv, ni, di
    cand_v = jnp.concatenate(a_v, axis=1)
    cand_i = jnp.concatenate(a_i, axis=1)
    cols = []
    for k in range(KNN):
        m = jnp.min(cand_v, axis=1, keepdims=True)
        am = jnp.min(jnp.where(cand_v == m, cand_i, jnp.int32(N)),
                     axis=1, keepdims=True)
        cols.append(am)
        if k + 1 < KNN:
            cand_v = jnp.where(cand_i == am, inf, cand_v)
    idx_ref[...] = jnp.concatenate(cols, axis=1)


def _enc_topk_body(x_ref, w1_ref, b1_ref, w2_ref, b2_ref,
                   h_out_ref, idx_ref, h_ref, sqt_ref, pv_ref):
    i = pl.program_id(0)

    @pl.when(i == 0)
    def _encode():
        h1 = jnp.maximum(jnp.dot(x_ref[...], w1_ref[...]) + b1_ref[...], 0.0)
        h = jnp.dot(h1, w2_ref[...]) + b2_ref[...]
        h_ref[...] = h
        sq = jnp.sum(h * h, axis=1, keepdims=True)
        sqt_ref[...] = lax.transpose(sq, (1, 0))

    hr = h_ref[pl.ds(i * ROW_BLK, ROW_BLK), :]
    h_out_ref[...] = hr
    pv_ref[...] = lax.dot_general(hr * (-2.0), h_ref[...],
                                  (((1,), (1,)), ((), ())),
                                  preferred_element_type=jnp.float32)
    _topk_scan(pv_ref, sqt_ref, idx_ref)


def _decoder_body(z_ref, w3_ref, b3_ref, w4_ref, b4_ref, y1_ref, y2_ref):
    zz = z_ref[...].reshape(DEC_BLK, KNN, H)
    z0 = zz[:, 0, :]
    z1 = zz[:, 1, :]
    z2 = zz[:, 2, :]
    z3 = zz[:, 3, :]
    mu = (z0 + z1 + z2 + z3) * 0.25
    mx = jnp.maximum(jnp.maximum(z0, z1), jnp.maximum(z2, z3))
    zc = jnp.concatenate([mu, mx], axis=1)
    a1 = jnp.maximum(jnp.dot(zc, w3_ref[...]) + b3_ref[...], 0.0)
    zo = jnp.dot(a1, w4_ref[...]) + b4_ref[...]
    y1_ref[...] = zo[:, :H // 2]
    y2_ref[...] = zo[:, H // 2:]


def _sc_gather(h, idx_flat):
    info = plsc.get_sparse_core_info()
    nc, ns = info.num_cores, info.num_subcores
    nw = nc * ns
    b = idx_flat.shape[0]
    b_per_w = b // nw
    ch = min(b_per_w, 256)
    nch = b_per_w // ch
    mesh = plsc.VectorSubcoreMesh(core_axis_name="c", subcore_axis_name="s")

    @functools.partial(
        pl.kernel, mesh=mesh,
        out_type=jax.ShapeDtypeStruct((b, H), jnp.float32),
        scratch_types=[
            pltpu.VMEM((ch,), jnp.int32),
            pltpu.VMEM((ch,), jnp.int32),
            pltpu.VMEM((ch, H), jnp.float32),
            pltpu.VMEM((ch, H), jnp.float32),
            pltpu.SemaphoreType.DMA,
            pltpu.SemaphoreType.DMA,
            pltpu.SemaphoreType.DMA,
            pltpu.SemaphoreType.DMA,
        ],
    )
    def gather_k(h_hbm, idx_hbm, out_hbm,
                 idx_v0, idx_v1, rows_v0, rows_v1, gs0, gs1, os0, os1):
        wid = lax.axis_index("s") * nc + lax.axis_index("c")
        idx_bufs = [idx_v0, idx_v1]
        row_bufs = [rows_v0, rows_v1]
        gsems = [gs0, gs1]
        osems = [os0, os1]

        def base(c):
            return wid * b_per_w + c * ch

        gh = [None] * nch
        oh = [None] * nch
        pltpu.sync_copy(idx_hbm.at[pl.ds(base(0), ch)], idx_bufs[0])
        gh[0] = pltpu.async_copy(h_hbm.at[idx_bufs[0]], row_bufs[0], gsems[0])
        for c in range(nch):
            cb = c & 1
            nb = 1 - cb
            if c + 1 < nch:
                pltpu.sync_copy(idx_hbm.at[pl.ds(base(c + 1), ch)],
                                idx_bufs[nb])
                if c >= 1:
                    oh[c - 1].wait()
                gh[c + 1] = pltpu.async_copy(h_hbm.at[idx_bufs[nb]],
                                             row_bufs[nb], gsems[nb])
            gh[c].wait()
            oh[c] = pltpu.async_copy(row_bufs[cb],
                                     out_hbm.at[pl.ds(base(c), ch)],
                                     osems[cb])
        if nch >= 2:
            oh[nch - 2].wait()
        oh[nch - 1].wait()

    return gather_k(h, idx_flat)


def _decode(z, W3, b3, W4, b4, rows):
    return pl.pallas_call(
        _decoder_body,
        grid=(rows // DEC_BLK,),
        in_specs=[
            pl.BlockSpec((KNN * DEC_BLK, H), lambda i: (i, 0)),
            pl.BlockSpec((2 * H, 2 * H), lambda i: (0, 0)),
            pl.BlockSpec((1, 2 * H), lambda i: (0, 0)),
            pl.BlockSpec((2 * H, H), lambda i: (0, 0)),
            pl.BlockSpec((1, H), lambda i: (0, 0)),
        ],
        out_specs=(
            pl.BlockSpec((DEC_BLK, H // 2), lambda i: (i, 0)),
            pl.BlockSpec((DEC_BLK, H // 2), lambda i: (i, 0)),
        ),
        out_shape=(
            jax.ShapeDtypeStruct((rows, H // 2), jnp.float32),
            jax.ShapeDtypeStruct((rows, H // 2), jnp.float32),
        ),
    )(z, W3, b3.reshape(1, 2 * H), W4, b4.reshape(1, H))


def kernel(x, W1, b1, W2, b2, W3, b3, W4, b4):
    h, idx = pl.pallas_call(
        _enc_topk_body,
        grid=(N // ROW_BLK,),
        in_specs=[
            pl.BlockSpec((N, IN_DIM), lambda i: (0, 0)),
            pl.BlockSpec((IN_DIM, H), lambda i: (0, 0)),
            pl.BlockSpec((1, H), lambda i: (0, 0)),
            pl.BlockSpec((H, H), lambda i: (0, 0)),
            pl.BlockSpec((1, H), lambda i: (0, 0)),
        ],
        out_specs=(
            pl.BlockSpec((ROW_BLK, H), lambda i: (i, 0)),
            pl.BlockSpec((ROW_BLK, KNN), lambda i: (i, 0)),
        ),
        out_shape=(
            jax.ShapeDtypeStruct((N, H), jnp.float32),
            jax.ShapeDtypeStruct((N, KNN), jnp.int32),
        ),
        scratch_shapes=[
            pltpu.VMEM((N, H), jnp.float32),
            pltpu.VMEM((1, N), jnp.float32),
            pltpu.VMEM((ROW_BLK, N), jnp.float32),
        ],
    )(x, W1, b1.reshape(1, H), W2, b2.reshape(1, H))

    z = _sc_gather(h, idx.reshape(N * KNN))
    y1, y2 = _decode(z, W3, b3, W4, b4, N)
    return (y1, y2, idx)

# --- scband reference (transcript-rebuilt; emitter-appended) ---
"""Pipeline reference for scband-set-encoder-11175504904889 (READ-ONLY COPY).

The authoritative reference and input builder live on the scoring server;
editing this copy changes nothing except your own understanding.
"""

import jax, jax.numpy as jnp
import numpy as np

N = 8192
IN_DIM = 64
H_DIM = 128
OUT_DIM = 64


def setup_inputs(seed: int = 0) -> dict:
    key = jax.random.key(seed)
    ks = jax.random.split(key, 9)
    x = jax.random.normal(ks[0], (N, IN_DIM), dtype=jnp.float32)
    W1 = jax.random.normal(ks[1], (IN_DIM, H_DIM), dtype=jnp.float32) * 0.05
    b1 = jnp.zeros((H_DIM,), dtype=jnp.float32)
    W2 = jax.random.normal(ks[2], (H_DIM, H_DIM), dtype=jnp.float32) * 0.05
    b2 = jnp.zeros((H_DIM,), dtype=jnp.float32)
    W3 = jax.random.normal(ks[3], (2 * H_DIM, 2 * H_DIM), dtype=jnp.float32) * 0.05
    b3 = jnp.zeros((2 * H_DIM,), dtype=jnp.float32)
    W4 = jax.random.normal(ks[4], (2 * H_DIM, 2 * OUT_DIM), dtype=jnp.float32) * 0.05
    b4 = jnp.zeros((2 * OUT_DIM,), dtype=jnp.float32)
    return {"x": x, "W1": W1, "b1": b1, "W2": W2, "b2": b2,
            "W3": W3, "b3": b3, "W4": W4, "b4": b4}


def reference(x, W1, b1, W2, b2, W3, b3, W4, b4):
    # encoder: Linear -> ReLU -> Linear
    h = jnp.maximum(x @ W1 + b1, 0.0) @ W2 + b2  # [N, H]
    # pairwise squared euclidean distances (same math as ((h_i - h_j)**2).sum)
    sq = jnp.sum(h * h, axis=1)
    dist = sq[:, None] + sq[None, :] - 2.0 * (h @ h.T)  # [N, N]
    n = 4  # torch.randint(2, 5) fixed to 4 for determinism
    idx = jnp.argsort(dist, axis=1)[:, :n]  # [N, n] knn indices (incl. self)
    z = jnp.take(h, idx, axis=0)  # [N, n, H] gather
    mu = z.mean(axis=1)
    mx = z.max(axis=1)
    zc = jnp.concatenate((mu, mx), axis=1)  # [N, 2H]
    # decoder: Linear -> ReLU -> Linear
    zo = jnp.maximum(zc @ W3 + b3, 0.0) @ W4 + b4  # [N, 2*OUT_DIM]
    out_dim = W4.shape[1] // 2
    return (zo[:, :out_dim], zo[:, out_dim:], idx)

if __name__ == "__main__":
    import jax
    _d = setup_inputs()
    print(jax.jit(kernel)(*tuple(_d.values())))

</pallas_src>

<mosaic_0001>
#map = affine_map<(d0, d1) -> (0, 0)>
#map1 = affine_map<(d0, d1) -> (0)>
module attributes {stable_mosaic.version = 14 : i64} {
  func.func @gather_k(%arg0: i32, %arg1: i32, %arg2: memref<8192x128xf32, #tpu.memory_space<hbm>>, %arg3: memref<32768xi32, #tpu.memory_space<hbm>>, %arg4: memref<32768x128xf32, #tpu.memory_space<hbm>>, %arg5: memref<256xi32, #tpu.memory_space<vmem>>, %arg6: memref<256xi32, #tpu.memory_space<vmem>>, %arg7: memref<256x128xf32, #tpu.memory_space<vmem>>, %arg8: memref<256x128xf32, #tpu.memory_space<vmem>>, %arg9: memref<!tpu.dma_semaphore, #tpu.memory_space<semaphore_mem>>, %arg10: memref<!tpu.dma_semaphore, #tpu.memory_space<semaphore_mem>>, %arg11: memref<!tpu.dma_semaphore, #tpu.memory_space<semaphore_mem>>, %arg12: memref<!tpu.dma_semaphore, #tpu.memory_space<semaphore_mem>>) attributes {dimension_semantics = [#tpu.dimension_semantics<core_parallel>, #tpu.dimension_semantics<subcore_parallel>], iteration_bounds = array<i64: 2, 16>, scalar_prefetch = 0 : i64, scratch_operands = 8 : i64, tpu.core_type = #tpu.core_type<sc_vector_subcore>, window_params = [{transform_indices = #map}, {transform_indices = #map1}, {transform_indices = #map}]} {
    %mul3A = arith.constant 2 : i32
    %mul3A_0 = arith.muli %arg1, %mul3A : i32
    %add3A = arith.addi %mul3A_0, %arg0 : i32
    %mul3A_1 = arith.constant 1024 : i32
    %mul3A_2 = arith.muli %add3A, %mul3A_1 : i32
    %add3A_3 = arith.constant 0 : i32
    %add3A_4 = arith.addi %mul3A_2, %add3A_3 : i32
    "tpu.region"() ({
      %run_scoped3A = tpu.sem_alloc : memref<!tpu.dma_semaphore, #tpu.memory_space<semaphore_mem>>
      %dma_start3A_87 = tpu.memref_slice %arg3[%add3A_4] : memref<32768xi32, #tpu.memory_space<hbm>> -> memref<256xi32, #tpu.memory_space<hbm>>
      %dma_start3A_88 = tpu.memref_slice %arg3[%add3A_4] : memref<32768xi32, #tpu.memory_space<hbm>> -> memref<256xi32, #tpu.memory_space<hbm>>
      tpu.enqueue_dma source(%dma_start3A_88 : memref<256xi32, #tpu.memory_space<hbm>>) target(%arg5 : memref<256xi32, #tpu.memory_space<vmem>>) target_semaphore(%run_scoped3A : memref<!tpu.dma_semaphore, #tpu.memory_space<semaphore_mem>>)
      %dma_wait3A_89 = tpu.memref_slice %arg3[%add3A_4] : memref<32768xi32, #tpu.memory_space<hbm>> -> memref<256xi32, #tpu.memory_space<hbm>>
      %dma_wait3A_90 = tpu.memref_slice %arg3[%add3A_4] : memref<32768xi32, #tpu.memory_space<hbm>> -> memref<256xi32, #tpu.memory_space<hbm>>
      tpu.wait_dma2 semaphore(%run_scoped3A : memref<!tpu.dma_semaphore, #tpu.memory_space<semaphore_mem>>) src(%dma_wait3A_90 : memref<256xi32, #tpu.memory_space<hbm>>) dst(%arg5 : memref<256xi32, #tpu.memory_space<vmem>>)
      tpu.yield
    }) : () -> ()
    %dma_start3A = arith.constant 0 : i32
    %dma_start3A_5 = arith.constant 0 : i32
    %dma_start3A_6 = tpu.memref_slice %arg2[%dma_start3A, %dma_start3A_5] : memref<8192x128xf32, #tpu.memory_space<hbm>> -> memref<8192x128xf32, #tpu.memory_space<hbm>>
    tpu.enqueue_indirect_dma source(%dma_start3A_6 : memref<8192x128xf32, #tpu.memory_space<hbm>>) target(%arg7 : memref<256x128xf32, #tpu.memory_space<vmem>>) offsets(%arg5 : memref<256xi32, #tpu.memory_space<vmem>>) semaphore(%arg9 : memref<!tpu.dma_semaphore, #tpu.memory_space<semaphore_mem>>)
    %mul3A_7 = arith.constant 1024 : i32
    %mul3A_8 = arith.muli %add3A, %mul3A_7 : i32
    %add3A_9 = arith.constant 256 : i32
    %add3A_10 = arith.addi %mul3A_8, %add3A_9 : i32
    "tpu.region"() ({
      %run_scoped3A = tpu.sem_alloc : memref<!tpu.dma_semaphore, #tpu.memory_space<semaphore_mem>>
      %dma_start3A_87 = tpu.memref_slice %arg3[%add3A_10] : memref<32768xi32, #tpu.memory_space<hbm>> -> memref<256xi32, #tpu.memory_space<hbm>>
      %dma_start3A_88 = tpu.memref_slice %arg3[%add3A_10] : memref<32768xi32, #tpu.memory_space<hbm>> -> memref<256xi32, #tpu.memory_space<hbm>>
      tpu.enqueue_dma source(%dma_start3A_88 : memref<256xi32, #tpu.memory_space<hbm>>) target(%arg6 : memref<256xi32, #tpu.memory_space<vmem>>) target_semaphore(%run_scoped3A : memref<!tpu.dma_semaphore, #tpu.memory_space<semaphore_mem>>)
      %dma_wait3A_89 = tpu.memref_slice %arg3[%add3A_10] : memref<32768xi32, #tpu.memory_space<hbm>> -> memref<256xi32, #tpu.memory_space<hbm>>
      %dma_wait3A_90 = tpu.memref_slice %arg3[%add3A_10] : memref<32768xi32, #tpu.memory_space<hbm>> -> memref<256xi32, #tpu.memory_space<hbm>>
      tpu.wait_dma2 semaphore(%run_scoped3A : memref<!tpu.dma_semaphore, #tpu.memory_space<semaphore_mem>>) src(%dma_wait3A_90 : memref<256xi32, #tpu.memory_space<hbm>>) dst(%arg6 : memref<256xi32, #tpu.memory_space<vmem>>)
      tpu.yield
    }) : () -> ()
    %dma_start3A_11 = arith.constant 0 : i32
    %dma_start3A_12 = arith.constant 0 : i32
    %dma_start3A_13 = tpu.memref_slice %arg2[%dma_start3A_11, %dma_start3A_12] : memref<8192x128xf32, #tpu.memory_space<hbm>> -> memref<8192x128xf32, #tpu.memory_space<hbm>>
    tpu.enqueue_indirect_dma source(%dma_start3A_13 : memref<8192x128xf32, #tpu.memory_space<hbm>>) target(%arg8 : memref<256x128xf32, #tpu.memory_space<vmem>>) offsets(%arg6 : memref<256xi32, #tpu.memory_space<vmem>>) semaphore(%arg10 : memref<!tpu.dma_semaphore, #tpu.memory_space<semaphore_mem>>)
    %dma_wait3A = arith.constant 0 : i32
    %dma_wait3A_14 = arith.constant 0 : i32
    %dma_wait3A_15 = tpu.memref_slice %arg2[%dma_wait3A, %dma_wait3A_14] : memref<8192x128xf32, #tpu.memory_space<hbm>> -> memref<8192x128xf32, #tpu.memory_space<hbm>>
    tpu.wait_indirect_dma semaphore(%arg9 : memref<!tpu.dma_semaphore, #tpu.memory_space<semaphore_mem>>) src(%dma_wait3A_15 : memref<8192x128xf32, #tpu.memory_space<hbm>>) dst(%arg7 : memref<256x128xf32, #tpu.memory_space<vmem>>)
    %mul3A_16 = arith.constant 1024 : i32
    %mul3A_17 = arith.muli %add3A, %mul3A_16 : i32
    %add3A_18 = arith.constant 0 : i32
    %add3A_19 = arith.addi %mul3A_17, %add3A_18 : i32
    %dma_start3A_20 = arith.constant 0 : i32
    %dma_start3A_21 = tpu.memref_slice %arg4[%add3A_19, %dma_start3A_20] : memref<32768x128xf32, #tpu.memory_space<hbm>> -> memref<256x128xf32, #tpu.memory_space<hbm>>
    %dma_start3A_22 = arith.constant 0 : i32
    %dma_start3A_23 = tpu.memref_slice %arg4[%add3A_19, %dma_start3A_22] : memref<32768x128xf32, #tpu.memory_space<hbm>> -> memref<256x128xf32, #tpu.memory_space<hbm>>
    tpu.enqueue_dma source(%arg7 : memref<256x128xf32, #tpu.memory_space<vmem>>) target(%dma_start3A_23 : memref<256x128xf32, #tpu.memory_space<hbm>>) target_semaphore(%arg11 : memref<!tpu.dma_semaphore, #tpu.memory_space<semaphore_mem>>)
    %mul3A_24 = arith.constant 1024 : i32
    %mul3A_25 = arith.muli %add3A, %mul3A_24 : i32
    %add3A_26 = arith.constant 512 : i32
    %add3A_27 = arith.addi %mul3A_25, %add3A_26 : i32
    "tpu.region"() ({
      %run_scoped3A = tpu.sem_alloc : memref<!tpu.dma_semaphore, #tpu.memory_space<semaphore_mem>>
      %dma_start3A_87 = tpu.memref_slice %arg3[%add3A_27] : memref<32768xi32, #tpu.memory_space<hbm>> -> memref<256xi32, #tpu.memory_space<hbm>>
      %dma_start3A_88 = tpu.memref_slice %arg3[%add3A_27] : memref<32768xi32, #tpu.memory_space<hbm>> -> memref<256xi32, #tpu.memory_space<hbm>>
      tpu.enqueue_dma source(%dma_start3A_88 : memref<256xi32, #tpu.memory_space<hbm>>) target(%arg5 : memref<256xi32, #tpu.memory_space<vmem>>) target_semaphore(%run_scoped3A : memref<!tpu.dma_semaphore, #tpu.memory_space<semaphore_mem>>)
      %dma_wait3A_89 = tpu.memref_slice %arg3[%add3A_27] : memref<32768xi32, #tpu.memory_space<hbm>> -> memref<256xi32, #tpu.memory_space<hbm>>
      %dma_wait3A_90 = tpu.memref_slice %arg3[%add3A_27] : memref<32768xi32, #tpu.memory_space<hbm>> -> memref<256xi32, #tpu.memory_space<hbm>>
      tpu.wait_dma2 semaphore(%run_scoped3A : memref<!tpu.dma_semaphore, #tpu.memory_space<semaphore_mem>>) src(%dma_wait3A_90 : memref<256xi32, #tpu.memory_space<hbm>>) dst(%arg5 : memref<256xi32, #tpu.memory_space<vmem>>)
      tpu.yield
    }) : () -> ()
    %dma_wait3A_28 = arith.constant 0 : i32
    %dma_wait3A_29 = tpu.memref_slice %arg4[%add3A_19, %dma_wait3A_28] : memref<32768x128xf32, #tpu.memory_space<hbm>> -> memref<256x128xf32, #tpu.memory_space<hbm>>
    %dma_wait3A_30 = arith.constant 0 : i32
    %dma_wait3A_31 = tpu.memref_slice %arg4[%add3A_19, %dma_wait3A_30] : memref<32768x128xf32, #tpu.memory_space<hbm>> -> memref<256x128xf32, #tpu.memory_space<hbm>>
    tpu.wait_dma2 semaphore(%arg11 : memref<!tpu.dma_semaphore, #tpu.memory_space<semaphore_mem>>) src(%arg7 : memref<256x128xf32, #tpu.memory_space<vmem>>) dst(%dma_wait3A_31 : memref<256x128xf32, #tpu.memory_space<hbm>>)
    %dma_start3A_32 = arith.constant 0 : i32
    %dma_start3A_33 = arith.constant 0 : i32
    %dma_start3A_34 = tpu.memref_slice %arg2[%dma_start3A_32, %dma_start3A_33] : memref<8192x128xf32, #tpu.memory_space<hbm>> -> memref<8192x128xf32, #tpu.memory_space<hbm>>
    tpu.enqueue_indirect_dma source(%dma_start3A_34 : memref<8192x128xf32, #tpu.memory_space<hbm>>) target(%arg7 : memref<256x128xf32, #tpu.memory_space<vmem>>) offsets(%arg5 : memref<256xi32, #tpu.memory_space<vmem>>) semaphore(%arg9 : memref<!tpu.dma_semaphore, #tpu.memory_space<semaphore_mem>>)
    %dma_wait3A_35 = arith.constant 0 : i32
    %dma_wait3A_36 = arith.constant 0 : i32
    %dma_wait3A_37 = tpu.memref_slice %arg2[%dma_wait3A_35, %dma_wait3A_36] : memref<8192x128xf32, #tpu.memory_space<hbm>> -> memref<8192x128xf32, #tpu.memory_space<hbm>>
    tpu.wait_indirect_dma semaphore(%arg10 : memref<!tpu.dma_semaphore, #tpu.memory_space<semaphore_mem>>) src(%dma_wait3A_37 : memref<8192x128xf32, #tpu.memory_space<hbm>>) dst(%arg8 : memref<256x128xf32, #tpu.memory_space<vmem>>)
    %mul3A_38 = arith.constant 1024 : i32
    %mul3A_39 = arith.muli %add3A, %mul3A_38 : i32
    %add3A_40 = arith.constant 256 : i32
    %add3A_41 = arith.addi %mul3A_39, %add3A_40 : i32
    %dma_start3A_42 = arith.constant 0 : i32
    %dma_start3A_43 = tpu.memref_slice %arg4[%add3A_41, %dma_start3A_42] : memref<32768x128xf32, #tpu.memory_space<hbm>> -> memref<256x128xf32, #tpu.memory_space<hbm>>
    %dma_start3A_44 = arith.constant 0 : i32
    %dma_start3A_45 = tpu.memref_slice %arg4[%add3A_41, %dma_start3A_44] : memref<32768x128xf32, #tpu.memory_space<hbm>> -> memref<256x128xf32, #tpu.memory_space<hbm>>
    tpu.enqueue_dma source(%arg8 : memref<256x128xf32, #tpu.memory_space<vmem>>) target(%dma_start3A_45 : memref<256x128xf32, #tpu.memory_space<hbm>>) target_semaphore(%arg12 : memref<!tpu.dma_semaphore, #tpu.memory_space<semaphore_mem>>)
    %mul3A_46 = arith.constant 1024 : i32
    %mul3A_47 = arith.muli %add3A, %mul3A_46 : i32
    %add3A_48 = arith.constant 768 : i32
    %add3A_49 = arith.addi %mul3A_47, %add3A_48 : i32
    "tpu.region"() ({
      %run_scoped3A = tpu.sem_alloc : memref<!tpu.dma_semaphore, #tpu.memory_space<semaphore_mem>>
      %dma_start3A_87 = tpu.memref_slice %arg3[%add3A_49] : memref<32768xi32, #tpu.memory_space<hbm>> -> memref<256xi32, #tpu.memory_space<hbm>>
      %dma_start3A_88 = tpu.memref_slice %arg3[%add3A_49] : memref<32768xi32, #tpu.memory_space<hbm>> -> memref<256xi32, #tpu.memory_space<hbm>>
      tpu.enqueue_dma source(%dma_start3A_88 : memref<256xi32, #tpu.memory_space<hbm>>) target(%arg6 : memref<256xi32, #tpu.memory_space<vmem>>) target_semaphore(%run_scoped3A : memref<!tpu.dma_semaphore, #tpu.memory_space<semaphore_mem>>)
      %dma_wait3A_89 = tpu.memref_slice %arg3[%add3A_49] : memref<32768xi32, #tpu.memory_space<hbm>> -> memref<256xi32, #tpu.memory_space<hbm>>
      %dma_wait3A_90 = tpu.memref_slice %arg3[%add3A_49] : memref<32768xi32, #tpu.memory_space<hbm>> -> memref<256xi32, #tpu.memory_space<hbm>>
      tpu.wait_dma2 semaphore(%run_scoped3A : memref<!tpu.dma_semaphore, #tpu.memory_space<semaphore_mem>>) src(%dma_wait3A_90 : memref<256xi32, #tpu.memory_space<hbm>>) dst(%arg6 : memref<256xi32, #tpu.memory_space<vmem>>)
      tpu.yield
    }) : () -> ()
    %dma_wait3A_50 = arith.constant 0 : i32
    %dma_wait3A_51 = tpu.memref_slice %arg4[%add3A_41, %dma_wait3A_50] : memref<32768x128xf32, #tpu.memory_space<hbm>> -> memref<256x128xf32, #tpu.memory_space<hbm>>
    %dma_wait3A_52 = arith.constant 0 : i32
    %dma_wait3A_53 = tpu.memref_slice %arg4[%add3A_41, %dma_wait3A_52] : memref<32768x128xf32, #tpu.memory_space<hbm>> -> memref<256x128xf32, #tpu.memory_space<hbm>>
    tpu.wait_dma2 semaphore(%arg12 : memref<!tpu.dma_semaphore, #tpu.memory_space<semaphore_mem>>) src(%arg8 : memref<256x128xf32, #tpu.memory_space<vmem>>) dst(%dma_wait3A_53 : memref<256x128xf32, #tpu.memory_space<hbm>>)
    %dma_start3A_54 = arith.constant 0 : i32
    %dma_start3A_55 = arith.constant 0 : i32
    %dma_start3A_56 = tpu.memref_slice %arg2[%dma_start3A_54, %dma_start3A_55] : memref<8192x128xf32, #tpu.memory_space<hbm>> -> memref<8192x128xf32, #tpu.memory_space<hbm>>
    tpu.enqueue_indirect_dma source(%dma_start3A_56 : memref<8192x128xf32, #tpu.memory_space<hbm>>) target(%arg8 : memref<256x128xf32, #tpu.memory_space<vmem>>) offsets(%arg6 : memref<256xi32, #tpu.memory_space<vmem>>) semaphore(%arg10 : memref<!tpu.dma_semaphore, #tpu.memory_space<semaphore_mem>>)
    %dma_wait3A_57 = arith.constant 0 : i32
    %dma_wait3A_58 = arith.constant 0 : i32
    %dma_wait3A_59 = tpu.memref_slice %arg2[%dma_wait3A_57, %dma_wait3A_58] : memref<8192x128xf32, #tpu.memory_space<hbm>> -> memref<8192x128xf32, #tpu.memory_space<hbm>>
    tpu.wait_indirect_dma semaphore(%arg9 : memref<!tpu.dma_semaphore, #tpu.memory_space<semaphore_mem>>) src(%dma_wait3A_59 : memref<8192x128xf32, #tpu.memory_space<hbm>>) dst(%arg7 : memref<256x128xf32, #tpu.memory_space<vmem>>)
    %mul3A_60 = arith.constant 1024 : i32
    %mul3A_61 = arith.muli %add3A, %mul3A_60 : i32
    %add3A_62 = arith.constant 512 : i32
    %add3A_63 = arith.addi %mul3A_61, %add3A_62 : i32
    %dma_start3A_64 = arith.constant 0 : i32
    %dma_start3A_65 = tpu.memref_slice %arg4[%add3A_63, %dma_start3A_64] : memref<32768x128xf32, #tpu.memory_space<hbm>> -> memref<256x128xf32, #tpu.memory_space<hbm>>
    %dma_start3A_66 = arith.constant 0 : i32
    %dma_start3A_67 = tpu.memref_slice %arg4[%add3A_63, %dma_start3A_66] : memref<32768x128xf32, #tpu.memory_space<hbm>> -> memref<256x128xf32, #tpu.memory_space<hbm>>
    tpu.enqueue_dma source(%arg7 : memref<256x128xf32, #tpu.memory_space<vmem>>) target(%dma_start3A_67 : memref<256x128xf32, #tpu.memory_space<hbm>>) target_semaphore(%arg11 : memref<!tpu.dma_semaphore, #tpu.memory_space<semaphore_mem>>)
    %dma_wait3A_68 = arith.constant 0 : i32
    %dma_wait3A_69 = arith.constant 0 : i32
    %dma_wait3A_70 = tpu.memref_slice %arg2[%dma_wait3A_68, %dma_wait3A_69] : memref<8192x128xf32, #tpu.memory_space<hbm>> -> memref<8192x128xf32, #tpu.memory_space<hbm>>
    tpu.wait_indirect_dma semaphore(%arg10 : memref<!tpu.dma_semaphore, #tpu.memory_space<semaphore_mem>>) src(%dma_wait3A_70 : memref<8192x128xf32, #tpu.memory_space<hbm>>) dst(%arg8 : memref<256x128xf32, #tpu.memory_space<vmem>>)
    %mul3A_71 = arith.constant 1024 : i32
    %mul3A_72 = arith.muli %add3A, %mul3A_71 : i32
    %add3A_73 = arith.constant 768 : i32
    %add3A_74 = arith.addi %mul3A_72, %add3A_73 : i32
    %dma_start3A_75 = arith.constant 0 : i32
    %dma_start3A_76 = tpu.memref_slice %arg4[%add3A_74, %dma_start3A_75] : memref<32768x128xf32, #tpu.memory_space<hbm>> -> memref<256x128xf32, #tpu.memory_space<hbm>>
    %dma_start3A_77 = arith.constant 0 : i32
    %dma_start3A_78 = tpu.memref_slice %arg4[%add3A_74, %dma_start3A_77] : memref<32768x128xf32, #tpu.memory_space<hbm>> -> memref<256x128xf32, #tpu.memory_space<hbm>>
    tpu.enqueue_dma source(%arg8 : memref<256x128xf32, #tpu.memory_space<vmem>>) target(%dma_start3A_78 : memref<256x128xf32, #tpu.memory_space<hbm>>) target_semaphore(%arg12 : memref<!tpu.dma_semaphore, #tpu.memory_space<semaphore_mem>>)
    %dma_wait3A_79 = arith.constant 0 : i32
    %dma_wait3A_80 = tpu.memref_slice %arg4[%add3A_63, %dma_wait3A_79] : memref<32768x128xf32, #tpu.memory_space<hbm>> -> memref<256x128xf32, #tpu.memory_space<hbm>>
    %dma_wait3A_81 = arith.constant 0 : i32
    %dma_wait3A_82 = tpu.memref_slice %arg4[%add3A_63, %dma_wait3A_81] : memref<32768x128xf32, #tpu.memory_space<hbm>> -> memref<256x128xf32, #tpu.memory_space<hbm>>
    tpu.wait_dma2 semaphore(%arg11 : memref<!tpu.dma_semaphore, #tpu.memory_space<semaphore_mem>>) src(%arg7 : memref<256x128xf32, #tpu.memory_space<vmem>>) dst(%dma_wait3A_82 : memref<256x128xf32, #tpu.memory_space<hbm>>)
    %dma_wait3A_83 = arith.constant 0 : i32
    %dma_wait3A_84 = tpu.memref_slice %arg4[%add3A_74, %dma_wait3A_83] : memref<32768x128xf32, #tpu.memory_space<hbm>> -> memref<256x128xf32, #tpu.memory_space<hbm>>
    %dma_wait3A_85 = arith.constant 0 : i32
    %dma_wait3A_86 = tpu.memref_slice %arg4[%add3A_74, %dma_wait3A_85] : memref<32768x128xf32, #tpu.memory_space<hbm>> -> memref<256x128xf32, #tpu.memory_space<hbm>>
    tpu.wait_dma2 semaphore(%arg12 : memref<!tpu.dma_semaphore, #tpu.memory_space<semaphore_mem>>) src(%arg8 : memref<256x128xf32, #tpu.memory_space<vmem>>) dst(%dma_wait3A_86 : memref<256x128xf32, #tpu.memory_space<hbm>>)
    return
  }
}

module attributes {stable_mosaic.version = 14 : i64} {
  func.func @_enc_topk_body(%arg0: i32, %arg1: memref<8192x64xf32, #tpu.memory_space<vmem>>, %arg2: memref<64x128xf32, #tpu.memory_space<vmem>>, %arg3: memref<1x128xf32, #tpu.memory_space<vmem>>, %arg4: memref<128x128xf32, #tpu.memory_space<vmem>>, %arg5: memref<1x128xf32, #tpu.memory_space<vmem>>, %arg6: memref<1024x128xf32, #tpu.memory_space<vmem>>, %arg7: memref<1024x4xi32, #tpu.memory_space<vmem>>, %arg8: memref<8192x128xf32, #tpu.memory_space<vmem>>, %arg9: memref<1x8192xf32, #tpu.memory_space<vmem>>, %arg10: memref<1024x8192xf32, #tpu.memory_space<vmem>>) attributes {dimension_semantics = [#tpu.dimension_semantics<arbitrary>], iteration_bounds = array<i64: 8>, scalar_prefetch = 0 : i64, scratch_operands = 3 : i64, tpu.core_type = #tpu.core_type<tc>, window_params = [{pipeline_mode = #tpu.pipeline_mode<synchronous>, transform_indices = @transform_0, window_bounds = array<i64: 8192, 64>}, {pipeline_mode = #tpu.pipeline_mode<synchronous>, transform_indices = @transform_1, window_bounds = array<i64: 64, 128>}, {pipeline_mode = #tpu.pipeline_mode<synchronous>, transform_indices = @transform_2, window_bounds = array<i64: 1, 128>}, {pipeline_mode = #tpu.pipeline_mode<synchronous>, transform_indices = @transform_3, window_bounds = array<i64: 128, 128>}, {pipeline_mode = #tpu.pipeline_mode<synchronous>, transform_indices = @transform_4, window_bounds = array<i64: 1, 128>}, {transform_indices = @transform_5, window_bounds = array<i64: 1024, 128>}, {transform_indices = @transform_6, window_bounds = array<i64: 1024, 4>}]} {
    %eq3A = arith.constant 0 : i32
    %eq3A_0 = arith.cmpi eq, %arg0, %eq3A : i32
    %convert_element_type3A = arith.extui %eq3A_0 : i1 to i32
    %cond3A = arith.constant 0 : i32
    %cond3A_1 = arith.cmpi ne, %convert_element_type3A, %cond3A : i32
    scf.if %cond3A_1 {
      %get3A_1947 = arith.constant 0 : index
      %get3A_1948 = arith.constant 0 : index
      %get3A_1949 = vector.load %arg1[%get3A_1947, %get3A_1948] : memref<8192x64xf32, #tpu.memory_space<vmem>>, vector<8192x64xf32>
      %get3A_1950 = arith.constant 0 : index
      %get3A_1951 = arith.constant 0 : index
      %get3A_1952 = vector.load %arg2[%get3A_1950, %get3A_1951] : memref<64x128xf32, #tpu.memory_space<vmem>>, vector<64x128xf32>
      %dot_general3A_1953 = arith.constant dense<0.000000e+00> : vector<8192x128xf32>
      %dot_general3A_1954 = tpu.matmul %get3A_1949, %get3A_1952, %dot_general3A_1953 {dimension_numbers = #tpu.dot_dimension_numbers<[1], [0], [0], [1], [0, 0, 1, 1], [], []>, transpose_lhs_hint = false} : vector<8192x64xf32>, vector<64x128xf32>, vector<8192x128xf32> -> vector<8192x128xf32>
      %get3A_1955 = arith.constant 0 : index
      %get3A_1956 = arith.constant 0 : index
      %get3A_1957 = vector.load %arg3[%get3A_1955, %get3A_1956] : memref<1x128xf32, #tpu.memory_space<vmem>>, vector<1x128xf32>
      %add3A_1958 = vector.broadcast %get3A_1957 : vector<1x128xf32> to vector<8192x128xf32>
      %add3A_1959 = arith.addf %dot_general3A_1954, %add3A_1958 : vector<8192x128xf32>
      %max3A = arith.constant 0.000000e+00 : f32
      %max3A_1960 = vector.broadcast %max3A : f32 to vector<8192x128xf32>
      %max3A_1961 = arith.maximumf %add3A_1959, %max3A_1960 : vector<8192x128xf32>
      %get3A_1962 = arith.constant 0 : index
      %get3A_1963 = arith.constant 0 : index
      %get3A_1964 = vector.load %arg4[%get3A_1962, %get3A_1963] : memref<128x128xf32, #tpu.memory_space<vmem>>, vector<128x128xf32>
      %dot_general3A_1965 = arith.constant dense<0.000000e+00> : vector<8192x128xf32>
      %dot_general3A_1966 = tpu.matmul %max3A_1961, %get3A_1964, %dot_general3A_1965 {dimension_numbers = #tpu.dot_dimension_numbers<[1], [0], [0], [1], [0, 0, 1, 1], [], []>, transpose_lhs_hint = false} : vector<8192x128xf32>, vector<128x128xf32>, vector<8192x128xf32> -> vector<8192x128xf32>
      %get3A_1967 = arith.constant 0 : index
      %get3A_1968 = arith.constant 0 : index
      %get3A_1969 = vector.load %arg5[%get3A_1967, %get3A_1968] : memref<1x128xf32, #tpu.memory_space<vmem>>, vector<1x128xf32>
      %add3A_1970 = vector.broadcast %get3A_1969 : vector<1x128xf32> to vector<8192x128xf32>
      %add3A_1971 = arith.addf %dot_general3A_1966, %add3A_1970 : vector<8192x128xf32>
      %swap3A_1972 = arith.constant 0 : index
      %swap3A_1973 = arith.constant 0 : index
      %swap3A_1974 = vector.load %arg8[%swap3A_1972, %swap3A_1973] : memref<8192x128xf32, #tpu.memory_space<vmem>>, vector<8192x128xf32>
      tpu.vector_store %arg8[%swap3A_1972, %swap3A_1973], %add3A_1971 {strides = array<i32>} : memref<8192x128xf32, #tpu.memory_space<vmem>>, vector<8192x128xf32>,
      %mul3A_1975 = arith.mulf %add3A_1971, %add3A_1971 : vector<8192x128xf32>
      %reduce_sum3A = arith.constant dense<0.000000e+00> : vector<8192xf32>
      %reduce_sum3A_1976 = vector.multi_reduction <add>, %mul3A_1975, %reduce_sum3A [1] : vector<8192x128xf32> to vector<8192xf32>
      %broadcast_in_dim3A_1977 = vector.shape_cast %reduce_sum3A_1976 : vector<8192xf32> to vector<8192x1xf32>
      %transpose3A = tpu.transpose %broadcast_in_dim3A_1977, [1, 0] : vector<8192x1xf32> -> vector<1x8192xf32>
      %swap3A_1978 = arith.constant 0 : index
      %swap3A_1979 = arith.constant 0 : index
      %swap3A_1980 = vector.load %arg9[%swap3A_1978, %swap3A_1979] : memref<1x8192xf32, #tpu.memory_space<vmem>>, vector<1x8192xf32>
      tpu.vector_store %arg9[%swap3A_1978, %swap3A_1979], %transpose3A {strides = array<i32>} : memref<1x8192xf32, #tpu.memory_space<vmem>>, vector<1x8192xf32>,
    } else {
    }
    %mul3A = arith.constant 1024 : i32
    %mul3A_2 = arith.muli %arg0, %mul3A : i32
    %get3A = arith.index_cast %mul3A_2 : i32 to index
    %get3A_3 = arith.constant 0 : index
    %get3A_4 = vector.load %arg8[%get3A, %get3A_3] : memref<8192x128xf32, #tpu.memory_space<vmem>>, vector<1024x128xf32>
    %swap3A = arith.constant 0 : index
    %swap3A_5 = arith.constant 0 : index
    %swap3A_6 = vector.load %arg6[%swap3A, %swap3A_5] : memref<1024x128xf32, #tpu.memory_space<vmem>>, vector<1024x128xf32>
    tpu.vector_store %arg6[%swap3A, %swap3A_5], %get3A_4 {strides = array<i32>} : memref<1024x128xf32, #tpu.memory_space<vmem>>, vector<1024x128xf32>,
    %mul3A_7 = arith.constant -2.000000e+00 : f32
    %mul3A_8 = vector.broadcast %mul3A_7 : f32 to vector<1024x128xf32>
    %mul3A_9 = arith.mulf %get3A_4, %mul3A_8 : vector<1024x128xf32>
    %get3A_10 = arith.constant 0 : index
    %get3A_11 = arith.constant 0 : index
    %get3A_12 = vector.load %arg8[%get3A_10, %get3A_11] : memref<8192x128xf32, #tpu.memory_space<vmem>>, vector<8192x128xf32>
    %dot_general3A = arith.constant dense<0.000000e+00> : vector<1024x8192xf32>
    %dot_general3A_13 = tpu.matmul %mul3A_9, %get3A_12, %dot_general3A {dimension_numbers = #tpu.dot_dimension_numbers<[1], [1], [0], [0], [0, 0, 1, 0], [], []>, transpose_lhs_hint = false} : vector<1024x128xf32>, vector<8192x128xf32>, vector<1024x8192xf32> -> vector<1024x8192xf32>
    %swap3A_14 = arith.constant 0 : index
    %swap3A_15 = arith.constant 0 : index
    %swap3A_16 = vector.load %arg10[%swap3A_14, %swap3A_15] : memref<1024x8192xf32, #tpu.memory_space<vmem>>, vector<1024x8192xf32>
    tpu.vector_store %arg10[%swap3A_14, %swap3A_15], %dot_general3A_13 {strides = array<i32>} : memref<1024x8192xf32, #tpu.memory_space<vmem>>, vector<1024x8192xf32>,
    %iota3A = tpu.iota {dimensions = array<i32: 1>} : vector<1024x128xi32>
    %broadcast_in_dim3A = arith.constant 0x7F800000 : f32
    %broadcast_in_dim3A_17 = vector.broadcast %broadcast_in_dim3A : f32 to vector<1024x128xf32>
    %broadcast_in_dim3A_18 = arith.constant 0x7F800000 : f32
    %broadcast_in_dim3A_19 = vector.broadcast %broadcast_in_dim3A_18 : f32 to vector<1024x128xf32>
    %broadcast_in_dim3A_20 = arith.constant 0x7F800000 : f32
    %broadcast_in_dim3A_21 = vector.broadcast %broadcast_in_dim3A_20 : f32 to vector<1024x128xf32>
    %broadcast_in_dim3A_22 = arith.constant 0x7F800000 : f32
    %broadcast_in_dim3A_23 = vector.broadcast %broadcast_in_dim3A_22 : f32 to vector<1024x128xf32>
    %broadcast_in_dim3A_24 = arith.constant 0 : i32
    %broadcast_in_dim3A_25 = vector.broadcast %broadcast_in_dim3A_24 : i32 to vector<1024x128xi32>
    %broadcast_in_dim3A_26 = arith.constant 0 : i32
    %broadcast_in_dim3A_27 = vector.broadcast %broadcast_in_dim3A_26 : i32 to vector<1024x128xi32>
    %broadcast_in_dim3A_28 = arith.constant 0 : i32
    %broadcast_in_dim3A_29 = vector.broadcast %broadcast_in_dim3A_28 : i32 to vector<1024x128xi32>
    %broadcast_in_dim3A_30 = arith.constant 0 : i32
    %broadcast_in_dim3A_31 = vector.broadcast %broadcast_in_dim3A_30 : i32 to vector<1024x128xi32>
    %get3A_32 = arith.constant 0 : index
    %get3A_33 = arith.constant 0 : index
    %get3A_34 = vector.load %arg10[%get3A_32, %get3A_33] : memref<1024x8192xf32, #tpu.memory_space<vmem>>, vector<1024x128xf32>
    %get3A_35 = arith.constant 0 : index
    %get3A_36 = arith.constant 0 : index
    %get3A_37 = vector.load %arg9[%get3A_35, %get3A_36] : memref<1x8192xf32, #tpu.memory_space<vmem>>, vector<1x128xf32>
    %add3A = vector.broadcast %get3A_37 : vector<1x128xf32> to vector<1024x128xf32>
    %add3A_38 = arith.addf %get3A_34, %add3A : vector<1024x128xf32>
    %add3A_39 = arith.constant 0 : i32
    %add3A_40 = vector.broadcast %add3A_39 : i32 to vector<1024x128xi32>
    %add3A_41 = arith.addi %iota3A, %add3A_40 : vector<1024x128xi32>
    %lt3A = arith.cmpf olt, %add3A_38, %broadcast_in_dim3A_17 : vector<1024x128xf32>
    %select_n3A = arith.select %lt3A, %add3A_38, %broadcast_in_dim3A_17 : vector<1024x128xi1>, vector<1024x128xf32>
    %select_n3A_42 = arith.select %lt3A, %broadcast_in_dim3A_17, %add3A_38 : vector<1024x128xi1>, vector<1024x128xf32>
    %select_n3A_43 = arith.select %lt3A, %add3A_41, %broadcast_in_dim3A_25 : vector<1024x128xi1>, vector<1024x128xi32>
    %select_n3A_44 = arith.select %lt3A, %broadcast_in_dim3A_25, %add3A_41 : vector<1024x128xi1>, vector<1024x128xi32>
    %lt3A_45 = arith.cmpf olt, %select_n3A_42, %broadcast_in_dim3A_19 : vector<1024x128xf32>
    %select_n3A_46 = arith.select %lt3A_45, %select_n3A_42, %broadcast_in_dim3A_19 : vector<1024x128xi1>, vector<1024x128xf32>
    %select_n3A_47 = arith.select %lt3A_45, %broadcast_in_dim3A_19, %select_n3A_42 : vector<1024x128xi1>, vector<1024x128xf32>
    %select_n3A_48 = arith.select %lt3A_45, %select_n3A_44, %broadcast_in_dim3A_27 : vector<1024x128xi1>, vector<1024x128xi32>
    %select_n3A_49 = arith.select %lt3A_45, %broadcast_in_dim3A_27, %select_n3A_44 : vector<1024x128xi1>, vector<1024x128xi32>
    %lt3A_50 = arith.cmpf olt, %select_n3A_47, %broadcast_in_dim3A_21 : vector<1024x128xf32>
    %select_n3A_51 = arith.select %lt3A_50, %select_n3A_47, %broadcast_in_dim3A_21 : vector<1024x128xi1>, vector<1024x128xf32>
    %select_n3A_52 = arith.select %lt3A_50, %broadcast_in_dim3A_21, %select_n3A_47 : vector<1024x128xi1>, vector<1024x128xf32>
    %select_n3A_53 = arith.select %lt3A_50, %select_n3A_49, %broadcast_in_dim3A_29 : vector<1024x128xi1>, vector<1024x128xi32>
    %select_n3A_54 = arith.select %lt3A_50, %broadcast_in_dim3A_29, %select_n3A_49 : vector<1024x128xi1>, vector<1024x128xi32>
    %lt3A_55 = arith.cmpf olt, %select_n3A_52, %broadcast_in_dim3A_23 : vector<1024x128xf32>
    %select_n3A_56 = arith.select %lt3A_55, %select_n3A_52, %broadcast_in_dim3A_23 : vector<1024x128xi1>, vector<1024x128xf32>
    %select_n3A_57 = arith.select %lt3A_55, %select_n3A_54, %broadcast_in_dim3A_31 : vector<1024x128xi1>, vector<1024x128xi32>
    %get3A_58 = arith.constant 0 : index
    %get3A_59 = arith.constant 128 : index
    %get3A_60 = vector.load %arg10[%get3A_58, %get3A_59] : memref<1024x8192xf32, #tpu.memory_space<vmem>>, vector<1024x128xf32>
    %get3A_61 = arith.constant 0 : index
    %get3A_62 = arith.constant 128 : index
    %get3A_63 = vector.load %arg9[%get3A_61, %get3A_62] : memref<1x8192xf32, #tpu.memory_space<vmem>>, vector<1x128xf32>
    %add3A_64 = vector.broadcast %get3A_63 : vector<1x128xf32> to vector<1024x128xf32>
    %add3A_65 = arith.addf %get3A_60, %add3A_64 : vector<1024x128xf32>
    %add3A_66 = arith.constant 128 : i32
    %add3A_67 = vector.broadcast %add3A_66 : i32 to vector<1024x128xi32>
    %add3A_68 = arith.addi %iota3A, %add3A_67 : vector<1024x128xi32>
    %lt3A_69 = arith.cmpf olt, %add3A_65, %select_n3A : vector<1024x128xf32>
    %select_n3A_70 = arith.select %lt3A_69, %add3A_65, %select_n3A : vector<1024x128xi1>, vector<1024x128xf32>
    %select_n3A_71 = arith.select %lt3A_69, %select_n3A, %add3A_65 : vector<1024x128xi1>, vector<1024x128xf32>
    %select_n3A_72 = arith.select %lt3A_69, %add3A_68, %select_n3A_43 : vector<1024x128xi1>, vector<1024x128xi32>
    %select_n3A_73 = arith.select %lt3A_69, %select_n3A_43, %add3A_68 : vector<1024x128xi1>, vector<1024x128xi32>
    %lt3A_74 = arith.cmpf olt, %select_n3A_71, %select_n3A_46 : vector<1024x128xf32>
    %select_n3A_75 = arith.select %lt3A_74, %select_n3A_71, %select_n3A_46 : vector<1024x128xi1>, vector<1024x128xf32>
    %select_n3A_76 = arith.select %lt3A_74, %select_n3A_46, %select_n3A_71 : vector<1024x128xi1>, vector<1024x128xf32>
    %select_n3A_77 = arith.select %lt3A_74, %select_n3A_73, %select_n3A_48 : vector<1024x128xi1>, vector<1024x128xi32>
    %select_n3A_78 = arith.select %lt3A_74, %select_n3A_48, %select_n3A_73 : vector<1024x128xi1>, vector<1024x128xi32>
    %lt3A_79 = arith.cmpf olt, %select_n3A_76, %select_n3A_51 : vector<1024x128xf32>
    %select_n3A_80 = arith.select %lt3A_79, %select_n3A_76, %select_n3A_51 : vector<1024x128xi1>, vector<1024x128xf32>
    %select_n3A_81 = arith.select %lt3A_79, %select_n3A_51, %select_n3A_76 : vector<1024x128xi1>, vector<1024x128xf32>
    %select_n3A_82 = arith.select %lt3A_79, %select_n3A_78, %select_n3A_53 : vector<1024x128xi1>, vector<1024x128xi32>
    %select_n3A_83 = arith.select %lt3A_79, %select_n3A_53, %select_n3A_78 : vector<1024x128xi1>, vector<1024x128xi32>
    %lt3A_84 = arith.cmpf olt, %select_n3A_81, %select_n3A_56 : vector<1024x128xf32>
    %select_n3A_85 = arith.select %lt3A_84, %select_n3A_81, %select_n3A_56 : vector<1024x128xi1>, vector<1024x128xf32>
    %select_n3A_86 = arith.select %lt3A_84, %select_n3A_83, %select_n3A_57 : vector<1024x128xi1>, vector<1024x128xi32>
    %get3A_87 = arith.constant 0 : index
    %get3A_88 = arith.constant 256 : index
    %get3A_89 = vector.load %arg10[%get3A_87, %get3A_88] : memref<1024x8192xf32, #tpu.memory_space<vmem>>, vector<1024x128xf32>
    %get3A_90 = arith.constant 0 : index
    %get3A_91 = arith.constant 256 : index
    %get3A_92 = vector.load %arg9[%get3A_90, %get3A_91] : memref<1x8192xf32, #tpu.memory_space<vmem>>, vector<1x128xf32>
    %add3A_93 = vector.broadcast %get3A_92 : vector<1x128xf32> to vector<1024x128xf32>
    %add3A_94 = arith.addf %get3A_89, %add3A_93 : vector<1024x128xf32>
    %add3A_95 = arith.constant 256 : i32
    %add3A_96 = vector.broadcast %add3A_95 : i32 to vector<1024x128xi32>
    %add3A_97 = arith.addi %iota3A, %add3A_96 : vector<1024x128xi32>
    %lt3A_98 = arith.cmpf olt, %add3A_94, %select_n3A_70 : vector<1024x128xf32>
    %select_n3A_99 = arith.select %lt3A_98, %add3A_94, %select_n3A_70 : vector<1024x128xi1>, vector<1024x128xf32>
    %select_n3A_100 = arith.select %lt3A_98, %select_n3A_70, %add3A_94 : vector<1024x128xi1>, vector<1024x128xf32>
    %select_n3A_101 = arith.select %lt3A_98, %add3A_97, %select_n3A_72 : vector<1024x128xi1>, vector<1024x128xi32>
    %select_n3A_102 = arith.select %lt3A_98, %select_n3A_72, %add3A_97 : vector<1024x128xi1>, vector<1024x128xi32>
    %lt3A_103 = arith.cmpf olt, %select_n3A_100, %select_n3A_75 : vector<1024x128xf32>
    %select_n3A_104 = arith.select %lt3A_103, %select_n3A_100, %select_n3A_75 : vector<1024x128xi1>, vector<1024x128xf32>
    %select_n3A_105 = arith.select %lt3A_103, %select_n3A_75, %select_n3A_100 : vector<1024x128xi1>, vector<1024x128xf32>
    %select_n3A_106 = arith.select %lt3A_103, %select_n3A_102, %select_n3A_77 : vector<1024x128xi1>, vector<1024x128xi32>
    %select_n3A_107 = arith.select %lt3A_103, %select_n3A_77, %select_n3A_102 : vector<1024x128xi1>, vector<1024x128xi32>
    %lt3A_108 = arith.cmpf olt, %select_n3A_105, %select_n3A_80 : vector<1024x128xf32>
    %select_n3A_109 = arith.select %lt3A_108, %select_n3A_105, %select_n3A_80 : vector<1024x128xi1>, vector<1024x128xf32>
    %select_n3A_110 = arith.select %lt3A_108, %select_n3A_80, %select_n3A_105 : vector<1024x128xi1>, vector<1024x128xf32>
    %select_n3A_111 = arith.select %lt3A_108, %select_n3A_107, %select_n3A_82 : vector<1024x128xi1>, vector<1024x128xi32>
    %select_n3A_112 = arith.select %lt3A_108, %select_n3A_82, %select_n3A_107 : vector<1024x128xi1>, vector<1024x128xi32>
    %lt3A_113 = arith.cmpf olt, %select_n3A_110, %select_n3A_85 : vector<1024x128xf32>
    %select_n3A_114 = arith.select %lt3A_113, %select_n3A_110, %select_n3A_85 : vector<1024x128xi1>, vector<1024x128xf32>
    %select_n3A_115 = arith.select %lt3A_113, %select_n3A_112, %select_n3A_86 : vector<1024x128xi1>, vector<1024x128xi32>
    %get3A_116 = arith.constant 0 : index
    %get3A_117 = arith.constant 384 : index
    %get3A_118 = vector.load %arg10[%get3A_116, %get3A_117] : memref<1024x8192xf32, #tpu.memory_space<vmem>>, vector<1024x128xf32>
    %get3A_119 = arith.constant 0 : index
    %get3A_120 = arith.constant 384 : index
    %get3A_121 = vector.load %arg9[%get3A_119, %get3A_120] : memref<1x8192xf32, #tpu.memory_space<vmem>>, vector<1x128xf32>
    %add3A_122 = vector.broadcast %get3A_121 : vector<1x128xf32> to vector<1024x128xf32>
    %add3A_123 = arith.addf %get3A_118, %add3A_122 : vector<1024x128xf32>
    %add3A_124 = arith.constant 384 : i32
    %add3A_125 = vector.broadcast %add3A_124 : i32 to vector<1024x128xi32>
    %add3A_126 = arith.addi %iota3A, %add3A_125 : vector<1024x128xi32>
    %lt3A_127 = arith.cmpf olt, %add3A_123, %select_n3A_99 : vector<1024x128xf32>
    %select_n3A_128 = arith.select %lt3A_127, %add3A_123, %select_n3A_99 : vector<1024x128xi1>, vector<1024x128xf32>
    %select_n3A_129 = arith.select %lt3A_127, %select_n3A_99, %add3A_123 : vector<1024x128xi1>, vector<1024x128xf32>
    %select_n3A_130 = arith.select %lt3A_127, %add3A_126, %select_n3A_101 : vector<1024x128xi1>, vector<1024x128xi32>
    %select_n3A_131 = arith.select %lt3A_127, %select_n3A_101, %add3A_126 : vector<1024x128xi1>, vector<1024x128xi32>
    %lt3A_132 = arith.cmpf olt, %select_n3A_129, %select_n3A_104 : vector<1024x128xf32>
    %select_n3A_133 = arith.select %lt3A_132, %select_n3A_129, %select_n3A_104 : vector<1024x128xi1>, vector<1024x128xf32>
    %select_n3A_134 = arith.select %lt3A_132, %select_n3A_104, %select_n3A_129 : vector<1024x128xi1>, vector<1024x128xf32>
    %select_n3A_135 = arith.select %lt3A_132, %select_n3A_131, %select_n3A_106 : vector<1024x128xi1>, vector<1024x128xi32>
    %select_n3A_136 = arith.select %lt3A_132, %select_n3A_106, %select_n3A_131 : vector<1024x128xi1>, vector<1024x128xi32>
    %lt3A_137 = arith.cmpf olt, %select_n3A_134, %select_n3A_109 : vector<1024x128xf32>
    %select_n3A_138 = arith.select %lt3A_137, %select_n3A_134, %select_n3A_109 : vector<1024x128xi1>, vector<1024x128xf32>
    %select_n3A_139 = arith.select %lt3A_137, %select_n3A_109, %select_n3A_134 : vector<1024x128xi1>, vector<1024x128xf32>
    %select_n3A_140 = arith.select %lt3A_137, %select_n3A_136, %select_n3A_111 : vector<1024x128xi1>, vector<1024x128xi32>
    %select_n3A_141 = arith.select %lt3A_137, %select_n3A_111, %select_n3A_136 : vector<1024x128xi1>, vector<1024x128xi32>
    %lt3A_142 = arith.cmpf olt, %select_n3A_139, %select_n3A_114 : vector<1024x128xf32>
    %select_n3A_143 = arith.select %lt3A_142, %select_n3A_139, %select_n3A_114 : vector<1024x128xi1>, vector<1024x128xf32>
    %select_n3A_144 = arith.select %lt3A_142, %select_n3A_141, %select_n3A_115 : vector<1024x128xi1>, vector<1024x128xi32>
    %get3A_145 = arith.constant 0 : index
    %get3A_146 = arith.constant 512 : index
    %get3A_147 = vector.load %arg10[%get3A_145, %get3A_146] : memref<1024x8192xf32, #tpu.memory_space<vmem>>, vector<1024x128xf32>
    %get3A_148 = arith.constant 0 : index
    %get3A_149 = arith.constant 512 : index
    %get3A_150 = vector.load %arg9[%get3A_148, %get3A_149] : memref<1x8192xf32, #tpu.memory_space<vmem>>, vector<1x128xf32>
    %add3A_151 = vector.broadcast %get3A_150 : vector<1x128xf32> to vector<1024x128xf32>
    %add3A_152 = arith.addf %get3A_147, %add3A_151 : vector<1024x128xf32>
    %add3A_153 = arith.constant 512 : i32
    %add3A_154 = vector.broadcast %add3A_153 : i32 to vector<1024x128xi32>
    %add3A_155 = arith.addi %iota3A, %add3A_154 : vector<1024x128xi32>
    %lt3A_156 = arith.cmpf olt, %add3A_152, %select_n3A_128 : vector<1024x128xf32>
    %select_n3A_157 = arith.select %lt3A_156, %add3A_152, %select_n3A_128 : vector<1024x128xi1>, vector<1024x128xf32>
    %select_n3A_158 = arith.select %lt3A_156, %select_n3A_128, %add3A_152 : vector<1024x128xi1>, vector<1024x128xf32>
    %select_n3A_159 = arith.select %lt3A_156, %add3A_155, %select_n3A_130 : vector<1024x128xi1>, vector<1024x128xi32>
    %select_n3A_160 = arith.select %lt3A_156, %select_n3A_130, %add3A_155 : vector<1024x128xi1>, vector<1024x128xi32>
    %lt3A_161 = arith.cmpf olt, %select_n3A_158, %select_n3A_133 : vector<1024x128xf32>
    %select_n3A_162 = arith.select %lt3A_161, %select_n3A_158, %select_n3A_133 : vector<1024x128xi1>, vector<1024x128xf32>
    %select_n3A_163 = arith.select %lt3A_161, %select_n3A_133, %select_n3A_158 : vector<1024x128xi1>, vector<1024x128xf32>
    %select_n3A_164 = arith.select %lt3A_161, %select_n3A_160, %select_n3A_135 : vector<1024x128xi1>, vector<1024x128xi32>
    %select_n3A_165 = arith.select %lt3A_161, %select_n3A_135, %select_n3A_160 : vector<1024x128xi1>, vector<1024x128xi32>
    %lt3A_166 = arith.cmpf olt, %select_n3A_163, %select_n3A_138 : vector<1024x128xf32>
    %select_n3A_167 = arith.select %lt3A_166, %select_n3A_163, %select_n3A_138 : vector<1024x128xi1>, vector<1024x128xf32>
    %select_n3A_168 = arith.select %lt3A_166, %select_n3A_138, %select_n3A_163 : vector<1024x128xi1>, vector<1024x128xf32>
    %select_n3A_169 = arith.select %lt3A_166, %select_n3A_165, %select_n3A_140 : vector<1024x128xi1>, vector<1024x128xi32>
    %select_n3A_170 = arith.select %lt3A_166, %select_n3A_140, %select_n3A_165 : vector<1024x128xi1>, vector<1024x128xi32>
    %lt3A_171 = arith.cmpf olt, %select_n3A_168, %select_n3A_143 : vector<1024x128xf32>
    %select_n3A_172 = arith.select %lt3A_171, %select_n3A_168, %select_n3A_143 : vector<1024x128xi1>, vector<1024x128xf32>
    %select_n3A_173 = arith.select %lt3A_171, %select_n3A_170, %select_n3A_144 : vector<1024x128xi1>, vector<1024x128xi32>
    %get3A_174 = arith.constant 0 : index
    %get3A_175 = arith.constant 640 : index
    %get3A_176 = vector.load %arg10[%get3A_174, %get3A_175] : memref<1024x8192xf32, #tpu.memory_space<vmem>>, vector<1024x128xf32>
    %get3A_177 = arith.constant 0 : index
    %get3A_178 = arith.constant 640 : index
    %get3A_179 = vector.load %arg9[%get3A_177, %get3A_178] : memref<1x8192xf32, #tpu.memory_space<vmem>>, vector<1x128xf32>
    %add3A_180 = vector.broadcast %get3A_179 : vector<1x128xf32> to vector<1024x128xf32>
    %add3A_181 = arith.addf %get3A_176, %add3A_180 : vector<1024x128xf32>
    %add3A_182 = arith.constant 640 : i32
    %add3A_183 = vector.broadcast %add3A_182 : i32 to vector<1024x128xi32>
    %add3A_184 = arith.addi %iota3A, %add3A_183 : vector<1024x128xi32>
    %lt3A_185 = arith.cmpf olt, %add3A_181, %select_n3A_157 : vector<1024x128xf32>
    %select_n3A_186 = arith.select %lt3A_185, %add3A_181, %select_n3A_157 : vector<1024x128xi1>, vector<1024x128xf32>
    %select_n3A_187 = arith.select %lt3A_185, %select_n3A_157, %add3A_181 : vector<1024x128xi1>, vector<1024x128xf32>
    %select_n3A_188 = arith.select %lt3A_185, %add3A_184, %select_n3A_159 : vector<1024x128xi1>, vector<1024x128xi32>
    %select_n3A_189 = arith.select %lt3A_185, %select_n3A_159, %add3A_184 : vector<1024x128xi1>, vector<1024x128xi32>
    %lt3A_190 = arith.cmpf olt, %select_n3A_187, %select_n3A_162 : vector<1024x128xf32>
    %select_n3A_191 = arith.select %lt3A_190, %select_n3A_187, %select_n3A_162 : vector<1024x128xi1>, vector<1024x128xf32>
    %select_n3A_192 = arith.select %lt3A_190, %select_n3A_162, %select_n3A_187 : vector<1024x128xi1>, vector<1024x128xf32>
    %select_n3A_193 = arith.select %lt3A_190, %select_n3A_189, %select_n3A_164 : vector<1024x128xi1>, vector<1024x128xi32>
    %select_n3A_194 = arith.select %lt3A_190, %select_n3A_164, %select_n3A_189 : vector<1024x128xi1>, vector<1024x128xi32>
    %lt3A_195 = arith.cmpf olt, %select_n3A_192, %select_n3A_167 : vector<1024x128xf32>
    %select_n3A_196 = arith.select %lt3A_195, %select_n3A_192, %select_n3A_167 : vector<1024x128xi1>, vector<1024x128xf32>
    %select_n3A_197 = arith.select %lt3A_195, %select_n3A_167, %select_n3A_192 : vector<1024x128xi1>, vector<1024x128xf32>
    %select_n3A_198 = arith.select %lt3A_195, %select_n3A_194, %select_n3A_169 : vector<1024x128xi1>, vector<1024x128xi32>
    %select_n3A_199 = arith.select %lt3A_195, %select_n3A_169, %select_n3A_194 : vector<1024x128xi1>, vector<1024x128xi32>
    %lt3A_200 = arith.cmpf olt, %select_n3A_197, %select_n3A_172 : vector<1024x128xf32>
    %select_n3A_201 = arith.select %lt3A_200, %select_n3A_197, %select_n3A_172 : vector<1024x128xi1>, vector<1024x128xf32>
    %select_n3A_202 = arith.select %lt3A_200, %select_n3A_199, %select_n3A_173 : vector<1024x128xi1>, vector<1024x128xi32>
    %get3A_203 = arith.constant 0 : index
    %get3A_204 = arith.constant 768 : index
    %get3A_205 = vector.load %arg10[%get3A_203, %get3A_204] : memref<1024x8192xf32, #tpu.memory_space<vmem>>, vector<1024x128xf32>
    %get3A_206 = arith.constant 0 : index
    %get3A_207 = arith.constant 768 : index
    %get3A_208 = vector.load %arg9[%get3A_206, %get3A_207] : memref<1x8192xf32, #tpu.memory_space<vmem>>, vector<1x128xf32>
    %add3A_209 = vector.broadcast %get3A_208 : vector<1x128xf32> to vector<1024x128xf32>
    %add3A_210 = arith.addf %get3A_205, %add3A_209 : vector<1024x128xf32>
    %add3A_211 = arith.constant 768 : i32
    %add3A_212 = vector.broadcast %add3A_211 : i32 to vector<1024x128xi32>
    %add3A_213 = arith.addi %iota3A, %add3A_212 : vector<1024x128xi32>
    %lt3A_214 = arith.cmpf olt, %add3A_210, %select_n3A_186 : vector<1024x128xf32>
    %select_n3A_215 = arith.select %lt3A_214, %add3A_210, %select_n3A_186 : vector<1024x128xi1>, vector<1024x128xf32>
    %select_n3A_216 = arith.select %lt3A_214, %select_n3A_186, %add3A_210 : vector<1024x128xi1>, vector<1024x128xf32>
    %select_n3A_217 = arith.select %lt3A_214, %add3A_213, %select_n3A_188 : vector<1024x128xi1>, vector<1024x128xi32>
    %select_n3A_218 = arith.select %lt3A_214, %select_n3A_188, %add3A_213 : vector<1024x128xi1>, vector<1024x128xi32>
    %lt3A_219 = arith.cmpf olt, %select_n3A_216, %select_n3A_191 : vector<1024x128xf32>
    %select_n3A_220 = arith.select %lt3A_219, %select_n3A_216, %select_n3A_191 : vector<1024x128xi1>, vector<1024x128xf32>
    %select_n3A_221 = arith.select %lt3A_219, %select_n3A_191, %select_n3A_216 : vector<1024x128xi1>, vector<1024x128xf32>
    %select_n3A_222 = arith.select %lt3A_219, %select_n3A_218, %select_n3A_193 : vector<1024x128xi1>, vector<1024x128xi32>
    %select_n3A_223 = arith.select %lt3A_219, %select_n3A_193, %select_n3A_218 : vector<1024x128xi1>, vector<1024x128xi32>
    %lt3A_224 = arith.cmpf olt, %select_n3A_221, %select_n3A_196 : vector<1024x128xf32>
    %select_n3A_225 = arith.select %lt3A_224, %select_n3A_221, %select_n3A_196 : vector<1024x128xi1>, vector<1024x128xf32>
    %select_n3A_226 = arith.select %lt3A_224, %select_n3A_196, %select_n3A_221 : vector<1024x128xi1>, vector<1024x128xf32>
    %select_n3A_227 = arith.select %lt3A_224, %select_n3A_223, %select_n3A_198 : vector<1024x128xi1>, vector<1024x128xi32>
    %select_n3A_228 = arith.select %lt3A_224, %select_n3A_198, %select_n3A_223 : vector<1024x128xi1>, vector<1024x128xi32>
    %lt3A_229 = arith.cmpf olt, %select_n3A_226, %select_n3A_201 : vector<1024x128xf32>
    %select_n3A_230 = arith.select %lt3A_229, %select_n3A_226, %select_n3A_201 : vector<1024x128xi1>, vector<1024x128xf32>
    %select_n3A_231 = arith.select %lt3A_229, %select_n3A_228, %select_n3A_202 : vector<1024x128xi1>, vector<1024x128xi32>
    %get3A_232 = arith.constant 0 : index
    %get3A_233 = arith.constant 896 : index
    %get3A_234 = vector.load %arg10[%get3A_232, %get3A_233] : memref<1024x8192xf32, #tpu.memory_space<vmem>>, vector<1024x128xf32>
    %get3A_235 = arith.constant 0 : index
    %get3A_236 = arith.constant 896 : index
    %get3A_237 = vector.load %arg9[%get3A_235, %get3A_236] : memref<1x8192xf32, #tpu.memory_space<vmem>>, vector<1x128xf32>
    %add3A_238 = vector.broadcast %get3A_237 : vector<1x128xf32> to vector<1024x128xf32>
    %add3A_239 = arith.addf %get3A_234, %add3A_238 : vector<1024x128xf32>
    %add3A_240 = arith.constant 896 : i32
    %add3A_241 = vector.broadcast %add3A_240 : i32 to vector<1024x128xi32>
    %add3A_242 = arith.addi %iota3A, %add3A_241 : vector<1024x128xi32>
    %lt3A_243 = arith.cmpf olt, %add3A_239, %select_n3A_215 : vector<1024x128xf32>
    %select_n3A_244 = arith.select %lt3A_243, %add3A_239, %select_n3A_215 : vector<1024x128xi1>, vector<1024x128xf32>
    %select_n3A_245 = arith.select %lt3A_243, %select_n3A_215, %add3A_239 : vector<1024x128xi1>, vector<1024x128xf32>
    %select_n3A_246 = arith.select %lt3A_243, %add3A_242, %select_n3A_217 : vector<1024x128xi1>, vector<1024x128xi32>
    %select_n3A_247 = arith.select %lt3A_243, %select_n3A_217, %add3A_242 : vector<1024x128xi1>, vector<1024x128xi32>
    %lt3A_248 = arith.cmpf olt, %select_n3A_245, %select_n3A_220 : vector<1024x128xf32>
    %select_n3A_249 = arith.select %lt3A_248, %select_n3A_245, %select_n3A_220 : vector<1024x128xi1>, vector<1024x128xf32>
    %select_n3A_250 = arith.select %lt3A_248, %select_n3A_220, %select_n3A_245 : vector<1024x128xi1>, vector<1024x128xf32>
    %select_n3A_251 = arith.select %lt3A_248, %select_n3A_247, %select_n3A_222 : vector<1024x128xi1>, vector<1024x128xi32>
    %select_n3A_252 = arith.select %lt3A_248, %select_n3A_222, %select_n3A_247 : vector<1024x128xi1>, vector<1024x128xi32>
    %lt3A_253 = arith.cmpf olt, %select_n3A_250, %select_n3A_225 : vector<1024x128xf32>
    %select_n3A_254 = arith.select %lt3A_253, %select_n3A_250, %select_n3A_225 : vector<1024x128xi1>, vector<1024x128xf32>
    %select_n3A_255 = arith.select %lt3A_253, %select_n3A_225, %select_n3A_250 : vector<1024x128xi1>, vector<1024x128xf32>
    %select_n3A_256 = arith.select %lt3A_253, %select_n3A_252, %select_n3A_227 : vector<1024x128xi1>, vector<1024x128xi32>
    %select_n3A_257 = arith.select %lt3A_253, %select_n3A_227, %select_n3A_252 : vector<1024x128xi1>, vector<1024x128xi32>
    %lt3A_258 = arith.cmpf olt, %select_n3A_255, %select_n3A_230 : vector<1024x128xf32>
    %select_n3A_259 = arith.select %lt3A_258, %select_n3A_255, %select_n3A_230 : vector<1024x128xi1>, vector<1024x128xf32>
    %select_n3A_260 = arith.select %lt3A_258, %select_n3A_257, %select_n3A_231 : vector<1024x128xi1>, vector<1024x128xi32>
    %get3A_261 = arith.constant 0 : index
    %get3A_262 = arith.constant 1024 : index
    %get3A_263 = vector.load %arg10[%get3A_261, %get3A_262] : memref<1024x8192xf32, #tpu.memory_space<vmem>>, vector<1024x128xf32>
    %get3A_264 = arith.constant 0 : index
    %get3A_265 = arith.constant 1024 : index
    %get3A_266 = vector.load %arg9[%get3A_264, %get3A_265] : memref<1x8192xf32, #tpu.memory_space<vmem>>, vector<1x128xf32>
    %add3A_267 = vector.broadcast %get3A_266 : vector<1x128xf32> to vector<1024x128xf32>
    %add3A_268 = arith.addf %get3A_263, %add3A_267 : vector<1024x128xf32>
    %add3A_269 = arith.constant 1024 : i32
    %add3A_270 = vector.broadcast %add3A_269 : i32 to vector<1024x128xi32>
    %add3A_271 = arith.addi %iota3A, %add3A_270 : vector<1024x128xi32>
    %lt3A_272 = arith.cmpf olt, %add3A_268, %select_n3A_244 : vector<1024x128xf32>
    %select_n3A_273 = arith.select %lt3A_272, %add3A_268, %select_n3A_244 : vector<1024x128xi1>, vector<1024x128xf32>
    %select_n3A_274 = arith.select %lt3A_272, %select_n3A_244, %add3A_268 : vector<1024x128xi1>, vector<1024x128xf32>
    %select_n3A_275 = arith.select %lt3A_272, %add3A_271, %select_n3A_246 : vector<1024x128xi1>, vector<1024x128xi32>
    %select_n3A_276 = arith.select %lt3A_272, %select_n3A_246, %add3A_271 : vector<1024x128xi1>, vector<1024x128xi32>
    %lt3A_277 = arith.cmpf olt, %select_n3A_274, %select_n3A_249 : vector<1024x128xf32>
    %select_n3A_278 = arith.select %lt3A_277, %select_n3A_274, %select_n3A_249 : vector<1024x128xi1>, vector<1024x128xf32>
    %select_n3A_279 = arith.select %lt3A_277, %select_n3A_249, %select_n3A_274 : vector<1024x128xi1>, vector<1024x128xf32>
    %select_n3A_280 = arith.select %lt3A_277, %select_n3A_276, %select_n3A_251 : vector<1024x128xi1>, vector<1024x128xi32>
    %select_n3A_281 = arith.select %lt3A_277, %select_n3A_251, %select_n3A_276 : vector<1024x128xi1>, vector<1024x128xi32>
    %lt3A_282 = arith.cmpf olt, %select_n3A_279, %select_n3A_254 : vector<1024x128xf32>
    %select_n3A_283 = arith.select %lt3A_282, %select_n3A_279, %select_n3A_254 : vector<1024x128xi1>, vector<1024x128xf32>
    %select_n3A_284 = arith.select %lt3A_282, %select_n3A_254, %select_n3A_279 : vector<1024x128xi1>, vector<1024x128xf32>
    %select_n3A_285 = arith.select %lt3A_282, %select_n3A_281, %select_n3A_256 : vector<1024x128xi1>, vector<1024x128xi32>
    %select_n3A_286 = arith.select %lt3A_282, %select_n3A_256, %select_n3A_281 : vector<1024x128xi1>, vector<1024x128xi32>
    %lt3A_287 = arith.cmpf olt, %select_n3A_284, %select_n3A_259 : vector<1024x128xf32>
    %select_n3A_288 = arith.select %lt3A_287, %select_n3A_284, %select_n3A_259 : vector<1024x128xi1>, vector<1024x128xf32>
    %select_n3A_289 = arith.select %lt3A_287, %select_n3A_286, %select_n3A_260 : vector<1024x128xi1>, vector<1024x128xi32>
    %get3A_290 = arith.constant 0 : index
    %get3A_291 = arith.constant 1152 : index
    %get3A_292 = vector.load %arg10[%get3A_290, %get3A_291] : memref<1024x8192xf32, #tpu.memory_space<vmem>>, vector<1024x128xf32>
    %get3A_293 = arith.constant 0 : index
    %get3A_294 = arith.constant 1152 : index
    %get3A_295 = vector.load %arg9[%get3A_293, %get3A_294] : memref<1x8192xf32, #tpu.memory_space<vmem>>, vector<1x128xf32>
    %add3A_296 = vector.broadcast %get3A_295 : vector<1x128xf32> to vector<1024x128xf32>
    %add3A_297 = arith.addf %get3A_292, %add3A_296 : vector<1024x128xf32>
    %add3A_298 = arith.constant 1152 : i32
    %add3A_299 = vector.broadcast %add3A_298 : i32 to vector<1024x128xi32>
    %add3A_300 = arith.addi %iota3A, %add3A_299 : vector<1024x128xi32>
    %lt3A_301 = arith.cmpf olt, %add3A_297, %select_n3A_273 : vector<1024x128xf32>
    %select_n3A_302 = arith.select %lt3A_301, %add3A_297, %select_n3A_273 : vector<1024x128xi1>, vector<1024x128xf32>
    %select_n3A_303 = arith.select %lt3A_301, %select_n3A_273, %add3A_297 : vector<1024x128xi1>, vector<1024x128xf32>
    %select_n3A_304 = arith.select %lt3A_301, %add3A_300, %select_n3A_275 : vector<1024x128xi1>, vector<1024x128xi32>
    %select_n3A_305 = arith.select %lt3A_301, %select_n3A_275, %add3A_300 : vector<1024x128xi1>, vector<1024x128xi32>
    %lt3A_306 = arith.cmpf olt, %select_n3A_303, %select_n3A_278 : vector<1024x128xf32>
    %select_n3A_307 = arith.select %lt3A_306, %select_n3A_303, %select_n3A_278 : vector<1024x128xi1>, vector<1024x128xf32>
    %select_n3A_308 = arith.select %lt3A_306, %select_n3A_278, %select_n3A_303 : vector<1024x128xi1>, vector<1024x128xf32>
    %select_n3A_309 = arith.select %lt3A_306, %select_n3A_305, %select_n3A_280 : vector<1024x128xi1>, vector<1024x128xi32>
    %select_n3A_310 = arith.select %lt3A_306, %select_n3A_280, %select_n3A_305 : vector<1024x128xi1>, vector<1024x128xi32>
    %lt3A_311 = arith.cmpf olt, %select_n3A_308, %select_n3A_283 : vector<1024x128xf32>
    %select_n3A_312 = arith.select %lt3A_311, %select_n3A_308, %select_n3A_283 : vector<1024x128xi1>, vector<1024x128xf32>
    %select_n3A_313 = arith.select %lt3A_311, %select_n3A_283, %select_n3A_308 : vector<1024x128xi1>, vector<1024x128xf32>
    %select_n3A_314 = arith.select %lt3A_311, %select_n3A_310, %select_n3A_285 : vector<1024x128xi1>, vector<1024x128xi32>
    %select_n3A_315 = arith.select %lt3A_311, %select_n3A_285, %select_n3A_310 : vector<1024x128xi1>, vector<1024x128xi32>
    %lt3A_316 = arith.cmpf olt, %select_n3A_313, %select_n3A_288 : vector<1024x128xf32>
    %select_n3A_317 = arith.select %lt3A_316, %select_n3A_313, %select_n3A_288 : vector<1024x128xi1>, vector<1024x128xf32>
    %select_n3A_318 = arith.select %lt3A_316, %select_n3A_315, %select_n3A_289 : vector<1024x128xi1>, vector<1024x128xi32>
    %get3A_319 = arith.constant 0 : index
    %get3A_320 = arith.constant 1280 : index
    %get3A_321 = vector.load %arg10[%get3A_319, %get3A_320] : memref<1024x8192xf32, #tpu.memory_space<vmem>>, vector<1024x128xf32>
    %get3A_322 = arith.constant 0 : index
    %get3A_323 = arith.constant 1280 : index
    %get3A_324 = vector.load %arg9[%get3A_322, %get3A_323] : memref<1x8192xf32, #tpu.memory_space<vmem>>, vector<1x128xf32>
    %add3A_325 = vector.broadcast %get3A_324 : vector<1x128xf32> to vector<1024x128xf32>
    %add3A_326 = arith.addf %get3A_321, %add3A_325 : vector<1024x128xf32>
    %add3A_327 = arith.constant 1280 : i32
    %add3A_328 = vector.broadcast %add3A_327 : i32 to vector<1024x128xi32>
    %add3A_329 = arith.addi %iota3A, %add3A_328 : vector<1024x128xi32>
    %lt3A_330 = arith.cmpf olt, %add3A_326, %select_n3A_302 : vector<1024x128xf32>
    %select_n3A_331 = arith.select %lt3A_330, %add3A_326, %select_n3A_302 : vector<1024x128xi1>, vector<1024x128xf32>
    %select_n3A_332 = arith.select %lt3A_330, %select_n3A_302, %add3A_326 : vector<1024x128xi1>, vector<1024x128xf32>
    %select_n3A_333 = arith.select %lt3A_330, %add3A_329, %select_n3A_304 : vector<1024x128xi1>, vector<1024x128xi32>
    %select_n3A_334 = arith.select %lt3A_330, %select_n3A_304, %add3A_329 : vector<1024x128xi1>, vector<1024x128xi32>
    %lt3A_335 = arith.cmpf olt, %select_n3A_332, %select_n3A_307 : vector<1024x128xf32>
    %select_n3A_336 = arith.select %lt3A_335, %select_n3A_332, %select_n3A_307 : vector<1024x128xi1>, vector<1024x128xf32>
    %select_n3A_337 = arith.select %lt3A_335, %select_n3A_307, %select_n3A_332 : vector<1024x128xi1>, vector<1024x128xf32>
    %select_n3A_338 = arith.select %lt3A_335, %select_n3A_334, %select_n3A_309 : vector<1024x128xi1>, vector<1024x128xi32>
    %select_n3A_339 = arith.select %lt3A_335, %select_n3A_309, %select_n3A_334 : vector<1024x128xi1>, vector<1024x128xi32>
    %lt3A_340 = arith.cmpf olt, %select_n3A_337, %select_n3A_312 : vector<1024x128xf32>
    %select_n3A_341 = arith.select %lt3A_340, %select_n3A_337, %select_n3A_312 : vector<1024x128xi1>, vector<1024x128xf32>
    %select_n3A_342 = arith.select %lt3A_340, %select_n3A_312, %select_n3A_337 : vector<1024x128xi1>, vector<1024x128xf32>
    %select_n3A_343 = arith.select %lt3A_340, %select_n3A_339, %select_n3A_314 : vector<1024x128xi1>, vector<1024x128xi32>
    %select_n3A_344 = arith.select %lt3A_340, %select_n3A_314, %select_n3A_339 : vector<1024x128xi1>, vector<1024x128xi32>
    %lt3A_345 = arith.cmpf olt, %select_n3A_342, %select_n3A_317 : vector<1024x128xf32>
    %select_n3A_346 = arith.select %lt3A_345, %select_n3A_342, %select_n3A_317 : vector<1024x128xi1>, vector<1024x128xf32>
    %select_n3A_347 = arith.select %lt3A_345, %select_n3A_344, %select_n3A_318 : vector<1024x128xi1>, vector<1024x128xi32>
    %get3A_348 = arith.constant 0 : index
    %get3A_349 = arith.constant 1408 : index
    %get3A_350 = vector.load %arg10[%get3A_348, %get3A_349] : memref<1024x8192xf32, #tpu.memory_space<vmem>>, vector<1024x128xf32>
    %get3A_351 = arith.constant 0 : index
    %get3A_352 = arith.constant 1408 : index
    %get3A_353 = vector.load %arg9[%get3A_351, %get3A_352] : memref<1x8192xf32, #tpu.memory_space<vmem>>, vector<1x128xf32>
    %add3A_354 = vector.broadcast %get3A_353 : vector<1x128xf32> to vector<1024x128xf32>
    %add3A_355 = arith.addf %get3A_350, %add3A_354 : vector<1024x128xf32>
    %add3A_356 = arith.constant 1408 : i32
    %add3A_357 = vector.broadcast %add3A_356 : i32 to vector<1024x128xi32>
    %add3A_358 = arith.addi %iota3A, %add3A_357 : vector<1024x128xi32>
    %lt3A_359 = arith.cmpf olt, %add3A_355, %select_n3A_331 : vector<1024x128xf32>
    %select_n3A_360 = arith.select %lt3A_359, %add3A_355, %select_n3A_331 : vector<1024x128xi1>, vector<1024x128xf32>
    %select_n3A_361 = arith.select %lt3A_359, %select_n3A_331, %add3A_355 : vector<1024x128xi1>, vector<1024x128xf32>
    %select_n3A_362 = arith.select %lt3A_359, %add3A_358, %select_n3A_333 : vector<1024x128xi1>, vector<1024x128xi32>
    %select_n3A_363 = arith.select %lt3A_359, %select_n3A_333, %add3A_358 : vector<1024x128xi1>, vector<1024x128xi32>
    %lt3A_364 = arith.cmpf olt, %select_n3A_361, %select_n3A_336 : vector<1024x128xf32>
    %select_n3A_365 = arith.select %lt3A_364, %select_n3A_361, %select_n3A_336 : vector<1024x128xi1>, vector<1024x128xf32>
    %select_n3A_366 = arith.select %lt3A_364, %select_n3A_336, %select_n3A_361 : vector<1024x128xi1>, vector<1024x128xf32>
    %select_n3A_367 = arith.select %lt3A_364, %select_n3A_363, %select_n3A_338 : vector<1024x128xi1>, vector<1024x128xi32>
    %select_n3A_368 = arith.select %lt3A_364, %select_n3A_338, %select_n3A_363 : vector<1024x128xi1>, vector<1024x128xi32>
    %lt3A_369 = arith.cmpf olt, %select_n3A_366, %select_n3A_341 : vector<1024x128xf32>
    %select_n3A_370 = arith.select %lt3A_369, %select_n3A_366, %select_n3A_341 : vector<1024x128xi1>, vector<1024x128xf32>
    %select_n3A_371 = arith.select %lt3A_369, %select_n3A_341, %select_n3A_366 : vector<1024x128xi1>, vector<1024x128xf32>
    %select_n3A_372 = arith.select %lt3A_369, %select_n3A_368, %select_n3A_343 : vector<1024x128xi1>, vector<1024x128xi32>
    %select_n3A_373 = arith.select %lt3A_369, %select_n3A_343, %select_n3A_368 : vector<1024x128xi1>, vector<1024x128xi32>
    %lt3A_374 = arith.cmpf olt, %select_n3A_371, %select_n3A_346 : vector<1024x128xf32>
    %select_n3A_375 = arith.select %lt3A_374, %select_n3A_371, %select_n3A_346 : vector<1024x128xi1>, vector<1024x128xf32>
    %select_n3A_376 = arith.select %lt3A_374, %select_n3A_373, %select_n3A_347 : vector<1024x128xi1>, vector<1024x128xi32>
    %get3A_377 = arith.constant 0 : index
    %get3A_378 = arith.constant 1536 : index
    %get3A_379 = vector.load %arg10[%get3A_377, %get3A_378] : memref<1024x8192xf32, #tpu.memory_space<vmem>>, vector<1024x128xf32>
    %get3A_380 = arith.constant 0 : index
    %get3A_381 = arith.constant 1536 : index
    %get3A_382 = vector.load %arg9[%get3A_380, %get3A_381] : memref<1x8192xf32, #tpu.memory_space<vmem>>, vector<1x128xf32>
    %add3A_383 = vector.broadcast %get3A_382 : vector<1x128xf32> to vector<1024x128xf32>
    %add3A_384 = arith.addf %get3A_379, %add3A_383 : vector<1024x128xf32>
    %add3A_385 = arith.constant 1536 : i32
    %add3A_386 = vector.broadcast %add3A_385 : i32 to vector<1024x128xi32>
    %add3A_387 = arith.addi %iota3A, %add3A_386 : vector<1024x128xi32>
    %lt3A_388 = arith.cmpf olt, %add3A_384, %select_n3A_360 : vector<1024x128xf32>
    %select_n3A_389 = arith.select %lt3A_388, %add3A_384, %select_n3A_360 : vector<1024x128xi1>, vector<1024x128xf32>
    %select_n3A_390 = arith.select %lt3A_388, %select_n3A_360, %add3A_384 : vector<1024x128xi1>, vector<1024x128xf32>
    %select_n3A_391 = arith.select %lt3A_388, %add3A_387, %select_n3A_362 : vector<1024x128xi1>, vector<1024x128xi32>
    %select_n3A_392 = arith.select %lt3A_388, %select_n3A_362, %add3A_387 : vector<1024x128xi1>, vector<1024x128xi32>
    %lt3A_393 = arith.cmpf olt, %select_n3A_390, %select_n3A_365 : vector<1024x128xf32>
    %select_n3A_394 = arith.select %lt3A_393, %select_n3A_390, %select_n3A_365 : vector<1024x128xi1>, vector<1024x128xf32>
    %select_n3A_395 = arith.select %lt3A_393, %select_n3A_365, %select_n3A_390 : vector<1024x128xi1>, vector<1024x128xf32>
    %select_n3A_396 = arith.select %lt3A_393, %select_n3A_392, %select_n3A_367 : vector<1024x128xi1>, vector<1024x128xi32>
    %select_n3A_397 = arith.select %lt3A_393, %select_n3A_367, %select_n3A_392 : vector<1024x128xi1>, vector<1024x128xi32>
    %lt3A_398 = arith.cmpf olt, %select_n3A_395, %select_n3A_370 : vector<1024x128xf32>
    %select_n3A_399 = arith.select %lt3A_398, %select_n3A_395, %select_n3A_370 : vector<1024x128xi1>, vector<1024x128xf32>
    %select_n3A_400 = arith.select %lt3A_398, %select_n3A_370, %select_n3A_395 : vector<1024x128xi1>, vector<1024x128xf32>
    %select_n3A_401 = arith.select %lt3A_398, %select_n3A_397, %select_n3A_372 : vector<1024x128xi1>, vector<1024x128xi32>
    %select_n3A_402 = arith.select %lt3A_398, %select_n3A_372, %select_n3A_397 : vector<1024x128xi1>, vector<1024x128xi32>
    %lt3A_403 = arith.cmpf olt, %select_n3A_400, %select_n3A_375 : vector<1024x128xf32>
    %select_n3A_404 = arith.select %lt3A_403, %select_n3A_400, %select_n3A_375 : vector<1024x128xi1>, vector<1024x128xf32>
    %select_n3A_405 = arith.select %lt3A_403, %select_n3A_402, %select_n3A_376 : vector<1024x128xi1>, vector<1024x128xi32>
    %get3A_406 = arith.constant 0 : index
    %get3A_407 = arith.constant 1664 : index
    %get3A_408 = vector.load %arg10[%get3A_406, %get3A_407] : memref<1024x8192xf32, #tpu.memory_space<vmem>>, vector<1024x128xf32>
    %get3A_409 = arith.constant 0 : index
    %get3A_410 = arith.constant 1664 : index
    %get3A_411 = vector.load %arg9[%get3A_409, %get3A_410] : memref<1x8192xf32, #tpu.memory_space<vmem>>, vector<1x128xf32>
    %add3A_412 = vector.broadcast %get3A_411 : vector<1x128xf32> to vector<1024x128xf32>
    %add3A_413 = arith.addf %get3A_408, %add3A_412 : vector<1024x128xf32>
    %add3A_414 = arith.constant 1664 : i32
    %add3A_415 = vector.broadcast %add3A_414 : i32 to vector<1024x128xi32>
    %add3A_416 = arith.addi %iota3A, %add3A_415 : vector<1024x128xi32>
    %lt3A_417 = arith.cmpf olt, %add3A_413, %select_n3A_389 : vector<1024x128xf32>
    %select_n3A_418 = arith.select %lt3A_417, %add3A_413, %select_n3A_389 : vector<1024x128xi1>, vector<1024x128xf32>
    %select_n3A_419 = arith.select %lt3A_417, %select_n3A_389, %add3A_413 : vector<1024x128xi1>, vector<1024x128xf32>
    %select_n3A_420 = arith.select %lt3A_417, %add3A_416, %select_n3A_391 : vector<1024x128xi1>, vector<1024x128xi32>
    %select_n3A_421 = arith.select %lt3A_417, %select_n3A_391, %add3A_416 : vector<1024x128xi1>, vector<1024x128xi32>
    %lt3A_422 = arith.cmpf olt, %select_n3A_419, %select_n3A_394 : vector<1024x128xf32>
    %select_n3A_423 = arith.select %lt3A_422, %select_n3A_419, %select_n3A_394 : vector<1024x128xi1>, vector<1024x128xf32>
    %select_n3A_424 = arith.select %lt3A_422, %select_n3A_394, %select_n3A_419 : vector<1024x128xi1>, vector<1024x128xf32>
    %select_n3A_425 = arith.select %lt3A_422, %select_n3A_421, %select_n3A_396 : vector<1024x128xi1>, vector<1024x128xi32>
    %select_n3A_426 = arith.select %lt3A_422, %select_n3A_396, %select_n3A_421 : vector<1024x128xi1>, vector<1024x128xi32>
    %lt3A_427 = arith.cmpf olt, %select_n3A_424, %select_n3A_399 : vector<1024x128xf32>
    %select_n3A_428 = arith.select %lt3A_427, %select_n3A_424, %select_n3A_399 : vector<1024x128xi1>, vector<1024x128xf32>
    %select_n3A_429 = arith.select %lt3A_427, %select_n3A_399, %select_n3A_424 : vector<1024x128xi1>, vector<1024x128xf32>
    %select_n3A_430 = arith.select %lt3A_427, %select_n3A_426, %select_n3A_401 : vector<1024x128xi1>, vector<1024x128xi32>
    %select_n3A_431 = arith.select %lt3A_427, %select_n3A_401, %select_n3A_426 : vector<1024x128xi1>, vector<1024x128xi32>
    %lt3A_432 = arith.cmpf olt, %select_n3A_429, %select_n3A_404 : vector<1024x128xf32>
    %select_n3A_433 = arith.select %lt3A_432, %select_n3A_429, %select_n3A_404 : vector<1024x128xi1>, vector<1024x128xf32>
    %select_n3A_434 = arith.select %lt3A_432, %select_n3A_431, %select_n3A_405 : vector<1024x128xi1>, vector<1024x128xi32>
    %get3A_435 = arith.constant 0 : index
    %get3A_436 = arith.constant 1792 : index
    %get3A_437 = vector.load %arg10[%get3A_435, %get3A_436] : memref<1024x8192xf32, #tpu.memory_space<vmem>>, vector<1024x128xf32>
    %get3A_438 = arith.constant 0 : index
    %get3A_439 = arith.constant 1792 : index
    %get3A_440 = vector.load %arg9[%get3A_438, %get3A_439] : memref<1x8192xf32, #tpu.memory_space<vmem>>, vector<1x128xf32>
    %add3A_441 = vector.broadcast %get3A_440 : vector<1x128xf32> to vector<1024x128xf32>
    %add3A_442 = arith.addf %get3A_437, %add3A_441 : vector<1024x128xf32>
    %add3A_443 = arith.constant 1792 : i32
    %add3A_444 = vector.broadcast %add3A_443 : i32 to vector<1024x128xi32>
    %add3A_445 = arith.addi %iota3A, %add3A_444 : vector<1024x128xi32>
    %lt3A_446 = arith.cmpf olt, %add3A_442, %select_n3A_418 : vector<1024x128xf32>
    %select_n3A_447 = arith.select %lt3A_446, %add3A_442, %select_n3A_418 : vector<1024x128xi1>, vector<1024x128xf32>
    %select_n3A_448 = arith.select %lt3A_446, %select_n3A_418, %add3A_442 : vector<1024x128xi1>, vector<1024x128xf32>
    %select_n3A_449 = arith.select %lt3A_446, %add3A_445, %select_n3A_420 : vector<1024x128xi1>, vector<1024x128xi32>
    %select_n3A_450 = arith.select %lt3A_446, %select_n3A_420, %add3A_445 : vector<1024x128xi1>, vector<1024x128xi32>
    %lt3A_451 = arith.cmpf olt, %select_n3A_448, %select_n3A_423 : vector<1024x128xf32>
    %select_n3A_452 = arith.select %lt3A_451, %select_n3A_448, %select_n3A_423 : vector<1024x128xi1>, vector<1024x128xf32>
    %select_n3A_453 = arith.select %lt3A_451, %select_n3A_423, %select_n3A_448 : vector<1024x128xi1>, vector<1024x128xf32>
    %select_n3A_454 = arith.select %lt3A_451, %select_n3A_450, %select_n3A_425 : vector<1024x128xi1>, vector<1024x128xi32>
    %select_n3A_455 = arith.select %lt3A_451, %select_n3A_425, %select_n3A_450 : vector<1024x128xi1>, vector<1024x128xi32>
    %lt3A_456 = arith.cmpf olt, %select_n3A_453, %select_n3A_428 : vector<1024x128xf32>
    %select_n3A_457 = arith.select %lt3A_456, %select_n3A_453, %select_n3A_428 : vector<1024x128xi1>, vector<1024x128xf32>
    %select_n3A_458 = arith.select %lt3A_456, %select_n3A_428, %select_n3A_453 : vector<1024x128xi1>, vector<1024x128xf32>
    %select_n3A_459 = arith.select %lt3A_456, %select_n3A_455, %select_n3A_430 : vector<1024x128xi1>, vector<1024x128xi32>
    %select_n3A_460 = arith.select %lt3A_456, %select_n3A_430, %select_n3A_455 : vector<1024x128xi1>, vector<1024x128xi32>
    %lt3A_461 = arith.cmpf olt, %select_n3A_458, %select_n3A_433 : vector<1024x128xf32>
    %select_n3A_462 = arith.select %lt3A_461, %select_n3A_458, %select_n3A_433 : vector<1024x128xi1>, vector<1024x128xf32>
    %select_n3A_463 = arith.select %lt3A_461, %select_n3A_460, %select_n3A_434 : vector<1024x128xi1>, vector<1024x128xi32>
    %get3A_464 = arith.constant 0 : index
    %get3A_465 = arith.constant 1920 : index
    %get3A_466 = vector.load %arg10[%get3A_464, %get3A_465] : memref<1024x8192xf32, #tpu.memory_space<vmem>>, vector<1024x128xf32>
    %get3A_467 = arith.constant 0 : index
    %get3A_468 = arith.constant 1920 : index
    %get3A_469 = vector.load %arg9[%get3A_467, %get3A_468] : memref<1x8192xf32, #tpu.memory_space<vmem>>, vector<1x128xf32>
    %add3A_470 = vector.broadcast %get3A_469 : vector<1x128xf32> to vector<1024x128xf32>
    %add3A_471 = arith.addf %get3A_466, %add3A_470 : vector<1024x128xf32>
    %add3A_472 = arith.constant 1920 : i32
    %add3A_473 = vector.broadcast %add3A_472 : i32 to vector<1024x128xi32>
    %add3A_474 = arith.addi %iota3A, %add3A_473 : vector<1024x128xi32>
    %lt3A_475 = arith.cmpf olt, %add3A_471, %select_n3A_447 : vector<1024x128xf32>
    %select_n3A_476 = arith.select %lt3A_475, %add3A_471, %select_n3A_447 : vector<1024x128xi1>, vector<1024x128xf32>
    %select_n3A_477 = arith.select %lt3A_475, %select_n3A_447, %add3A_471 : vector<1024x128xi1>, vector<1024x128xf32>
    %select_n3A_478 = arith.select %lt3A_475, %add3A_474, %select_n3A_449 : vector<1024x128xi1>, vector<1024x128xi32>
    %select_n3A_479 = arith.select %lt3A_475, %select_n3A_449, %add3A_474 : vector<1024x128xi1>, vector<1024x128xi32>
    %lt3A_480 = arith.cmpf olt, %select_n3A_477, %select_n3A_452 : vector<1024x128xf32>
    %select_n3A_481 = arith.select %lt3A_480, %select_n3A_477, %select_n3A_452 : vector<1024x128xi1>, vector<1024x128xf32>
    %select_n3A_482 = arith.select %lt3A_480, %select_n3A_452, %select_n3A_477 : vector<1024x128xi1>, vector<1024x128xf32>
    %select_n3A_483 = arith.select %lt3A_480, %select_n3A_479, %select_n3A_454 : vector<1024x128xi1>, vector<1024x128xi32>
    %select_n3A_484 = arith.select %lt3A_480, %select_n3A_454, %select_n3A_479 : vector<1024x128xi1>, vector<1024x128xi32>
    %lt3A_485 = arith.cmpf olt, %select_n3A_482, %select_n3A_457 : vector<1024x128xf32>
    %select_n3A_486 = arith.select %lt3A_485, %select_n3A_482, %select_n3A_457 : vector<1024x128xi1>, vector<1024x128xf32>
    %select_n3A_487 = arith.select %lt3A_485, %select_n3A_457, %select_n3A_482 : vector<1024x128xi1>, vector<1024x128xf32>
    %select_n3A_488 = arith.select %lt3A_485, %select_n3A_484, %select_n3A_459 : vector<1024x128xi1>, vector<1024x128xi32>
    %select_n3A_489 = arith.select %lt3A_485, %select_n3A_459, %select_n3A_484 : vector<1024x128xi1>, vector<1024x128xi32>
    %lt3A_490 = arith.cmpf olt, %select_n3A_487, %select_n3A_462 : vector<1024x128xf32>
    %select_n3A_491 = arith.select %lt3A_490, %select_n3A_487, %select_n3A_462 : vector<1024x128xi1>, vector<1024x128xf32>
    %select_n3A_492 = arith.select %lt3A_490, %select_n3A_489, %select_n3A_463 : vector<1024x128xi1>, vector<1024x128xi32>
    %get3A_493 = arith.constant 0 : index
    %get3A_494 = arith.constant 2048 : index
    %get3A_495 = vector.load %arg10[%get3A_493, %get3A_494] : memref<1024x8192xf32, #tpu.memory_space<vmem>>, vector<1024x128xf32>
    %get3A_496 = arith.constant 0 : index
    %get3A_497 = arith.constant 2048 : index
    %get3A_498 = vector.load %arg9[%get3A_496, %get3A_497] : memref<1x8192xf32, #tpu.memory_space<vmem>>, vector<1x128xf32>
    %add3A_499 = vector.broadcast %get3A_498 : vector<1x128xf32> to vector<1024x128xf32>
    %add3A_500 = arith.addf %get3A_495, %add3A_499 : vector<1024x128xf32>
    %add3A_501 = arith.constant 2048 : i32
    %add3A_502 = vector.broadcast %add3A_501 : i32 to vector<1024x128xi32>
    %add3A_503 = arith.addi %iota3A, %add3A_502 : vector<1024x128xi32>
    %lt3A_504 = arith.cmpf olt, %add3A_500, %select_n3A_476 : vector<1024x128xf32>
    %select_n3A_505 = arith.select %lt3A_504, %add3A_500, %select_n3A_476 : vector<1024x128xi1>, vector<1024x128xf32>
    %select_n3A_506 = arith.select %lt3A_504, %select_n3A_476, %add3A_500 : vector<1024x128xi1>, vector<1024x128xf32>
    %select_n3A_507 = arith.select %lt3A_504, %add3A_503, %select_n3A_478 : vector<1024x128xi1>, vector<1024x128xi32>
    %select_n3A_508 = arith.select %lt3A_504, %select_n3A_478, %add3A_503 : vector<1024x128xi1>, vector<1024x128xi32>
    %lt3A_509 = arith.cmpf olt, %select_n3A_506, %select_n3A_481 : vector<1024x128xf32>
    %select_n3A_510 = arith.select %lt3A_509, %select_n3A_506, %select_n3A_481 : vector<1024x128xi1>, vector<1024x128xf32>
    %select_n3A_511 = arith.select %lt3A_509, %select_n3A_481, %select_n3A_506 : vector<1024x128xi1>, vector<1024x128xf32>
    %select_n3A_512 = arith.select %lt3A_509, %select_n3A_508, %select_n3A_483 : vector<1024x128xi1>, vector<1024x128xi32>
    %select_n3A_513 = arith.select %lt3A_509, %select_n3A_483, %select_n3A_508 : vector<1024x128xi1>, vector<1024x128xi32>
    %lt3A_514 = arith.cmpf olt, %select_n3A_511, %select_n3A_486 : vector<1024x128xf32>
    %select_n3A_515 = arith.select %lt3A_514, %select_n3A_511, %select_n3A_486 : vector<1024x128xi1>, vector<1024x128xf32>
    %select_n3A_516 = arith.select %lt3A_514, %select_n3A_486, %select_n3A_511 : vector<1024x128xi1>, vector<1024x128xf32>
    %select_n3A_517 = arith.select %lt3A_514, %select_n3A_513, %select_n3A_488 : vector<1024x128xi1>, vector<1024x128xi32>
    %select_n3A_518 = arith.select %lt3A_514, %select_n3A_488, %select_n3A_513 : vector<1024x128xi1>, vector<1024x128xi32>
    %lt3A_519 = arith.cmpf olt, %select_n3A_516, %select_n3A_491 : vector<1024x128xf32>
    %select_n3A_520 = arith.select %lt3A_519, %select_n3A_516, %select_n3A_491 : vector<1024x128xi1>, vector<1024x128xf32>
    %select_n3A_521 = arith.select %lt3A_519, %select_n3A_518, %select_n3A_492 : vector<1024x128xi1>, vector<1024x128xi32>
    %get3A_522 = arith.constant 0 : index
    %get3A_523 = arith.constant 2176 : index
    %get3A_524 = vector.load %arg10[%get3A_522, %get3A_523] : memref<1024x8192xf32, #tpu.memory_space<vmem>>, vector<1024x128xf32>
    %get3A_525 = arith.constant 0 : index
    %get3A_526 = arith.constant 2176 : index
    %get3A_527 = vector.load %arg9[%get3A_525, %get3A_526] : memref<1x8192xf32, #tpu.memory_space<vmem>>, vector<1x128xf32>
    %add3A_528 = vector.broadcast %get3A_527 : vector<1x128xf32> to vector<1024x128xf32>
    %add3A_529 = arith.addf %get3A_524, %add3A_528 : vector<1024x128xf32>
    %add3A_530 = arith.constant 2176 : i32
    %add3A_531 = vector.broadcast %add3A_530 : i32 to vector<1024x128xi32>
    %add3A_532 = arith.addi %iota3A, %add3A_531 : vector<1024x128xi32>
    %lt3A_533 = arith.cmpf olt, %add3A_529, %select_n3A_505 : vector<1024x128xf32>
    %select_n3A_534 = arith.select %lt3A_533, %add3A_529, %select_n3A_505 : vector<1024x128xi1>, vector<1024x128xf32>
    %select_n3A_535 = arith.select %lt3A_533, %select_n3A_505, %add3A_529 : vector<1024x128xi1>, vector<1024x128xf32>
    %select_n3A_536 = arith.select %lt3A_533, %add3A_532, %select_n3A_507 : vector<1024x128xi1>, vector<1024x128xi32>
    %select_n3A_537 = arith.select %lt3A_533, %select_n3A_507, %add3A_532 : vector<1024x128xi1>, vector<1024x128xi32>
    %lt3A_538 = arith.cmpf olt, %select_n3A_535, %select_n3A_510 : vector<1024x128xf32>
    %select_n3A_539 = arith.select %lt3A_538, %select_n3A_535, %select_n3A_510 : vector<1024x128xi1>, vector<1024x128xf32>
    %select_n3A_540 = arith.select %lt3A_538, %select_n3A_510, %select_n3A_535 : vector<1024x128xi1>, vector<1024x128xf32>
    %select_n3A_541 = arith.select %lt3A_538, %select_n3A_537, %select_n3A_512 : vector<1024x128xi1>, vector<1024x128xi32>
    %select_n3A_542 = arith.select %lt3A_538, %select_n3A_512, %select_n3A_537 : vector<1024x128xi1>, vector<1024x128xi32>
    %lt3A_543 = arith.cmpf olt, %select_n3A_540, %select_n3A_515 : vector<1024x128xf32>
    %select_n3A_544 = arith.select %lt3A_543, %select_n3A_540, %select_n3A_515 : vector<1024x128xi1>, vector<1024x128xf32>
    %select_n3A_545 = arith.select %lt3A_543, %select_n3A_515, %select_n3A_540 : vector<1024x128xi1>, vector<1024x128xf32>
    %select_n3A_546 = arith.select %lt3A_543, %select_n3A_542, %select_n3A_517 : vector<1024x128xi1>, vector<1024x128xi32>
    %select_n3A_547 = arith.select %lt3A_543, %select_n3A_517, %select_n3A_542 : vector<1024x128xi1>, vector<1024x128xi32>
    %lt3A_548 = arith.cmpf olt, %select_n3A_545, %select_n3A_520 : vector<1024x128xf32>
    %select_n3A_549 = arith.select %lt3A_548, %select_n3A_545, %select_n3A_520 : vector<1024x128xi1>, vector<1024x128xf32>
    %select_n3A_550 = arith.select %lt3A_548, %select_n3A_547, %select_n3A_521 : vector<1024x128xi1>, vector<1024x128xi32>
    %get3A_551 = arith.constant 0 : index
    %get3A_552 = arith.constant 2304 : index
    %get3A_553 = vector.load %arg10[%get3A_551, %get3A_552] : memref<1024x8192xf32, #tpu.memory_space<vmem>>, vector<1024x128xf32>
    %get3A_554 = arith.constant 0 : index
    %get3A_555 = arith.constant 2304 : index
    %get3A_556 = vector.load %arg9[%get3A_554, %get3A_555] : memref<1x8192xf32, #tpu.memory_space<vmem>>, vector<1x128xf32>
    %add3A_557 = vector.broadcast %get3A_556 : vector<1x128xf32> to vector<1024x128xf32>
    %add3A_558 = arith.addf %get3A_553, %add3A_557 : vector<1024x128xf32>
    %add3A_559 = arith.constant 2304 : i32
    %add3A_560 = vector.broadcast %add3A_559 : i32 to vector<1024x128xi32>
    %add3A_561 = arith.addi %iota3A, %add3A_560 : vector<1024x128xi32>
    %lt3A_562 = arith.cmpf olt, %add3A_558, %select_n3A_534 : vector<1024x128xf32>
    %select_n3A_563 = arith.select %lt3A_562, %add3A_558, %select_n3A_534 : vector<1024x128xi1>, vector<1024x128xf32>
    %select_n3A_564 = arith.select %lt3A_562, %select_n3A_534, %add3A_558 : vector<1024x128xi1>, vector<1024x128xf32>
    %select_n3A_565 = arith.select %lt3A_562, %add3A_561, %select_n3A_536 : vector<1024x128xi1>, vector<1024x128xi32>
    %select_n3A_566 = arith.select %lt3A_562, %select_n3A_536, %add3A_561 : vector<1024x128xi1>, vector<1024x128xi32>
    %lt3A_567 = arith.cmpf olt, %select_n3A_564, %select_n3A_539 : vector<1024x128xf32>
    %select_n3A_568 = arith.select %lt3A_567, %select_n3A_564, %select_n3A_539 : vector<1024x128xi1>, vector<1024x128xf32>
    %select_n3A_569 = arith.select %lt3A_567, %select_n3A_539, %select_n3A_564 : vector<1024x128xi1>, vector<1024x128xf32>
    %select_n3A_570 = arith.select %lt3A_567, %select_n3A_566, %select_n3A_541 : vector<1024x128xi1>, vector<1024x128xi32>
    %select_n3A_571 = arith.select %lt3A_567, %select_n3A_541, %select_n3A_566 : vector<1024x128xi1>, vector<1024x128xi32>
    %lt3A_572 = arith.cmpf olt, %select_n3A_569, %select_n3A_544 : vector<1024x128xf32>
    %select_n3A_573 = arith.select %lt3A_572, %select_n3A_569, %select_n3A_544 : vector<1024x128xi1>, vector<1024x128xf32>
    %select_n3A_574 = arith.select %lt3A_572, %select_n3A_544, %select_n3A_569 : vector<1024x128xi1>, vector<1024x128xf32>
    %select_n3A_575 = arith.select %lt3A_572, %select_n3A_571, %select_n3A_546 : vector<1024x128xi1>, vector<1024x128xi32>
    %select_n3A_576 = arith.select %lt3A_572, %select_n3A_546, %select_n3A_571 : vector<1024x128xi1>, vector<1024x128xi32>
    %lt3A_577 = arith.cmpf olt, %select_n3A_574, %select_n3A_549 : vector<1024x128xf32>
    %select_n3A_578 = arith.select %lt3A_577, %select_n3A_574, %select_n3A_549 : vector<1024x128xi1>, vector<1024x128xf32>
    %select_n3A_579 = arith.select %lt3A_577, %select_n3A_576, %select_n3A_550 : vector<1024x128xi1>, vector<1024x128xi32>
    %get3A_580 = arith.constant 0 : index
    %get3A_581 = arith.constant 2432 : index
    %get3A_582 = vector.load %arg10[%get3A_580, %get3A_581] : memref<1024x8192xf32, #tpu.memory_space<vmem>>, vector<1024x128xf32>
    %get3A_583 = arith.constant 0 : index
    %get3A_584 = arith.constant 2432 : index
    %get3A_585 = vector.load %arg9[%get3A_583, %get3A_584] : memref<1x8192xf32, #tpu.memory_space<vmem>>, vector<1x128xf32>
    %add3A_586 = vector.broadcast %get3A_585 : vector<1x128xf32> to vector<1024x128xf32>
    %add3A_587 = arith.addf %get3A_582, %add3A_586 : vector<1024x128xf32>
    %add3A_588 = arith.constant 2432 : i32
    %add3A_589 = vector.broadcast %add3A_588 : i32 to vector<1024x128xi32>
    %add3A_590 = arith.addi %iota3A, %add3A_589 : vector<1024x128xi32>
    %lt3A_591 = arith.cmpf olt, %add3A_587, %select_n3A_563 : vector<1024x128xf32>
    %select_n3A_592 = arith.select %lt3A_591, %add3A_587, %select_n3A_563 : vector<1024x128xi1>, vector<1024x128xf32>
    %select_n3A_593 = arith.select %lt3A_591, %select_n3A_563, %add3A_587 : vector<1024x128xi1>, vector<1024x128xf32>
    %select_n3A_594 = arith.select %lt3A_591, %add3A_590, %select_n3A_565 : vector<1024x128xi1>, vector<1024x128xi32>
    %select_n3A_595 = arith.select %lt3A_591, %select_n3A_565, %add3A_590 : vector<1024x128xi1>, vector<1024x128xi32>
    %lt3A_596 = arith.cmpf olt, %select_n3A_593, %select_n3A_568 : vector<1024x128xf32>
    %select_n3A_597 = arith.select %lt3A_596, %select_n3A_593, %select_n3A_568 : vector<1024x128xi1>, vector<1024x128xf32>
    %select_n3A_598 = arith.select %lt3A_596, %select_n3A_568, %select_n3A_593 : vector<1024x128xi1>, vector<1024x128xf32>
    %select_n3A_599 = arith.select %lt3A_596, %select_n3A_595, %select_n3A_570 : vector<1024x128xi1>, vector<1024x128xi32>
    %select_n3A_600 = arith.select %lt3A_596, %select_n3A_570, %select_n3A_595 : vector<1024x128xi1>, vector<1024x128xi32>
    %lt3A_601 = arith.cmpf olt, %select_n3A_598, %select_n3A_573 : vector<1024x128xf32>
    %select_n3A_602 = arith.select %lt3A_601, %select_n3A_598, %select_n3A_573 : vector<1024x128xi1>, vector<1024x128xf32>
    %select_n3A_603 = arith.select %lt3A_601, %select_n3A_573, %select_n3A_598 : vector<1024x128xi1>, vector<1024x128xf32>
    %select_n3A_604 = arith.select %lt3A_601, %select_n3A_600, %select_n3A_575 : vector<1024x128xi1>, vector<1024x128xi32>
    %select_n3A_605 = arith.select %lt3A_601, %select_n3A_575, %select_n3A_600 : vector<1024x128xi1>, vector<1024x128xi32>
    %lt3A_606 = arith.cmpf olt, %select_n3A_603, %select_n3A_578 : vector<1024x128xf32>
    %select_n3A_607 = arith.select %lt3A_606, %select_n3A_603, %select_n3A_578 : vector<1024x128xi1>, vector<1024x128xf32>
    %select_n3A_608 = arith.select %lt3A_606, %select_n3A_605, %select_n3A_579 : vector<1024x128xi1>, vector<1024x128xi32>
    %get3A_609 = arith.constant 0 : index
    %get3A_610 = arith.constant 2560 : index
    %get3A_611 = vector.load %arg10[%get3A_609, %get3A_610] : memref<1024x8192xf32, #tpu.memory_space<vmem>>, vector<1024x128xf32>
    %get3A_612 = arith.constant 0 : index
    %get3A_613 = arith.constant 2560 : index
    %get3A_614 = vector.load %arg9[%get3A_612, %get3A_613] : memref<1x8192xf32, #tpu.memory_space<vmem>>, vector<1x128xf32>
    %add3A_615 = vector.broadcast %get3A_614 : vector<1x128xf32> to vector<1024x128xf32>
    %add3A_616 = arith.addf %get3A_611, %add3A_615 : vector<1024x128xf32>
    %add3A_617 = arith.constant 2560 : i32
    %add3A_618 = vector.broadcast %add3A_617 : i32 to vector<1024x128xi32>
    %add3A_619 = arith.addi %iota3A, %add3A_618 : vector<1024x128xi32>
    %lt3A_620 = arith.cmpf olt, %add3A_616, %select_n3A_592 : vector<1024x128xf32>
    %select_n3A_621 = arith.select %lt3A_620, %add3A_616, %select_n3A_592 : vector<1024x128xi1>, vector<1024x128xf32>
    %select_n3A_622 = arith.select %lt3A_620, %select_n3A_592, %add3A_616 : vector<1024x128xi1>, vector<1024x128xf32>
    %select_n3A_623 = arith.select %lt3A_620, %add3A_619, %select_n3A_594 : vector<1024x128xi1>, vector<1024x128xi32>
    %select_n3A_624 = arith.select %lt3A_620, %select_n3A_594, %add3A_619 : vector<1024x128xi1>, vector<1024x128xi32>
    %lt3A_625 = arith.cmpf olt, %select_n3A_622, %select_n3A_597 : vector<1024x128xf32>
    %select_n3A_626 = arith.select %lt3A_625, %select_n3A_622, %select_n3A_597 : vector<1024x128xi1>, vector<1024x128xf32>
    %select_n3A_627 = arith.select %lt3A_625, %select_n3A_597, %select_n3A_622 : vector<1024x128xi1>, vector<1024x128xf32>
    %select_n3A_628 = arith.select %lt3A_625, %select_n3A_624, %select_n3A_599 : vector<1024x128xi1>, vector<1024x128xi32>
    %select_n3A_629 = arith.select %lt3A_625, %select_n3A_599, %select_n3A_624 : vector<1024x128xi1>, vector<1024x128xi32>
    %lt3A_630 = arith.cmpf olt, %select_n3A_627, %select_n3A_602 : vector<1024x128xf32>
    %select_n3A_631 = arith.select %lt3A_630, %select_n3A_627, %select_n3A_602 : vector<1024x128xi1>, vector<1024x128xf32>
    %select_n3A_632 = arith.select %lt3A_630, %select_n3A_602, %select_n3A_627 : vector<1024x128xi1>, vector<1024x128xf32>
    %select_n3A_633 = arith.select %lt3A_630, %select_n3A_629, %select_n3A_604 : vector<1024x128xi1>, vector<1024x128xi32>
    %select_n3A_634 = arith.select %lt3A_630, %select_n3A_604, %select_n3A_629 : vector<1024x128xi1>, vector<1024x128xi32>
    %lt3A_635 = arith.cmpf olt, %select_n3A_632, %select_n3A_607 : vector<1024x128xf32>
    %select_n3A_636 = arith.select %lt3A_635, %select_n3A_632, %select_n3A_607 : vector<1024x128xi1>, vector<1024x128xf32>
    %select_n3A_637 = arith.select %lt3A_635, %select_n3A_634, %select_n3A_608 : vector<1024x128xi1>, vector<1024x128xi32>
    %get3A_638 = arith.constant 0 : index
    %get3A_639 = arith.constant 2688 : index
    %get3A_640 = vector.load %arg10[%get3A_638, %get3A_639] : memref<1024x8192xf32, #tpu.memory_space<vmem>>, vector<1024x128xf32>
    %get3A_641 = arith.constant 0 : index
    %get3A_642 = arith.constant 2688 : index
    %get3A_643 = vector.load %arg9[%get3A_641, %get3A_642] : memref<1x8192xf32, #tpu.memory_space<vmem>>, vector<1x128xf32>
    %add3A_644 = vector.broadcast %get3A_643 : vector<1x128xf32> to vector<1024x128xf32>
    %add3A_645 = arith.addf %get3A_640, %add3A_644 : vector<1024x128xf32>
    %add3A_646 = arith.constant 2688 : i32
    %add3A_647 = vector.broadcast %add3A_646 : i32 to vector<1024x128xi32>
    %add3A_648 = arith.addi %iota3A, %add3A_647 : vector<1024x128xi32>
    %lt3A_649 = arith.cmpf olt, %add3A_645, %select_n3A_621 : vector<1024x128xf32>
    %select_n3A_650 = arith.select %lt3A_649, %add3A_645, %select_n3A_621 : vector<1024x128xi1>, vector<1024x128xf32>
    %select_n3A_651 = arith.select %lt3A_649, %select_n3A_621, %add3A_645 : vector<1024x128xi1>, vector<1024x128xf32>
    %select_n3A_652 = arith.select %lt3A_649, %add3A_648, %select_n3A_623 : vector<1024x128xi1>, vector<1024x128xi32>
    %select_n3A_653 = arith.select %lt3A_649, %select_n3A_623, %add3A_648 : vector<1024x128xi1>, vector<1024x128xi32>
    %lt3A_654 = arith.cmpf olt, %select_n3A_651, %select_n3A_626 : vector<1024x128xf32>
    %select_n3A_655 = arith.select %lt3A_654, %select_n3A_651, %select_n3A_626 : vector<1024x128xi1>, vector<1024x128xf32>
    %select_n3A_656 = arith.select %lt3A_654, %select_n3A_626, %select_n3A_651 : vector<1024x128xi1>, vector<1024x128xf32>
    %select_n3A_657 = arith.select %lt3A_654, %select_n3A_653, %select_n3A_628 : vector<1024x128xi1>, vector<1024x128xi32>
    %select_n3A_658 = arith.select %lt3A_654, %select_n3A_628, %select_n3A_653 : vector<1024x128xi1>, vector<1024x128xi32>
    %lt3A_659 = arith.cmpf olt, %select_n3A_656, %select_n3A_631 : vector<1024x128xf32>
    %select_n3A_660 = arith.select %lt3A_659, %select_n3A_656, %select_n3A_631 : vector<1024x128xi1>, vector<1024x128xf32>
    %select_n3A_661 = arith.select %lt3A_659, %select_n3A_631, %select_n3A_656 : vector<1024x128xi1>, vector<1024x128xf32>
    %select_n3A_662 = arith.select %lt3A_659, %select_n3A_658, %select_n3A_633 : vector<1024x128xi1>, vector<1024x128xi32>
    %select_n3A_663 = arith.select %lt3A_659, %select_n3A_633, %select_n3A_658 : vector<1024x128xi1>, vector<1024x128xi32>
    %lt3A_664 = arith.cmpf olt, %select_n3A_661, %select_n3A_636 : vector<1024x128xf32>
    %select_n3A_665 = arith.select %lt3A_664, %select_n3A_661, %select_n3A_636 : vector<1024x128xi1>, vector<1024x128xf32>
    %select_n3A_666 = arith.select %lt3A_664, %select_n3A_663, %select_n3A_637 : vector<1024x128xi1>, vector<1024x128xi32>
    %get3A_667 = arith.constant 0 : index
    %get3A_668 = arith.constant 2816 : index
    %get3A_669 = vector.load %arg10[%get3A_667, %get3A_668] : memref<1024x8192xf32, #tpu.memory_space<vmem>>, vector<1024x128xf32>
    %get3A_670 = arith.constant 0 : index
    %get3A_671 = arith.constant 2816 : index
    %get3A_672 = vector.load %arg9[%get3A_670, %get3A_671] : memref<1x8192xf32, #tpu.memory_space<vmem>>, vector<1x128xf32>
    %add3A_673 = vector.broadcast %get3A_672 : vector<1x128xf32> to vector<1024x128xf32>
    %add3A_674 = arith.addf %get3A_669, %add3A_673 : vector<1024x128xf32>
    %add3A_675 = arith.constant 2816 : i32
    %add3A_676 = vector.broadcast %add3A_675 : i32 to vector<1024x128xi32>
    %add3A_677 = arith.addi %iota3A, %add3A_676 : vector<1024x128xi32>
    %lt3A_678 = arith.cmpf olt, %add3A_674, %select_n3A_650 : vector<1024x128xf32>
    %select_n3A_679 = arith.select %lt3A_678, %add3A_674, %select_n3A_650 : vector<1024x128xi1>, vector<1024x128xf32>
    %select_n3A_680 = arith.select %lt3A_678, %select_n3A_650, %add3A_674 : vector<1024x128xi1>, vector<1024x128xf32>
    %select_n3A_681 = arith.select %lt3A_678, %add3A_677, %select_n3A_652 : vector<1024x128xi1>, vector<1024x128xi32>
    %select_n3A_682 = arith.select %lt3A_678, %select_n3A_652, %add3A_677 : vector<1024x128xi1>, vector<1024x128xi32>
    %lt3A_683 = arith.cmpf olt, %select_n3A_680, %select_n3A_655 : vector<1024x128xf32>
    %select_n3A_684 = arith.select %lt3A_683, %select_n3A_680, %select_n3A_655 : vector<1024x128xi1>, vector<1024x128xf32>
    %select_n3A_685 = arith.select %lt3A_683, %select_n3A_655, %select_n3A_680 : vector<1024x128xi1>, vector<1024x128xf32>
    %select_n3A_686 = arith.select %lt3A_683, %select_n3A_682, %select_n3A_657 : vector<1024x128xi1>, vector<1024x128xi32>
    %select_n3A_687 = arith.select %lt3A_683, %select_n3A_657, %select_n3A_682 : vector<1024x128xi1>, vector<1024x128xi32>
    %lt3A_688 = arith.cmpf olt, %select_n3A_685, %select_n3A_660 : vector<1024x128xf32>
    %select_n3A_689 = arith.select %lt3A_688, %select_n3A_685, %select_n3A_660 : vector<1024x128xi1>, vector<1024x128xf32>
    %select_n3A_690 = arith.select %lt3A_688, %select_n3A_660, %select_n3A_685 : vector<1024x128xi1>, vector<1024x128xf32>
    %select_n3A_691 = arith.select %lt3A_688, %select_n3A_687, %select_n3A_662 : vector<1024x128xi1>, vector<1024x128xi32>
    %select_n3A_692 = arith.select %lt3A_688, %select_n3A_662, %select_n3A_687 : vector<1024x128xi1>, vector<1024x128xi32>
    %lt3A_693 = arith.cmpf olt, %select_n3A_690, %select_n3A_665 : vector<1024x128xf32>
    %select_n3A_694 = arith.select %lt3A_693, %select_n3A_690, %select_n3A_665 : vector<1024x128xi1>, vector<1024x128xf32>
    %select_n3A_695 = arith.select %lt3A_693, %select_n3A_692, %select_n3A_666 : vector<1024x128xi1>, vector<1024x128xi32>
    %get3A_696 = arith.constant 0 : index
    %get3A_697 = arith.constant 2944 : index
    %get3A_698 = vector.load %arg10[%get3A_696, %get3A_697] : memref<1024x8192xf32, #tpu.memory_space<vmem>>, vector<1024x128xf32>
    %get3A_699 = arith.constant 0 : index
    %get3A_700 = arith.constant 2944 : index
    %get3A_701 = vector.load %arg9[%get3A_699, %get3A_700] : memref<1x8192xf32, #tpu.memory_space<vmem>>, vector<1x128xf32>
    %add3A_702 = vector.broadcast %get3A_701 : vector<1x128xf32> to vector<1024x128xf32>
    %add3A_703 = arith.addf %get3A_698, %add3A_702 : vector<1024x128xf32>
    %add3A_704 = arith.constant 2944 : i32
    %add3A_705 = vector.broadcast %add3A_704 : i32 to vector<1024x128xi32>
    %add3A_706 = arith.addi %iota3A, %add3A_705 : vector<1024x128xi32>
    %lt3A_707 = arith.cmpf olt, %add3A_703, %select_n3A_679 : vector<1024x128xf32>
    %select_n3A_708 = arith.select %lt3A_707, %add3A_703, %select_n3A_679 : vector<1024x128xi1>, vector<1024x128xf32>
    %select_n3A_709 = arith.select %lt3A_707, %select_n3A_679, %add3A_703 : vector<1024x128xi1>, vector<1024x128xf32>
    %select_n3A_710 = arith.select %lt3A_707, %add3A_706, %select_n3A_681 : vector<1024x128xi1>, vector<1024x128xi32>
    %select_n3A_711 = arith.select %lt3A_707, %select_n3A_681, %add3A_706 : vector<1024x128xi1>, vector<1024x128xi32>
    %lt3A_712 = arith.cmpf olt, %select_n3A_709, %select_n3A_684 : vector<1024x128xf32>
    %select_n3A_713 = arith.select %lt3A_712, %select_n3A_709, %select_n3A_684 : vector<1024x128xi1>, vector<1024x128xf32>
    %select_n3A_714 = arith.select %lt3A_712, %select_n3A_684, %select_n3A_709 : vector<1024x128xi1>, vector<1024x128xf32>
    %select_n3A_715 = arith.select %lt3A_712, %select_n3A_711, %select_n3A_686 : vector<1024x128xi1>, vector<1024x128xi32>
    %select_n3A_716 = arith.select %lt3A_712, %select_n3A_686, %select_n3A_711 : vector<1024x128xi1>, vector<1024x128xi32>
    %lt3A_717 = arith.cmpf olt, %select_n3A_714, %select_n3A_689 : vector<1024x128xf32>
    %select_n3A_718 = arith.select %lt3A_717, %select_n3A_714, %select_n3A_689 : vector<1024x128xi1>, vector<1024x128xf32>
    %select_n3A_719 = arith.select %lt3A_717, %select_n3A_689, %select_n3A_714 : vector<1024x128xi1>, vector<1024x128xf32>
    %select_n3A_720 = arith.select %lt3A_717, %select_n3A_716, %select_n3A_691 : vector<1024x128xi1>, vector<1024x128xi32>
    %select_n3A_721 = arith.select %lt3A_717, %select_n3A_691, %select_n3A_716 : vector<1024x128xi1>, vector<1024x128xi32>
    %lt3A_722 = arith.cmpf olt, %select_n3A_719, %select_n3A_694 : vector<1024x128xf32>
    %select_n3A_723 = arith.select %lt3A_722, %select_n3A_719, %select_n3A_694 : vector<1024x128xi1>, vector<1024x128xf32>
    %select_n3A_724 = arith.select %lt3A_722, %select_n3A_721, %select_n3A_695 : vector<1024x128xi1>, vector<1024x128xi32>
    %get3A_725 = arith.constant 0 : index
    %get3A_726 = arith.constant 3072 : index
    %get3A_727 = vector.load %arg10[%get3A_725, %get3A_726] : memref<1024x8192xf32, #tpu.memory_space<vmem>>, vector<1024x128xf32>
    %get3A_728 = arith.constant 0 : index
    %get3A_729 = arith.constant 3072 : index
    %get3A_730 = vector.load %arg9[%get3A_728, %get3A_729] : memref<1x8192xf32, #tpu.memory_space<vmem>>, vector<1x128xf32>
    %add3A_731 = vector.broadcast %get3A_730 : vector<1x128xf32> to vector<1024x128xf32>
    %add3A_732 = arith.addf %get3A_727, %add3A_731 : vector<1024x128xf32>
    %add3A_733 = arith.constant 3072 : i32
    %add3A_734 = vector.broadcast %add3A_733 : i32 to vector<1024x128xi32>
    %add3A_735 = arith.addi %iota3A, %add3A_734 : vector<1024x128xi32>
    %lt3A_736 = arith.cmpf olt, %add3A_732, %select_n3A_708 : vector<1024x128xf32>
    %select_n3A_737 = arith.select %lt3A_736, %add3A_732, %select_n3A_708 : vector<1024x128xi1>, vector<1024x128xf32>
    %select_n3A_738 = arith.select %lt3A_736, %select_n3A_708, %add3A_732 : vector<1024x128xi1>, vector<1024x128xf32>
    %select_n3A_739 = arith.select %lt3A_736, %add3A_735, %select_n3A_710 : vector<1024x128xi1>, vector<1024x128xi32>
    %select_n3A_740 = arith.select %lt3A_736, %select_n3A_710, %add3A_735 : vector<1024x128xi1>, vector<1024x128xi32>
    %lt3A_741 = arith.cmpf olt, %select_n3A_738, %select_n3A_713 : vector<1024x128xf32>
    %select_n3A_742 = arith.select %lt3A_741, %select_n3A_738, %select_n3A_713 : vector<1024x128xi1>, vector<1024x128xf32>
    %select_n3A_743 = arith.select %lt3A_741, %select_n3A_713, %select_n3A_738 : vector<1024x128xi1>, vector<1024x128xf32>
    %select_n3A_744 = arith.select %lt3A_741, %select_n3A_740, %select_n3A_715 : vector<1024x128xi1>, vector<1024x128xi32>
    %select_n3A_745 = arith.select %lt3A_741, %select_n3A_715, %select_n3A_740 : vector<1024x128xi1>, vector<1024x128xi32>
    %lt3A_746 = arith.cmpf olt, %select_n3A_743, %select_n3A_718 : vector<1024x128xf32>
    %select_n3A_747 = arith.select %lt3A_746, %select_n3A_743, %select_n3A_718 : vector<1024x128xi1>, vector<1024x128xf32>
    %select_n3A_748 = arith.select %lt3A_746, %select_n3A_718, %select_n3A_743 : vector<1024x128xi1>, vector<1024x128xf32>
    %select_n3A_749 = arith.select %lt3A_746, %select_n3A_745, %select_n3A_720 : vector<1024x128xi1>, vector<1024x128xi32>
    %select_n3A_750 = arith.select %lt3A_746, %select_n3A_720, %select_n3A_745 : vector<1024x128xi1>, vector<1024x128xi32>
    %lt3A_751 = arith.cmpf olt, %select_n3A_748, %select_n3A_723 : vector<1024x128xf32>
    %select_n3A_752 = arith.select %lt3A_751, %select_n3A_748, %select_n3A_723 : vector<1024x128xi1>, vector<1024x128xf32>
    %select_n3A_753 = arith.select %lt3A_751, %select_n3A_750, %select_n3A_724 : vector<1024x128xi1>, vector<1024x128xi32>
    %get3A_754 = arith.constant 0 : index
    %get3A_755 = arith.constant 3200 : index
    %get3A_756 = vector.load %arg10[%get3A_754, %get3A_755] : memref<1024x8192xf32, #tpu.memory_space<vmem>>, vector<1024x128xf32>
    %get3A_757 = arith.constant 0 : index
    %get3A_758 = arith.constant 3200 : index
    %get3A_759 = vector.load %arg9[%get3A_757, %get3A_758] : memref<1x8192xf32, #tpu.memory_space<vmem>>, vector<1x128xf32>
    %add3A_760 = vector.broadcast %get3A_759 : vector<1x128xf32> to vector<1024x128xf32>
    %add3A_761 = arith.addf %get3A_756, %add3A_760 : vector<1024x128xf32>
    %add3A_762 = arith.constant 3200 : i32
    %add3A_763 = vector.broadcast %add3A_762 : i32 to vector<1024x128xi32>
    %add3A_764 = arith.addi %iota3A, %add3A_763 : vector<1024x128xi32>
    %lt3A_765 = arith.cmpf olt, %add3A_761, %select_n3A_737 : vector<1024x128xf32>
    %select_n3A_766 = arith.select %lt3A_765, %add3A_761, %select_n3A_737 : vector<1024x128xi1>, vector<1024x128xf32>
    %select_n3A_767 = arith.select %lt3A_765, %select_n3A_737, %add3A_761 : vector<1024x128xi1>, vector<1024x128xf32>
    %select_n3A_768 = arith.select %lt3A_765, %add3A_764, %select_n3A_739 : vector<1024x128xi1>, vector<1024x128xi32>
    %select_n3A_769 = arith.select %lt3A_765, %select_n3A_739, %add3A_764 : vector<1024x128xi1>, vector<1024x128xi32>
    %lt3A_770 = arith.cmpf olt, %select_n3A_767, %select_n3A_742 : vector<1024x128xf32>
    %select_n3A_771 = arith.select %lt3A_770, %select_n3A_767, %select_n3A_742 : vector<1024x128xi1>, vector<1024x128xf32>
    %select_n3A_772 = arith.select %lt3A_770, %select_n3A_742, %select_n3A_767 : vector<1024x128xi1>, vector<1024x128xf32>
    %select_n3A_773 = arith.select %lt3A_770, %select_n3A_769, %select_n3A_744 : vector<1024x128xi1>, vector<1024x128xi32>
    %select_n3A_774 = arith.select %lt3A_770, %select_n3A_744, %select_n3A_769 : vector<1024x128xi1>, vector<1024x128xi32>
    %lt3A_775 = arith.cmpf olt, %select_n3A_772, %select_n3A_747 : vector<1024x128xf32>
    %select_n3A_776 = arith.select %lt3A_775, %select_n3A_772, %select_n3A_747 : vector<1024x128xi1>, vector<1024x128xf32>
    %select_n3A_777 = arith.select %lt3A_775, %select_n3A_747, %select_n3A_772 : vector<1024x128xi1>, vector<1024x128xf32>
    %select_n3A_778 = arith.select %lt3A_775, %select_n3A_774, %select_n3A_749 : vector<1024x128xi1>, vector<1024x128xi32>
    %select_n3A_779 = arith.select %lt3A_775, %select_n3A_749, %select_n3A_774 : vector<1024x128xi1>, vector<1024x128xi32>
    %lt3A_780 = arith.cmpf olt, %select_n3A_777, %select_n3A_752 : vector<1024x128xf32>
    %select_n3A_781 = arith.select %lt3A_780, %select_n3A_777, %select_n3A_752 : vector<1024x128xi1>, vector<1024x128xf32>
    %select_n3A_782 = arith.select %lt3A_780, %select_n3A_779, %select_n3A_753 : vector<1024x128xi1>, vector<1024x128xi32>
    %get3A_783 = arith.constant 0 : index
    %get3A_784 = arith.constant 3328 : index
    %get3A_785 = vector.load %arg10[%get3A_783, %get3A_784] : memref<1024x8192xf32, #tpu.memory_space<vmem>>, vector<1024x128xf32>
    %get3A_786 = arith.constant 0 : index
    %get3A_787 = arith.constant 3328 : index
    %get3A_788 = vector.load %arg9[%get3A_786, %get3A_787] : memref<1x8192xf32, #tpu.memory_space<vmem>>, vector<1x128xf32>
    %add3A_789 = vector.broadcast %get3A_788 : vector<1x128xf32> to vector<1024x128xf32>
    %add3A_790 = arith.addf %get3A_785, %add3A_789 : vector<1024x128xf32>
    %add3A_791 = arith.constant 3328 : i32
    %add3A_792 = vector.broadcast %add3A_791 : i32 to vector<1024x128xi32>
    %add3A_793 = arith.addi %iota3A, %add3A_792 : vector<1024x128xi32>
    %lt3A_794 = arith.cmpf olt, %add3A_790, %select_n3A_766 : vector<1024x128xf32>
    %select_n3A_795 = arith.select %lt3A_794, %add3A_790, %select_n3A_766 : vector<1024x128xi1>, vector<1024x128xf32>
    %select_n3A_796 = arith.select %lt3A_794, %select_n3A_766, %add3A_790 : vector<1024x128xi1>, vector<1024x128xf32>
    %select_n3A_797 = arith.select %lt3A_794, %add3A_793, %select_n3A_768 : vector<1024x128xi1>, vector<1024x128xi32>
    %select_n3A_798 = arith.select %lt3A_794, %select_n3A_768, %add3A_793 : vector<1024x128xi1>, vector<1024x128xi32>
    %lt3A_799 = arith.cmpf olt, %select_n3A_796, %select_n3A_771 : vector<1024x128xf32>
    %select_n3A_800 = arith.select %lt3A_799, %select_n3A_796, %select_n3A_771 : vector<1024x128xi1>, vector<1024x128xf32>
    %select_n3A_801 = arith.select %lt3A_799, %select_n3A_771, %select_n3A_796 : vector<1024x128xi1>, vector<1024x128xf32>
    %select_n3A_802 = arith.select %lt3A_799, %select_n3A_798, %select_n3A_773 : vector<1024x128xi1>, vector<1024x128xi32>
    %select_n3A_803 = arith.select %lt3A_799, %select_n3A_773, %select_n3A_798 : vector<1024x128xi1>, vector<1024x128xi32>
    %lt3A_804 = arith.cmpf olt, %select_n3A_801, %select_n3A_776 : vector<1024x128xf32>
    %select_n3A_805 = arith.select %lt3A_804, %select_n3A_801, %select_n3A_776 : vector<1024x128xi1>, vector<1024x128xf32>
    %select_n3A_806 = arith.select %lt3A_804, %select_n3A_776, %select_n3A_801 : vector<1024x128xi1>, vector<1024x128xf32>
    %select_n3A_807 = arith.select %lt3A_804, %select_n3A_803, %select_n3A_778 : vector<1024x128xi1>, vector<1024x128xi32>
    %select_n3A_808 = arith.select %lt3A_804, %select_n3A_778, %select_n3A_803 : vector<1024x128xi1>, vector<1024x128xi32>
    %lt3A_809 = arith.cmpf olt, %select_n3A_806, %select_n3A_781 : vector<1024x128xf32>
    %select_n3A_810 = arith.select %lt3A_809, %select_n3A_806, %select_n3A_781 : vector<1024x128xi1>, vector<1024x128xf32>
    %select_n3A_811 = arith.select %lt3A_809, %select_n3A_808, %select_n3A_782 : vector<1024x128xi1>, vector<1024x128xi32>
    %get3A_812 = arith.constant 0 : index
    %get3A_813 = arith.constant 3456 : index
    %get3A_814 = vector.load %arg10[%get3A_812, %get3A_813] : memref<1024x8192xf32, #tpu.memory_space<vmem>>, vector<1024x128xf32>
    %get3A_815 = arith.constant 0 : index
    %get3A_816 = arith.constant 3456 : index
    %get3A_817 = vector.load %arg9[%get3A_815, %get3A_816] : memref<1x8192xf32, #tpu.memory_space<vmem>>, vector<1x128xf32>
    %add3A_818 = vector.broadcast %get3A_817 : vector<1x128xf32> to vector<1024x128xf32>
    %add3A_819 = arith.addf %get3A_814, %add3A_818 : vector<1024x128xf32>
    %add3A_820 = arith.constant 3456 : i32
    %add3A_821 = vector.broadcast %add3A_820 : i32 to vector<1024x128xi32>
    %add3A_822 = arith.addi %iota3A, %add3A_821 : vector<1024x128xi32>
    %lt3A_823 = arith.cmpf olt, %add3A_819, %select_n3A_795 : vector<1024x128xf32>
    %select_n3A_824 = arith.select %lt3A_823, %add3A_819, %select_n3A_795 : vector<1024x128xi1>, vector<1024x128xf32>
    %select_n3A_825 = arith.select %lt3A_823, %select_n3A_795, %add3A_819 : vector<1024x128xi1>, vector<1024x128xf32>
    %select_n3A_826 = arith.select %lt3A_823, %add3A_822, %select_n3A_797 : vector<1024x128xi1>, vector<1024x128xi32>
    %select_n3A_827 = arith.select %lt3A_823, %select_n3A_797, %add3A_822 : vector<1024x128xi1>, vector<1024x128xi32>
    %lt3A_828 = arith.cmpf olt, %select_n3A_825, %select_n3A_800 : vector<1024x128xf32>
    %select_n3A_829 = arith.select %lt3A_828, %select_n3A_825, %select_n3A_800 : vector<1024x128xi1>, vector<1024x128xf32>
    %select_n3A_830 = arith.select %lt3A_828, %select_n3A_800, %select_n3A_825 : vector<1024x128xi1>, vector<1024x128xf32>
    %select_n3A_831 = arith.select %lt3A_828, %select_n3A_827, %select_n3A_802 : vector<1024x128xi1>, vector<1024x128xi32>
    %select_n3A_832 = arith.select %lt3A_828, %select_n3A_802, %select_n3A_827 : vector<1024x128xi1>, vector<1024x128xi32>
    %lt3A_833 = arith.cmpf olt, %select_n3A_830, %select_n3A_805 : vector<1024x128xf32>
    %select_n3A_834 = arith.select %lt3A_833, %select_n3A_830, %select_n3A_805 : vector<1024x128xi1>, vector<1024x128xf32>
    %select_n3A_835 = arith.select %lt3A_833, %select_n3A_805, %select_n3A_830 : vector<1024x128xi1>, vector<1024x128xf32>
    %select_n3A_836 = arith.select %lt3A_833, %select_n3A_832, %select_n3A_807 : vector<1024x128xi1>, vector<1024x128xi32>
    %select_n3A_837 = arith.select %lt3A_833, %select_n3A_807, %select_n3A_832 : vector<1024x128xi1>, vector<1024x128xi32>
    %lt3A_838 = arith.cmpf olt, %select_n3A_835, %select_n3A_810 : vector<1024x128xf32>
    %select_n3A_839 = arith.select %lt3A_838, %select_n3A_835, %select_n3A_810 : vector<1024x128xi1>, vector<1024x128xf32>
    %select_n3A_840 = arith.select %lt3A_838, %select_n3A_837, %select_n3A_811 : vector<1024x128xi1>, vector<1024x128xi32>
    %get3A_841 = arith.constant 0 : index
    %get3A_842 = arith.constant 3584 : index
    %get3A_843 = vector.load %arg10[%get3A_841, %get3A_842] : memref<1024x8192xf32, #tpu.memory_space<vmem>>, vector<1024x128xf32>
    %get3A_844 = arith.constant 0 : index
    %get3A_845 = arith.constant 3584 : index
    %get3A_846 = vector.load %arg9[%get3A_844, %get3A_845] : memref<1x8192xf32, #tpu.memory_space<vmem>>, vector<1x128xf32>
    %add3A_847 = vector.broadcast %get3A_846 : vector<1x128xf32> to vector<1024x128xf32>
    %add3A_848 = arith.addf %get3A_843, %add3A_847 : vector<1024x128xf32>
    %add3A_849 = arith.constant 3584 : i32
    %add3A_850 = vector.broadcast %add3A_849 : i32 to vector<1024x128xi32>
    %add3A_851 = arith.addi %iota3A, %add3A_850 : vector<1024x128xi32>
    %lt3A_852 = arith.cmpf olt, %add3A_848, %select_n3A_824 : vector<1024x128xf32>
    %select_n3A_853 = arith.select %lt3A_852, %add3A_848, %select_n3A_824 : vector<1024x128xi1>, vector<1024x128xf32>
    %select_n3A_854 = arith.select %lt3A_852, %select_n3A_824, %add3A_848 : vector<1024x128xi1>, vector<1024x128xf32>
    %select_n3A_855 = arith.select %lt3A_852, %add3A_851, %select_n3A_826 : vector<1024x128xi1>, vector<1024x128xi32>
    %select_n3A_856 = arith.select %lt3A_852, %select_n3A_826, %add3A_851 : vector<1024x128xi1>, vector<1024x128xi32>
    %lt3A_857 = arith.cmpf olt, %select_n3A_854, %select_n3A_829 : vector<1024x128xf32>
    %select_n3A_858 = arith.select %lt3A_857, %select_n3A_854, %select_n3A_829 : vector<1024x128xi1>, vector<1024x128xf32>
    %select_n3A_859 = arith.select %lt3A_857, %select_n3A_829, %select_n3A_854 : vector<1024x128xi1>, vector<1024x128xf32>
    %select_n3A_860 = arith.select %lt3A_857, %select_n3A_856, %select_n3A_831 : vector<1024x128xi1>, vector<1024x128xi32>
    %select_n3A_861 = arith.select %lt3A_857, %select_n3A_831, %select_n3A_856 : vector<1024x128xi1>, vector<1024x128xi32>
    %lt3A_862 = arith.cmpf olt, %select_n3A_859, %select_n3A_834 : vector<1024x128xf32>
    %select_n3A_863 = arith.select %lt3A_862, %select_n3A_859, %select_n3A_834 : vector<1024x128xi1>, vector<1024x128xf32>
    %select_n3A_864 = arith.select %lt3A_862, %select_n3A_834, %select_n3A_859 : vector<1024x128xi1>, vector<1024x128xf32>
    %select_n3A_865 = arith.select %lt3A_862, %select_n3A_861, %select_n3A_836 : vector<1024x128xi1>, vector<1024x128xi32>
    %select_n3A_866 = arith.select %lt3A_862, %select_n3A_836, %select_n3A_861 : vector<1024x128xi1>, vector<1024x128xi32>
    %lt3A_867 = arith.cmpf olt, %select_n3A_864, %select_n3A_839 : vector<1024x128xf32>
    %select_n3A_868 = arith.select %lt3A_867, %select_n3A_864, %select_n3A_839 : vector<1024x128xi1>, vector<1024x128xf32>
    %select_n3A_869 = arith.select %lt3A_867, %select_n3A_866, %select_n3A_840 : vector<1024x128xi1>, vector<1024x128xi32>
    %get3A_870 = arith.constant 0 : index
    %get3A_871 = arith.constant 3712 : index
    %get3A_872 = vector.load %arg10[%get3A_870, %get3A_871] : memref<1024x8192xf32, #tpu.memory_space<vmem>>, vector<1024x128xf32>
    %get3A_873 = arith.constant 0 : index
    %get3A_874 = arith.constant 3712 : index
    %get3A_875 = vector.load %arg9[%get3A_873, %get3A_874] : memref<1x8192xf32, #tpu.memory_space<vmem>>, vector<1x128xf32>
    %add3A_876 = vector.broadcast %get3A_875 : vector<1x128xf32> to vector<1024x128xf32>
    %add3A_877 = arith.addf %get3A_872, %add3A_876 : vector<1024x128xf32>
    %add3A_878 = arith.constant 3712 : i32
    %add3A_879 = vector.broadcast %add3A_878 : i32 to vector<1024x128xi32>
    %add3A_880 = arith.addi %iota3A, %add3A_879 : vector<1024x128xi32>
    %lt3A_881 = arith.cmpf olt, %add3A_877, %select_n3A_853 : vector<1024x128xf32>
    %select_n3A_882 = arith.select %lt3A_881, %add3A_877, %select_n3A_853 : vector<1024x128xi1>, vector<1024x128xf32>
    %select_n3A_883 = arith.select %lt3A_881, %select_n3A_853, %add3A_877 : vector<1024x128xi1>, vector<1024x128xf32>
    %select_n3A_884 = arith.select %lt3A_881, %add3A_880, %select_n3A_855 : vector<1024x128xi1>, vector<1024x128xi32>
    %select_n3A_885 = arith.select %lt3A_881, %select_n3A_855, %add3A_880 : vector<1024x128xi1>, vector<1024x128xi32>
    %lt3A_886 = arith.cmpf olt, %select_n3A_883, %select_n3A_858 : vector<1024x128xf32>
    %select_n3A_887 = arith.select %lt3A_886, %select_n3A_883, %select_n3A_858 : vector<1024x128xi1>, vector<1024x128xf32>
    %select_n3A_888 = arith.select %lt3A_886, %select_n3A_858, %select_n3A_883 : vector<1024x128xi1>, vector<1024x128xf32>
    %select_n3A_889 = arith.select %lt3A_886, %select_n3A_885, %select_n3A_860 : vector<1024x128xi1>, vector<1024x128xi32>
    %select_n3A_890 = arith.select %lt3A_886, %select_n3A_860, %select_n3A_885 : vector<1024x128xi1>, vector<1024x128xi32>
    %lt3A_891 = arith.cmpf olt, %select_n3A_888, %select_n3A_863 : vector<1024x128xf32>
    %select_n3A_892 = arith.select %lt3A_891, %select_n3A_888, %select_n3A_863 : vector<1024x128xi1>, vector<1024x128xf32>
    %select_n3A_893 = arith.select %lt3A_891, %select_n3A_863, %select_n3A_888 : vector<1024x128xi1>, vector<1024x128xf32>
    %select_n3A_894 = arith.select %lt3A_891, %select_n3A_890, %select_n3A_865 : vector<1024x128xi1>, vector<1024x128xi32>
    %select_n3A_895 = arith.select %lt3A_891, %select_n3A_865, %select_n3A_890 : vector<1024x128xi1>, vector<1024x128xi32>
    %lt3A_896 = arith.cmpf olt, %select_n3A_893, %select_n3A_868 : vector<1024x128xf32>
    %select_n3A_897 = arith.select %lt3A_896, %select_n3A_893, %select_n3A_868 : vector<1024x128xi1>, vector<1024x128xf32>
    %select_n3A_898 = arith.select %lt3A_896, %select_n3A_895, %select_n3A_869 : vector<1024x128xi1>, vector<1024x128xi32>
    %get3A_899 = arith.constant 0 : index
    %get3A_900 = arith.constant 3840 : index
    %get3A_901 = vector.load %arg10[%get3A_899, %get3A_900] : memref<1024x8192xf32, #tpu.memory_space<vmem>>, vector<1024x128xf32>
    %get3A_902 = arith.constant 0 : index
    %get3A_903 = arith.constant 3840 : index
    %get3A_904 = vector.load %arg9[%get3A_902, %get3A_903] : memref<1x8192xf32, #tpu.memory_space<vmem>>, vector<1x128xf32>
    %add3A_905 = vector.broadcast %get3A_904 : vector<1x128xf32> to vector<1024x128xf32>
    %add3A_906 = arith.addf %get3A_901, %add3A_905 : vector<1024x128xf32>
    %add3A_907 = arith.constant 3840 : i32
    %add3A_908 = vector.broadcast %add3A_907 : i32 to vector<1024x128xi32>
    %add3A_909 = arith.addi %iota3A, %add3A_908 : vector<1024x128xi32>
    %lt3A_910 = arith.cmpf olt, %add3A_906, %select_n3A_882 : vector<1024x128xf32>
    %select_n3A_911 = arith.select %lt3A_910, %add3A_906, %select_n3A_882 : vector<1024x128xi1>, vector<1024x128xf32>
    %select_n3A_912 = arith.select %lt3A_910, %select_n3A_882, %add3A_906 : vector<1024x128xi1>, vector<1024x128xf32>
    %select_n3A_913 = arith.select %lt3A_910, %add3A_909, %select_n3A_884 : vector<1024x128xi1>, vector<1024x128xi32>
    %select_n3A_914 = arith.select %lt3A_910, %select_n3A_884, %add3A_909 : vector<1024x128xi1>, vector<1024x128xi32>
    %lt3A_915 = arith.cmpf olt, %select_n3A_912, %select_n3A_887 : vector<1024x128xf32>
    %select_n3A_916 = arith.select %lt3A_915, %select_n3A_912, %select_n3A_887 : vector<1024x128xi1>, vector<1024x128xf32>
    %select_n3A_917 = arith.select %lt3A_915, %select_n3A_887, %select_n3A_912 : vector<1024x128xi1>, vector<1024x128xf32>
    %select_n3A_918 = arith.select %lt3A_915, %select_n3A_914, %select_n3A_889 : vector<1024x128xi1>, vector<1024x128xi32>
    %select_n3A_919 = arith.select %lt3A_915, %select_n3A_889, %select_n3A_914 : vector<1024x128xi1>, vector<1024x128xi32>
    %lt3A_920 = arith.cmpf olt, %select_n3A_917, %select_n3A_892 : vector<1024x128xf32>
    %select_n3A_921 = arith.select %lt3A_920, %select_n3A_917, %select_n3A_892 : vector<1024x128xi1>, vector<1024x128xf32>
    %select_n3A_922 = arith.select %lt3A_920, %select_n3A_892, %select_n3A_917 : vector<1024x128xi1>, vector<1024x128xf32>
    %select_n3A_923 = arith.select %lt3A_920, %select_n3A_919, %select_n3A_894 : vector<1024x128xi1>, vector<1024x128xi32>
    %select_n3A_924 = arith.select %lt3A_920, %select_n3A_894, %select_n3A_919 : vector<1024x128xi1>, vector<1024x128xi32>
    %lt3A_925 = arith.cmpf olt, %select_n3A_922, %select_n3A_897 : vector<1024x128xf32>
    %select_n3A_926 = arith.select %lt3A_925, %select_n3A_922, %select_n3A_897 : vector<1024x128xi1>, vector<1024x128xf32>
    %select_n3A_927 = arith.select %lt3A_925, %select_n3A_924, %select_n3A_898 : vector<1024x128xi1>, vector<1024x128xi32>
    %get3A_928 = arith.constant 0 : index
    %get3A_929 = arith.constant 3968 : index
    %get3A_930 = vector.load %arg10[%get3A_928, %get3A_929] : memref<1024x8192xf32, #tpu.memory_space<vmem>>, vector<1024x128xf32>
    %get3A_931 = arith.constant 0 : index
    %get3A_932 = arith.constant 3968 : index
    %get3A_933 = vector.load %arg9[%get3A_931, %get3A_932] : memref<1x8192xf32, #tpu.memory_space<vmem>>, vector<1x128xf32>
    %add3A_934 = vector.broadcast %get3A_933 : vector<1x128xf32> to vector<1024x128xf32>
    %add3A_935 = arith.addf %get3A_930, %add3A_934 : vector<1024x128xf32>
    %add3A_936 = arith.constant 3968 : i32
    %add3A_937 = vector.broadcast %add3A_936 : i32 to vector<1024x128xi32>
    %add3A_938 = arith.addi %iota3A, %add3A_937 : vector<1024x128xi32>
    %lt3A_939 = arith.cmpf olt, %add3A_935, %select_n3A_911 : vector<1024x128xf32>
    %select_n3A_940 = arith.select %lt3A_939, %add3A_935, %select_n3A_911 : vector<1024x128xi1>, vector<1024x128xf32>
    %select_n3A_941 = arith.select %lt3A_939, %select_n3A_911, %add3A_935 : vector<1024x128xi1>, vector<1024x128xf32>
    %select_n3A_942 = arith.select %lt3A_939, %add3A_938, %select_n3A_913 : vector<1024x128xi1>, vector<1024x128xi32>
    %select_n3A_943 = arith.select %lt3A_939, %select_n3A_913, %add3A_938 : vector<1024x128xi1>, vector<1024x128xi32>
    %lt3A_944 = arith.cmpf olt, %select_n3A_941, %select_n3A_916 : vector<1024x128xf32>
    %select_n3A_945 = arith.select %lt3A_944, %select_n3A_941, %select_n3A_916 : vector<1024x128xi1>, vector<1024x128xf32>
    %select_n3A_946 = arith.select %lt3A_944, %select_n3A_916, %select_n3A_941 : vector<1024x128xi1>, vector<1024x128xf32>
    %select_n3A_947 = arith.select %lt3A_944, %select_n3A_943, %select_n3A_918 : vector<1024x128xi1>, vector<1024x128xi32>
    %select_n3A_948 = arith.select %lt3A_944, %select_n3A_918, %select_n3A_943 : vector<1024x128xi1>, vector<1024x128xi32>
    %lt3A_949 = arith.cmpf olt, %select_n3A_946, %select_n3A_921 : vector<1024x128xf32>
    %select_n3A_950 = arith.select %lt3A_949, %select_n3A_946, %select_n3A_921 : vector<1024x128xi1>, vector<1024x128xf32>
    %select_n3A_951 = arith.select %lt3A_949, %select_n3A_921, %select_n3A_946 : vector<1024x128xi1>, vector<1024x128xf32>
    %select_n3A_952 = arith.select %lt3A_949, %select_n3A_948, %select_n3A_923 : vector<1024x128xi1>, vector<1024x128xi32>
    %select_n3A_953 = arith.select %lt3A_949, %select_n3A_923, %select_n3A_948 : vector<1024x128xi1>, vector<1024x128xi32>
    %lt3A_954 = arith.cmpf olt, %select_n3A_951, %select_n3A_926 : vector<1024x128xf32>
    %select_n3A_955 = arith.select %lt3A_954, %select_n3A_951, %select_n3A_926 : vector<1024x128xi1>, vector<1024x128xf32>
    %select_n3A_956 = arith.select %lt3A_954, %select_n3A_953, %select_n3A_927 : vector<1024x128xi1>, vector<1024x128xi32>
    %get3A_957 = arith.constant 0 : index
    %get3A_958 = arith.constant 4096 : index
    %get3A_959 = vector.load %arg10[%get3A_957, %get3A_958] : memref<1024x8192xf32, #tpu.memory_space<vmem>>, vector<1024x128xf32>
    %get3A_960 = arith.constant 0 : index
    %get3A_961 = arith.constant 4096 : index
    %get3A_962 = vector.load %arg9[%get3A_960, %get3A_961] : memref<1x8192xf32, #tpu.memory_space<vmem>>, vector<1x128xf32>
    %add3A_963 = vector.broadcast %get3A_962 : vector<1x128xf32> to vector<1024x128xf32>
    %add3A_964 = arith.addf %get3A_959, %add3A_963 : vector<1024x128xf32>
    %add3A_965 = arith.constant 4096 : i32
    %add3A_966 = vector.broadcast %add3A_965 : i32 to vector<1024x128xi32>
    %add3A_967 = arith.addi %iota3A, %add3A_966 : vector<1024x128xi32>
    %lt3A_968 = arith.cmpf olt, %add3A_964, %select_n3A_940 : vector<1024x128xf32>
    %select_n3A_969 = arith.select %lt3A_968, %add3A_964, %select_n3A_940 : vector<1024x128xi1>, vector<1024x128xf32>
    %select_n3A_970 = arith.select %lt3A_968, %select_n3A_940, %add3A_964 : vector<1024x128xi1>, vector<1024x128xf32>
    %select_n3A_971 = arith.select %lt3A_968, %add3A_967, %select_n3A_942 : vector<1024x128xi1>, vector<1024x128xi32>
    %select_n3A_972 = arith.select %lt3A_968, %select_n3A_942, %add3A_967 : vector<1024x128xi1>, vector<1024x128xi32>
    %lt3A_973 = arith.cmpf olt, %select_n3A_970, %select_n3A_945 : vector<1024x128xf32>
    %select_n3A_974 = arith.select %lt3A_973, %select_n3A_970, %select_n3A_945 : vector<1024x128xi1>, vector<1024x128xf32>
    %select_n3A_975 = arith.select %lt3A_973, %select_n3A_945, %select_n3A_970 : vector<1024x128xi1>, vector<1024x128xf32>
    %select_n3A_976 = arith.select %lt3A_973, %select_n3A_972, %select_n3A_947 : vector<1024x128xi1>, vector<1024x128xi32>
    %select_n3A_977 = arith.select %lt3A_973, %select_n3A_947, %select_n3A_972 : vector<1024x128xi1>, vector<1024x128xi32>
    %lt3A_978 = arith.cmpf olt, %select_n3A_975, %select_n3A_950 : vector<1024x128xf32>
    %select_n3A_979 = arith.select %lt3A_978, %select_n3A_975, %select_n3A_950 : vector<1024x128xi1>, vector<1024x128xf32>
    %select_n3A_980 = arith.select %lt3A_978, %select_n3A_950, %select_n3A_975 : vector<1024x128xi1>, vector<1024x128xf32>
    %select_n3A_981 = arith.select %lt3A_978, %select_n3A_977, %select_n3A_952 : vector<1024x128xi1>, vector<1024x128xi32>
    %select_n3A_982 = arith.select %lt3A_978, %select_n3A_952, %select_n3A_977 : vector<1024x128xi1>, vector<1024x128xi32>
    %lt3A_983 = arith.cmpf olt, %select_n3A_980, %select_n3A_955 : vector<1024x128xf32>
    %select_n3A_984 = arith.select %lt3A_983, %select_n3A_980, %select_n3A_955 : vector<1024x128xi1>, vector<1024x128xf32>
    %select_n3A_985 = arith.select %lt3A_983, %select_n3A_982, %select_n3A_956 : vector<1024x128xi1>, vector<1024x128xi32>
    %get3A_986 = arith.constant 0 : index
    %get3A_987 = arith.constant 4224 : index
    %get3A_988 = vector.load %arg10[%get3A_986, %get3A_987] : memref<1024x8192xf32, #tpu.memory_space<vmem>>, vector<1024x128xf32>
    %get3A_989 = arith.constant 0 : index
    %get3A_990 = arith.constant 4224 : index
    %get3A_991 = vector.load %arg9[%get3A_989, %get3A_990] : memref<1x8192xf32, #tpu.memory_space<vmem>>, vector<1x128xf32>
    %add3A_992 = vector.broadcast %get3A_991 : vector<1x128xf32> to vector<1024x128xf32>
    %add3A_993 = arith.addf %get3A_988, %add3A_992 : vector<1024x128xf32>
    %add3A_994 = arith.constant 4224 : i32
    %add3A_995 = vector.broadcast %add3A_994 : i32 to vector<1024x128xi32>
    %add3A_996 = arith.addi %iota3A, %add3A_995 : vector<1024x128xi32>
    %lt3A_997 = arith.cmpf olt, %add3A_993, %select_n3A_969 : vector<1024x128xf32>
    %select_n3A_998 = arith.select %lt3A_997, %add3A_993, %select_n3A_969 : vector<1024x128xi1>, vector<1024x128xf32>
    %select_n3A_999 = arith.select %lt3A_997, %select_n3A_969, %add3A_993 : vector<1024x128xi1>, vector<1024x128xf32>
    %select_n3A_1000 = arith.select %lt3A_997, %add3A_996, %select_n3A_971 : vector<1024x128xi1>, vector<1024x128xi32>
    %select_n3A_1001 = arith.select %lt3A_997, %select_n3A_971, %add3A_996 : vector<1024x128xi1>, vector<1024x128xi32>
    %lt3A_1002 = arith.cmpf olt, %select_n3A_999, %select_n3A_974 : vector<1024x128xf32>
    %select_n3A_1003 = arith.select %lt3A_1002, %select_n3A_999, %select_n3A_974 : vector<1024x128xi1>, vector<1024x128xf32>
    %select_n3A_1004 = arith.select %lt3A_1002, %select_n3A_974, %select_n3A_999 : vector<1024x128xi1>, vector<1024x128xf32>
    %select_n3A_1005 = arith.select %lt3A_1002, %select_n3A_1001, %select_n3A_976 : vector<1024x128xi1>, vector<1024x128xi32>
    %select_n3A_1006 = arith.select %lt3A_1002, %select_n3A_976, %select_n3A_1001 : vector<1024x128xi1>, vector<1024x128xi32>
    %lt3A_1007 = arith.cmpf olt, %select_n3A_1004, %select_n3A_979 : vector<1024x128xf32>
    %select_n3A_1008 = arith.select %lt3A_1007, %select_n3A_1004, %select_n3A_979 : vector<1024x128xi1>, vector<1024x128xf32>
    %select_n3A_1009 = arith.select %lt3A_1007, %select_n3A_979, %select_n3A_1004 : vector<1024x128xi1>, vector<1024x128xf32>
    %select_n3A_1010 = arith.select %lt3A_1007, %select_n3A_1006, %select_n3A_981 : vector<1024x128xi1>, vector<1024x128xi32>
    %select_n3A_1011 = arith.select %lt3A_1007, %select_n3A_981, %select_n3A_1006 : vector<1024x128xi1>, vector<1024x128xi32>
    %lt3A_1012 = arith.cmpf olt, %select_n3A_1009, %select_n3A_984 : vector<1024x128xf32>
    %select_n3A_1013 = arith.select %lt3A_1012, %select_n3A_1009, %select_n3A_984 : vector<1024x128xi1>, vector<1024x128xf32>
    %select_n3A_1014 = arith.select %lt3A_1012, %select_n3A_1011, %select_n3A_985 : vector<1024x128xi1>, vector<1024x128xi32>
    %get3A_1015 = arith.constant 0 : index
    %get3A_1016 = arith.constant 4352 : index
    %get3A_1017 = vector.load %arg10[%get3A_1015, %get3A_1016] : memref<1024x8192xf32, #tpu.memory_space<vmem>>, vector<1024x128xf32>
    %get3A_1018 = arith.constant 0 : index
    %get3A_1019 = arith.constant 4352 : index
    %get3A_1020 = vector.load %arg9[%get3A_1018, %get3A_1019] : memref<1x8192xf32, #tpu.memory_space<vmem>>, vector<1x128xf32>
    %add3A_1021 = vector.broadcast %get3A_1020 : vector<1x128xf32> to vector<1024x128xf32>
    %add3A_1022 = arith.addf %get3A_1017, %add3A_1021 : vector<1024x128xf32>
    %add3A_1023 = arith.constant 4352 : i32
    %add3A_1024 = vector.broadcast %add3A_1023 : i32 to vector<1024x128xi32>
    %add3A_1025 = arith.addi %iota3A, %add3A_1024 : vector<1024x128xi32>
    %lt3A_1026 = arith.cmpf olt, %add3A_1022, %select_n3A_998 : vector<1024x128xf32>
    %select_n3A_1027 = arith.select %lt3A_1026, %add3A_1022, %select_n3A_998 : vector<1024x128xi1>, vector<1024x128xf32>
    %select_n3A_1028 = arith.select %lt3A_1026, %select_n3A_998, %add3A_1022 : vector<1024x128xi1>, vector<1024x128xf32>
    %select_n3A_1029 = arith.select %lt3A_1026, %add3A_1025, %select_n3A_1000 : vector<1024x128xi1>, vector<1024x128xi32>
    %select_n3A_1030 = arith.select %lt3A_1026, %select_n3A_1000, %add3A_1025 : vector<1024x128xi1>, vector<1024x128xi32>
    %lt3A_1031 = arith.cmpf olt, %select_n3A_1028, %select_n3A_1003 : vector<1024x128xf32>
    %select_n3A_1032 = arith.select %lt3A_1031, %select_n3A_1028, %select_n3A_1003 : vector<1024x128xi1>, vector<1024x128xf32>
    %select_n3A_1033 = arith.select %lt3A_1031, %select_n3A_1003, %select_n3A_1028 : vector<1024x128xi1>, vector<1024x128xf32>
    %select_n3A_1034 = arith.select %lt3A_1031, %select_n3A_1030, %select_n3A_1005 : vector<1024x128xi1>, vector<1024x128xi32>
    %select_n3A_1035 = arith.select %lt3A_1031, %select_n3A_1005, %select_n3A_1030 : vector<1024x128xi1>, vector<1024x128xi32>
    %lt3A_1036 = arith.cmpf olt, %select_n3A_1033, %select_n3A_1008 : vector<1024x128xf32>
    %select_n3A_1037 = arith.select %lt3A_1036, %select_n3A_1033, %select_n3A_1008 : vector<1024x128xi1>, vector<1024x128xf32>
    %select_n3A_1038 = arith.select %lt3A_1036, %select_n3A_1008, %select_n3A_1033 : vector<1024x128xi1>, vector<1024x128xf32>
    %select_n3A_1039 = arith.select %lt3A_1036, %select_n3A_1035, %select_n3A_1010 : vector<1024x128xi1>, vector<1024x128xi32>
    %select_n3A_1040 = arith.select %lt3A_1036, %select_n3A_1010, %select_n3A_1035 : vector<1024x128xi1>, vector<1024x128xi32>
    %lt3A_1041 = arith.cmpf olt, %select_n3A_1038, %select_n3A_1013 : vector<1024x128xf32>
    %select_n3A_1042 = arith.select %lt3A_1041, %select_n3A_1038, %select_n3A_1013 : vector<1024x128xi1>, vector<1024x128xf32>
    %select_n3A_1043 = arith.select %lt3A_1041, %select_n3A_1040, %select_n3A_1014 : vector<1024x128xi1>, vector<1024x128xi32>
    %get3A_1044 = arith.constant 0 : index
    %get3A_1045 = arith.constant 4480 : index
    %get3A_1046 = vector.load %arg10[%get3A_1044, %get3A_1045] : memref<1024x8192xf32, #tpu.memory_space<vmem>>, vector<1024x128xf32>
    %get3A_1047 = arith.constant 0 : index
    %get3A_1048 = arith.constant 4480 : index
    %get3A_1049 = vector.load %arg9[%get3A_1047, %get3A_1048] : memref<1x8192xf32, #tpu.memory_space<vmem>>, vector<1x128xf32>
    %add3A_1050 = vector.broadcast %get3A_1049 : vector<1x128xf32> to vector<1024x128xf32>
    %add3A_1051 = arith.addf %get3A_1046, %add3A_1050 : vector<1024x128xf32>
    %add3A_1052 = arith.constant 4480 : i32
    %add3A_1053 = vector.broadcast %add3A_1052 : i32 to vector<1024x128xi32>
    %add3A_1054 = arith.addi %iota3A, %add3A_1053 : vector<1024x128xi32>
    %lt3A_1055 = arith.cmpf olt, %add3A_1051, %select_n3A_1027 : vector<1024x128xf32>
    %select_n3A_1056 = arith.select %lt3A_1055, %add3A_1051, %select_n3A_1027 : vector<1024x128xi1>, vector<1024x128xf32>
    %select_n3A_1057 = arith.select %lt3A_1055, %select_n3A_1027, %add3A_1051 : vector<1024x128xi1>, vector<1024x128xf32>
    %select_n3A_1058 = arith.select %lt3A_1055, %add3A_1054, %select_n3A_1029 : vector<1024x128xi1>, vector<1024x128xi32>
    %select_n3A_1059 = arith.select %lt3A_1055, %select_n3A_1029, %add3A_1054 : vector<1024x128xi1>, vector<1024x128xi32>
    %lt3A_1060 = arith.cmpf olt, %select_n3A_1057, %select_n3A_1032 : vector<1024x128xf32>
    %select_n3A_1061 = arith.select %lt3A_1060, %select_n3A_1057, %select_n3A_1032 : vector<1024x128xi1>, vector<1024x128xf32>
    %select_n3A_1062 = arith.select %lt3A_1060, %select_n3A_1032, %select_n3A_1057 : vector<1024x128xi1>, vector<1024x128xf32>
    %select_n3A_1063 = arith.select %lt3A_1060, %select_n3A_1059, %select_n3A_1034 : vector<1024x128xi1>, vector<1024x128xi32>
    %select_n3A_1064 = arith.select %lt3A_1060, %select_n3A_1034, %select_n3A_1059 : vector<1024x128xi1>, vector<1024x128xi32>
    %lt3A_1065 = arith.cmpf olt, %select_n3A_1062, %select_n3A_1037 : vector<1024x128xf32>
    %select_n3A_1066 = arith.select %lt3A_1065, %select_n3A_1062, %select_n3A_1037 : vector<1024x128xi1>, vector<1024x128xf32>
    %select_n3A_1067 = arith.select %lt3A_1065, %select_n3A_1037, %select_n3A_1062 : vector<1024x128xi1>, vector<1024x128xf32>
    %select_n3A_1068 = arith.select %lt3A_1065, %select_n3A_1064, %select_n3A_1039 : vector<1024x128xi1>, vector<1024x128xi32>
    %select_n3A_1069 = arith.select %lt3A_1065, %select_n3A_1039, %select_n3A_1064 : vector<1024x128xi1>, vector<1024x128xi32>
    %lt3A_1070 = arith.cmpf olt, %select_n3A_1067, %select_n3A_1042 : vector<1024x128xf32>
    %select_n3A_1071 = arith.select %lt3A_1070, %select_n3A_1067, %select_n3A_1042 : vector<1024x128xi1>, vector<1024x128xf32>
    %select_n3A_1072 = arith.select %lt3A_1070, %select_n3A_1069, %select_n3A_1043 : vector<1024x128xi1>, vector<1024x128xi32>
    %get3A_1073 = arith.constant 0 : index
    %get3A_1074 = arith.constant 4608 : index
    %get3A_1075 = vector.load %arg10[%get3A_1073, %get3A_1074] : memref<1024x8192xf32, #tpu.memory_space<vmem>>, vector<1024x128xf32>
    %get3A_1076 = arith.constant 0 : index
    %get3A_1077 = arith.constant 4608 : index
    %get3A_1078 = vector.load %arg9[%get3A_1076, %get3A_1077] : memref<1x8192xf32, #tpu.memory_space<vmem>>, vector<1x128xf32>
    %add3A_1079 = vector.broadcast %get3A_1078 : vector<1x128xf32> to vector<1024x128xf32>
    %add3A_1080 = arith.addf %get3A_1075, %add3A_1079 : vector<1024x128xf32>
    %add3A_1081 = arith.constant 4608 : i32
    %add3A_1082 = vector.broadcast %add3A_1081 : i32 to vector<1024x128xi32>
    %add3A_1083 = arith.addi %iota3A, %add3A_1082 : vector<1024x128xi32>
    %lt3A_1084 = arith.cmpf olt, %add3A_1080, %select_n3A_1056 : vector<1024x128xf32>
    %select_n3A_1085 = arith.select %lt3A_1084, %add3A_1080, %select_n3A_1056 : vector<1024x128xi1>, vector<1024x128xf32>
    %select_n3A_1086 = arith.select %lt3A_1084, %select_n3A_1056, %add3A_1080 : vector<1024x128xi1>, vector<1024x128xf32>
    %select_n3A_1087 = arith.select %lt3A_1084, %add3A_1083, %select_n3A_1058 : vector<1024x128xi1>, vector<1024x128xi32>
    %select_n3A_1088 = arith.select %lt3A_1084, %select_n3A_1058, %add3A_1083 : vector<1024x128xi1>, vector<1024x128xi32>
    %lt3A_1089 = arith.cmpf olt, %select_n3A_1086, %select_n3A_1061 : vector<1024x128xf32>
    %select_n3A_1090 = arith.select %lt3A_1089, %select_n3A_1086, %select_n3A_1061 : vector<1024x128xi1>, vector<1024x128xf32>
    %select_n3A_1091 = arith.select %lt3A_1089, %select_n3A_1061, %select_n3A_1086 : vector<1024x128xi1>, vector<1024x128xf32>
    %select_n3A_1092 = arith.select %lt3A_1089, %select_n3A_1088, %select_n3A_1063 : vector<1024x128xi1>, vector<1024x128xi32>
    %select_n3A_1093 = arith.select %lt3A_1089, %select_n3A_1063, %select_n3A_1088 : vector<1024x128xi1>, vector<1024x128xi32>
    %lt3A_1094 = arith.cmpf olt, %select_n3A_1091, %select_n3A_1066 : vector<1024x128xf32>
    %select_n3A_1095 = arith.select %lt3A_1094, %select_n3A_1091, %select_n3A_1066 : vector<1024x128xi1>, vector<1024x128xf32>
    %select_n3A_1096 = arith.select %lt3A_1094, %select_n3A_1066, %select_n3A_1091 : vector<1024x128xi1>, vector<1024x128xf32>
    %select_n3A_1097 = arith.select %lt3A_1094, %select_n3A_1093, %select_n3A_1068 : vector<1024x128xi1>, vector<1024x128xi32>
    %select_n3A_1098 = arith.select %lt3A_1094, %select_n3A_1068, %select_n3A_1093 : vector<1024x128xi1>, vector<1024x128xi32>
    %lt3A_1099 = arith.cmpf olt, %select_n3A_1096, %select_n3A_1071 : vector<1024x128xf32>
    %select_n3A_1100 = arith.select %lt3A_1099, %select_n3A_1096, %select_n3A_1071 : vector<1024x128xi1>, vector<1024x128xf32>
    %select_n3A_1101 = arith.select %lt3A_1099, %select_n3A_1098, %select_n3A_1072 : vector<1024x128xi1>, vector<1024x128xi32>
    %get3A_1102 = arith.constant 0 : index
    %get3A_1103 = arith.constant 4736 : index
    %get3A_1104 = vector.load %arg10[%get3A_1102, %get3A_1103] : memref<1024x8192xf32, #tpu.memory_space<vmem>>, vector<1024x128xf32>
    %get3A_1105 = arith.constant 0 : index
    %get3A_1106 = arith.constant 4736 : index
    %get3A_1107 = vector.load %arg9[%get3A_1105, %get3A_1106] : memref<1x8192xf32, #tpu.memory_space<vmem>>, vector<1x128xf32>
    %add3A_1108 = vector.broadcast %get3A_1107 : vector<1x128xf32> to vector<1024x128xf32>
    %add3A_1109 = arith.addf %get3A_1104, %add3A_1108 : vector<1024x128xf32>
    %add3A_1110 = arith.constant 4736 : i32
    %add3A_1111 = vector.broadcast %add3A_1110 : i32 to vector<1024x128xi32>
    %add3A_1112 = arith.addi %iota3A, %add3A_1111 : vector<1024x128xi32>
    %lt3A_1113 = arith.cmpf olt, %add3A_1109, %select_n3A_1085 : vector<1024x128xf32>
    %select_n3A_1114 = arith.select %lt3A_1113, %add3A_1109, %select_n3A_1085 : vector<1024x128xi1>, vector<1024x128xf32>
    %select_n3A_1115 = arith.select %lt3A_1113, %select_n3A_1085, %add3A_1109 : vector<1024x128xi1>, vector<1024x128xf32>
    %select_n3A_1116 = arith.select %lt3A_1113, %add3A_1112, %select_n3A_1087 : vector<1024x128xi1>, vector<1024x128xi32>
    %select_n3A_1117 = arith.select %lt3A_1113, %select_n3A_1087, %add3A_1112 : vector<1024x128xi1>, vector<1024x128xi32>
    %lt3A_1118 = arith.cmpf olt, %select_n3A_1115, %select_n3A_1090 : vector<1024x128xf32>
    %select_n3A_1119 = arith.select %lt3A_1118, %select_n3A_1115, %select_n3A_1090 : vector<1024x128xi1>, vector<1024x128xf32>
    %select_n3A_1120 = arith.select %lt3A_1118, %select_n3A_1090, %select_n3A_1115 : vector<1024x128xi1>, vector<1024x128xf32>
    %select_n3A_1121 = arith.select %lt3A_1118, %select_n3A_1117, %select_n3A_1092 : vector<1024x128xi1>, vector<1024x128xi32>
    %select_n3A_1122 = arith.select %lt3A_1118, %select_n3A_1092, %select_n3A_1117 : vector<1024x128xi1>, vector<1024x128xi32>
    %lt3A_1123 = arith.cmpf olt, %select_n3A_1120, %select_n3A_1095 : vector<1024x128xf32>
    %select_n3A_1124 = arith.select %lt3A_1123, %select_n3A_1120, %select_n3A_1095 : vector<1024x128xi1>, vector<1024x128xf32>
    %select_n3A_1125 = arith.select %lt3A_1123, %select_n3A_1095, %select_n3A_1120 : vector<1024x128xi1>, vector<1024x128xf32>
    %select_n3A_1126 = arith.select %lt3A_1123, %select_n3A_1122, %select_n3A_1097 : vector<1024x128xi1>, vector<1024x128xi32>
    %select_n3A_1127 = arith.select %lt3A_1123, %select_n3A_1097, %select_n3A_1122 : vector<1024x128xi1>, vector<1024x128xi32>
    %lt3A_1128 = arith.cmpf olt, %select_n3A_1125, %select_n3A_1100 : vector<1024x128xf32>
    %select_n3A_1129 = arith.select %lt3A_1128, %select_n3A_1125, %select_n3A_1100 : vector<1024x128xi1>, vector<1024x128xf32>
    %select_n3A_1130 = arith.select %lt3A_1128, %select_n3A_1127, %select_n3A_1101 : vector<1024x128xi1>, vector<1024x128xi32>
    %get3A_1131 = arith.constant 0 : index
    %get3A_1132 = arith.constant 4864 : index
    %get3A_1133 = vector.load %arg10[%get3A_1131, %get3A_1132] : memref<1024x8192xf32, #tpu.memory_space<vmem>>, vector<1024x128xf32>
    %get3A_1134 = arith.constant 0 : index
    %get3A_1135 = arith.constant 4864 : index
    %get3A_1136 = vector.load %arg9[%get3A_1134, %get3A_1135] : memref<1x8192xf32, #tpu.memory_space<vmem>>, vector<1x128xf32>
    %add3A_1137 = vector.broadcast %get3A_1136 : vector<1x128xf32> to vector<1024x128xf32>
    %add3A_1138 = arith.addf %get3A_1133, %add3A_1137 : vector<1024x128xf32>
    %add3A_1139 = arith.constant 4864 : i32
    %add3A_1140 = vector.broadcast %add3A_1139 : i32 to vector<1024x128xi32>
    %add3A_1141 = arith.addi %iota3A, %add3A_1140 : vector<1024x128xi32>
    %lt3A_1142 = arith.cmpf olt, %add3A_1138, %select_n3A_1114 : vector<1024x128xf32>
    %select_n3A_1143 = arith.select %lt3A_1142, %add3A_1138, %select_n3A_1114 : vector<1024x128xi1>, vector<1024x128xf32>
    %select_n3A_1144 = arith.select %lt3A_1142, %select_n3A_1114, %add3A_1138 : vector<1024x128xi1>, vector<1024x128xf32>
    %select_n3A_1145 = arith.select %lt3A_1142, %add3A_1141, %select_n3A_1116 : vector<1024x128xi1>, vector<1024x128xi32>
    %select_n3A_1146 = arith.select %lt3A_1142, %select_n3A_1116, %add3A_1141 : vector<1024x128xi1>, vector<1024x128xi32>
    %lt3A_1147 = arith.cmpf olt, %select_n3A_1144, %select_n3A_1119 : vector<1024x128xf32>
    %select_n3A_1148 = arith.select %lt3A_1147, %select_n3A_1144, %select_n3A_1119 : vector<1024x128xi1>, vector<1024x128xf32>
    %select_n3A_1149 = arith.select %lt3A_1147, %select_n3A_1119, %select_n3A_1144 : vector<1024x128xi1>, vector<1024x128xf32>
    %select_n3A_1150 = arith.select %lt3A_1147, %select_n3A_1146, %select_n3A_1121 : vector<1024x128xi1>, vector<1024x128xi32>
    %select_n3A_1151 = arith.select %lt3A_1147, %select_n3A_1121, %select_n3A_1146 : vector<1024x128xi1>, vector<1024x128xi32>
    %lt3A_1152 = arith.cmpf olt, %select_n3A_1149, %select_n3A_1124 : vector<1024x128xf32>
    %select_n3A_1153 = arith.select %lt3A_1152, %select_n3A_1149, %select_n3A_1124 : vector<1024x128xi1>, vector<1024x128xf32>
    %select_n3A_1154 = arith.select %lt3A_1152, %select_n3A_1124, %select_n3A_1149 : vector<1024x128xi1>, vector<1024x128xf32>
    %select_n3A_1155 = arith.select %lt3A_1152, %select_n3A_1151, %select_n3A_1126 : vector<1024x128xi1>, vector<1024x128xi32>
    %select_n3A_1156 = arith.select %lt3A_1152, %select_n3A_1126, %select_n3A_1151 : vector<1024x128xi1>, vector<1024x128xi32>
    %lt3A_1157 = arith.cmpf olt, %select_n3A_1154, %select_n3A_1129 : vector<1024x128xf32>
    %select_n3A_1158 = arith.select %lt3A_1157, %select_n3A_1154, %select_n3A_1129 : vector<1024x128xi1>, vector<1024x128xf32>
    %select_n3A_1159 = arith.select %lt3A_1157, %select_n3A_1156, %select_n3A_1130 : vector<1024x128xi1>, vector<1024x128xi32>
    %get3A_1160 = arith.constant 0 : index
    %get3A_1161 = arith.constant 4992 : index
    %get3A_1162 = vector.load %arg10[%get3A_1160, %get3A_1161] : memref<1024x8192xf32, #tpu.memory_space<vmem>>, vector<1024x128xf32>
    %get3A_1163 = arith.constant 0 : index
    %get3A_1164 = arith.constant 4992 : index
    %get3A_1165 = vector.load %arg9[%get3A_1163, %get3A_1164] : memref<1x8192xf32, #tpu.memory_space<vmem>>, vector<1x128xf32>
    %add3A_1166 = vector.broadcast %get3A_1165 : vector<1x128xf32> to vector<1024x128xf32>
    %add3A_1167 = arith.addf %get3A_1162, %add3A_1166 : vector<1024x128xf32>
    %add3A_1168 = arith.constant 4992 : i32
    %add3A_1169 = vector.broadcast %add3A_1168 : i32 to vector<1024x128xi32>
    %add3A_1170 = arith.addi %iota3A, %add3A_1169 : vector<1024x128xi32>
    %lt3A_1171 = arith.cmpf olt, %add3A_1167, %select_n3A_1143 : vector<1024x128xf32>
    %select_n3A_1172 = arith.select %lt3A_1171, %add3A_1167, %select_n3A_1143 : vector<1024x128xi1>, vector<1024x128xf32>
    %select_n3A_1173 = arith.select %lt3A_1171, %select_n3A_1143, %add3A_1167 : vector<1024x128xi1>, vector<1024x128xf32>
    %select_n3A_1174 = arith.select %lt3A_1171, %add3A_1170, %select_n3A_1145 : vector<1024x128xi1>, vector<1024x128xi32>
    %select_n3A_1175 = arith.select %lt3A_1171, %select_n3A_1145, %add3A_1170 : vector<1024x128xi1>, vector<1024x128xi32>
    %lt3A_1176 = arith.cmpf olt, %select_n3A_1173, %select_n3A_1148 : vector<1024x128xf32>
    %select_n3A_1177 = arith.select %lt3A_1176, %select_n3A_1173, %select_n3A_1148 : vector<1024x128xi1>, vector<1024x128xf32>
    %select_n3A_1178 = arith.select %lt3A_1176, %select_n3A_1148, %select_n3A_1173 : vector<1024x128xi1>, vector<1024x128xf32>
    %select_n3A_1179 = arith.select %lt3A_1176, %select_n3A_1175, %select_n3A_1150 : vector<1024x128xi1>, vector<1024x128xi32>
    %select_n3A_1180 = arith.select %lt3A_1176, %select_n3A_1150, %select_n3A_1175 : vector<1024x128xi1>, vector<1024x128xi32>
    %lt3A_1181 = arith.cmpf olt, %select_n3A_1178, %select_n3A_1153 : vector<1024x128xf32>
    %select_n3A_1182 = arith.select %lt3A_1181, %select_n3A_1178, %select_n3A_1153 : vector<1024x128xi1>, vector<1024x128xf32>
    %select_n3A_1183 = arith.select %lt3A_1181, %select_n3A_1153, %select_n3A_1178 : vector<1024x128xi1>, vector<1024x128xf32>
    %select_n3A_1184 = arith.select %lt3A_1181, %select_n3A_1180, %select_n3A_1155 : vector<1024x128xi1>, vector<1024x128xi32>
    %select_n3A_1185 = arith.select %lt3A_1181, %select_n3A_1155, %select_n3A_1180 : vector<1024x128xi1>, vector<1024x128xi32>
    %lt3A_1186 = arith.cmpf olt, %select_n3A_1183, %select_n3A_1158 : vector<1024x128xf32>
    %select_n3A_1187 = arith.select %lt3A_1186, %select_n3A_1183, %select_n3A_1158 : vector<1024x128xi1>, vector<1024x128xf32>
    %select_n3A_1188 = arith.select %lt3A_1186, %select_n3A_1185, %select_n3A_1159 : vector<1024x128xi1>, vector<1024x128xi32>
    %get3A_1189 = arith.constant 0 : index
    %get3A_1190 = arith.constant 5120 : index
    %get3A_1191 = vector.load %arg10[%get3A_1189, %get3A_1190] : memref<1024x8192xf32, #tpu.memory_space<vmem>>, vector<1024x128xf32>
    %get3A_1192 = arith.constant 0 : index
    %get3A_1193 = arith.constant 5120 : index
    %get3A_1194 = vector.load %arg9[%get3A_1192, %get3A_1193] : memref<1x8192xf32, #tpu.memory_space<vmem>>, vector<1x128xf32>
    %add3A_1195 = vector.broadcast %get3A_1194 : vector<1x128xf32> to vector<1024x128xf32>
    %add3A_1196 = arith.addf %get3A_1191, %add3A_1195 : vector<1024x128xf32>
    %add3A_1197 = arith.constant 5120 : i32
    %add3A_1198 = vector.broadcast %add3A_1197 : i32 to vector<1024x128xi32>
    %add3A_1199 = arith.addi %iota3A, %add3A_1198 : vector<1024x128xi32>
    %lt3A_1200 = arith.cmpf olt, %add3A_1196, %select_n3A_1172 : vector<1024x128xf32>
    %select_n3A_1201 = arith.select %lt3A_1200, %add3A_1196, %select_n3A_1172 : vector<1024x128xi1>, vector<1024x128xf32>
    %select_n3A_1202 = arith.select %lt3A_1200, %select_n3A_1172, %add3A_1196 : vector<1024x128xi1>, vector<1024x128xf32>
    %select_n3A_1203 = arith.select %lt3A_1200, %add3A_1199, %select_n3A_1174 : vector<1024x128xi1>, vector<1024x128xi32>
    %select_n3A_1204 = arith.select %lt3A_1200, %select_n3A_1174, %add3A_1199 : vector<1024x128xi1>, vector<1024x128xi32>
    %lt3A_1205 = arith.cmpf olt, %select_n3A_1202, %select_n3A_1177 : vector<1024x128xf32>
    %select_n3A_1206 = arith.select %lt3A_1205, %select_n3A_1202, %select_n3A_1177 : vector<1024x128xi1>, vector<1024x128xf32>
    %select_n3A_1207 = arith.select %lt3A_1205, %select_n3A_1177, %select_n3A_1202 : vector<1024x128xi1>, vector<1024x128xf32>
    %select_n3A_1208 = arith.select %lt3A_1205, %select_n3A_1204, %select_n3A_1179 : vector<1024x128xi1>, vector<1024x128xi32>
    %select_n3A_1209 = arith.select %lt3A_1205, %select_n3A_1179, %select_n3A_1204 : vector<1024x128xi1>, vector<1024x128xi32>
    %lt3A_1210 = arith.cmpf olt, %select_n3A_1207, %select_n3A_1182 : vector<1024x128xf32>
    %select_n3A_1211 = arith.select %lt3A_1210, %select_n3A_1207, %select_n3A_1182 : vector<1024x128xi1>, vector<1024x128xf32>
    %select_n3A_1212 = arith.select %lt3A_1210, %select_n3A_1182, %select_n3A_1207 : vector<1024x128xi1>, vector<1024x128xf32>
    %select_n3A_1213 = arith.select %lt3A_1210, %select_n3A_1209, %select_n3A_1184 : vector<1024x128xi1>, vector<1024x128xi32>
    %select_n3A_1214 = arith.select %lt3A_1210, %select_n3A_1184, %select_n3A_1209 : vector<1024x128xi1>, vector<1024x128xi32>
    %lt3A_1215 = arith.cmpf olt, %select_n3A_1212, %select_n3A_1187 : vector<1024x128xf32>
    %select_n3A_1216 = arith.select %lt3A_1215, %select_n3A_1212, %select_n3A_1187 : vector<1024x128xi1>, vector<1024x128xf32>
    %select_n3A_1217 = arith.select %lt3A_1215, %select_n3A_1214, %select_n3A_1188 : vector<1024x128xi1>, vector<1024x128xi32>
    %get3A_1218 = arith.constant 0 : index
    %get3A_1219 = arith.constant 5248 : index
    %get3A_1220 = vector.load %arg10[%get3A_1218, %get3A_1219] : memref<1024x8192xf32, #tpu.memory_space<vmem>>, vector<1024x128xf32>
    %get3A_1221 = arith.constant 0 : index
    %get3A_1222 = arith.constant 5248 : index
    %get3A_1223 = vector.load %arg9[%get3A_1221, %get3A_1222] : memref<1x8192xf32, #tpu.memory_space<vmem>>, vector<1x128xf32>
    %add3A_1224 = vector.broadcast %get3A_1223 : vector<1x128xf32> to vector<1024x128xf32>
    %add3A_1225 = arith.addf %get3A_1220, %add3A_1224 : vector<1024x128xf32>
    %add3A_1226 = arith.constant 5248 : i32
    %add3A_1227 = vector.broadcast %add3A_1226 : i32 to vector<1024x128xi32>
    %add3A_1228 = arith.addi %iota3A, %add3A_1227 : vector<1024x128xi32>
    %lt3A_1229 = arith.cmpf olt, %add3A_1225, %select_n3A_1201 : vector<1024x128xf32>
    %select_n3A_1230 = arith.select %lt3A_1229, %add3A_1225, %select_n3A_1201 : vector<1024x128xi1>, vector<1024x128xf32>
    %select_n3A_1231 = arith.select %lt3A_1229, %select_n3A_1201, %add3A_1225 : vector<1024x128xi1>, vector<1024x128xf32>
    %select_n3A_1232 = arith.select %lt3A_1229, %add3A_1228, %select_n3A_1203 : vector<1024x128xi1>, vector<1024x128xi32>
    %select_n3A_1233 = arith.select %lt3A_1229, %select_n3A_1203, %add3A_1228 : vector<1024x128xi1>, vector<1024x128xi32>
    %lt3A_1234 = arith.cmpf olt, %select_n3A_1231, %select_n3A_1206 : vector<1024x128xf32>
    %select_n3A_1235 = arith.select %lt3A_1234, %select_n3A_1231, %select_n3A_1206 : vector<1024x128xi1>, vector<1024x128xf32>
    %select_n3A_1236 = arith.select %lt3A_1234, %select_n3A_1206, %select_n3A_1231 : vector<1024x128xi1>, vector<1024x128xf32>
    %select_n3A_1237 = arith.select %lt3A_1234, %select_n3A_1233, %select_n3A_1208 : vector<1024x128xi1>, vector<1024x128xi32>
    %select_n3A_1238 = arith.select %lt3A_1234, %select_n3A_1208, %select_n3A_1233 : vector<1024x128xi1>, vector<1024x128xi32>
    %lt3A_1239 = arith.cmpf olt, %select_n3A_1236, %select_n3A_1211 : vector<1024x128xf32>
    %select_n3A_1240 = arith.select %lt3A_1239, %select_n3A_1236, %select_n3A_1211 : vector<1024x128xi1>, vector<1024x128xf32>
    %select_n3A_1241 = arith.select %lt3A_1239, %select_n3A_1211, %select_n3A_1236 : vector<1024x128xi1>, vector<1024x128xf32>
    %select_n3A_1242 = arith.select %lt3A_1239, %select_n3A_1238, %select_n3A_1213 : vector<1024x128xi1>, vector<1024x128xi32>
    %select_n3A_1243 = arith.select %lt3A_1239, %select_n3A_1213, %select_n3A_1238 : vector<1024x128xi1>, vector<1024x128xi32>
    %lt3A_1244 = arith.cmpf olt, %select_n3A_1241, %select_n3A_1216 : vector<1024x128xf32>
    %select_n3A_1245 = arith.select %lt3A_1244, %select_n3A_1241, %select_n3A_1216 : vector<1024x128xi1>, vector<1024x128xf32>
    %select_n3A_1246 = arith.select %lt3A_1244, %select_n3A_1243, %select_n3A_1217 : vector<1024x128xi1>, vector<1024x128xi32>
    %get3A_1247 = arith.constant 0 : index
    %get3A_1248 = arith.constant 5376 : index
    %get3A_1249 = vector.load %arg10[%get3A_1247, %get3A_1248] : memref<1024x8192xf32, #tpu.memory_space<vmem>>, vector<1024x128xf32>
    %get3A_1250 = arith.constant 0 : index
    %get3A_1251 = arith.constant 5376 : index
    %get3A_1252 = vector.load %arg9[%get3A_1250, %get3A_1251] : memref<1x8192xf32, #tpu.memory_space<vmem>>, vector<1x128xf32>
    %add3A_1253 = vector.broadcast %get3A_1252 : vector<1x128xf32> to vector<1024x128xf32>
    %add3A_1254 = arith.addf %get3A_1249, %add3A_1253 : vector<1024x128xf32>
    %add3A_1255 = arith.constant 5376 : i32
    %add3A_1256 = vector.broadcast %add3A_1255 : i32 to vector<1024x128xi32>
    %add3A_1257 = arith.addi %iota3A, %add3A_1256 : vector<1024x128xi32>
    %lt3A_1258 = arith.cmpf olt, %add3A_1254, %select_n3A_1230 : vector<1024x128xf32>
    %select_n3A_1259 = arith.select %lt3A_1258, %add3A_1254, %select_n3A_1230 : vector<1024x128xi1>, vector<1024x128xf32>
    %select_n3A_1260 = arith.select %lt3A_1258, %select_n3A_1230, %add3A_1254 : vector<1024x128xi1>, vector<1024x128xf32>
    %select_n3A_1261 = arith.select %lt3A_1258, %add3A_1257, %select_n3A_1232 : vector<1024x128xi1>, vector<1024x128xi32>
    %select_n3A_1262 = arith.select %lt3A_1258, %select_n3A_1232, %add3A_1257 : vector<1024x128xi1>, vector<1024x128xi32>
    %lt3A_1263 = arith.cmpf olt, %select_n3A_1260, %select_n3A_1235 : vector<1024x128xf32>
    %select_n3A_1264 = arith.select %lt3A_1263, %select_n3A_1260, %select_n3A_1235 : vector<1024x128xi1>, vector<1024x128xf32>
    %select_n3A_1265 = arith.select %lt3A_1263, %select_n3A_1235, %select_n3A_1260 : vector<1024x128xi1>, vector<1024x128xf32>
    %select_n3A_1266 = arith.select %lt3A_1263, %select_n3A_1262, %select_n3A_1237 : vector<1024x128xi1>, vector<1024x128xi32>
    %select_n3A_1267 = arith.select %lt3A_1263, %select_n3A_1237, %select_n3A_1262 : vector<1024x128xi1>, vector<1024x128xi32>
    %lt3A_1268 = arith.cmpf olt, %select_n3A_1265, %select_n3A_1240 : vector<1024x128xf32>
    %select_n3A_1269 = arith.select %lt3A_1268, %select_n3A_1265, %select_n3A_1240 : vector<1024x128xi1>, vector<1024x128xf32>
    %select_n3A_1270 = arith.select %lt3A_1268, %select_n3A_1240, %select_n3A_1265 : vector<1024x128xi1>, vector<1024x128xf32>
    %select_n3A_1271 = arith.select %lt3A_1268, %select_n3A_1267, %select_n3A_1242 : vector<1024x128xi1>, vector<1024x128xi32>
    %select_n3A_1272 = arith.select %lt3A_1268, %select_n3A_1242, %select_n3A_1267 : vector<1024x128xi1>, vector<1024x128xi32>
    %lt3A_1273 = arith.cmpf olt, %select_n3A_1270, %select_n3A_1245 : vector<1024x128xf32>
    %select_n3A_1274 = arith.select %lt3A_1273, %select_n3A_1270, %select_n3A_1245 : vector<1024x128xi1>, vector<1024x128xf32>
    %select_n3A_1275 = arith.select %lt3A_1273, %select_n3A_1272, %select_n3A_1246 : vector<1024x128xi1>, vector<1024x128xi32>
    %get3A_1276 = arith.constant 0 : index
    %get3A_1277 = arith.constant 5504 : index
    %get3A_1278 = vector.load %arg10[%get3A_1276, %get3A_1277] : memref<1024x8192xf32, #tpu.memory_space<vmem>>, vector<1024x128xf32>
    %get3A_1279 = arith.constant 0 : index
    %get3A_1280 = arith.constant 5504 : index
    %get3A_1281 = vector.load %arg9[%get3A_1279, %get3A_1280] : memref<1x8192xf32, #tpu.memory_space<vmem>>, vector<1x128xf32>
    %add3A_1282 = vector.broadcast %get3A_1281 : vector<1x128xf32> to vector<1024x128xf32>
    %add3A_1283 = arith.addf %get3A_1278, %add3A_1282 : vector<1024x128xf32>
    %add3A_1284 = arith.constant 5504 : i32
    %add3A_1285 = vector.broadcast %add3A_1284 : i32 to vector<1024x128xi32>
    %add3A_1286 = arith.addi %iota3A, %add3A_1285 : vector<1024x128xi32>
    %lt3A_1287 = arith.cmpf olt, %add3A_1283, %select_n3A_1259 : vector<1024x128xf32>
    %select_n3A_1288 = arith.select %lt3A_1287, %add3A_1283, %select_n3A_1259 : vector<1024x128xi1>, vector<1024x128xf32>
    %select_n3A_1289 = arith.select %lt3A_1287, %select_n3A_1259, %add3A_1283 : vector<1024x128xi1>, vector<1024x128xf32>
    %select_n3A_1290 = arith.select %lt3A_1287, %add3A_1286, %select_n3A_1261 : vector<1024x128xi1>, vector<1024x128xi32>
    %select_n3A_1291 = arith.select %lt3A_1287, %select_n3A_1261, %add3A_1286 : vector<1024x128xi1>, vector<1024x128xi32>
    %lt3A_1292 = arith.cmpf olt, %select_n3A_1289, %select_n3A_1264 : vector<1024x128xf32>
    %select_n3A_1293 = arith.select %lt3A_1292, %select_n3A_1289, %select_n3A_1264 : vector<1024x128xi1>, vector<1024x128xf32>
    %select_n3A_1294 = arith.select %lt3A_1292, %select_n3A_1264, %select_n3A_1289 : vector<1024x128xi1>, vector<1024x128xf32>
    %select_n3A_1295 = arith.select %lt3A_1292, %select_n3A_1291, %select_n3A_1266 : vector<1024x128xi1>, vector<1024x128xi32>
    %select_n3A_1296 = arith.select %lt3A_1292, %select_n3A_1266, %select_n3A_1291 : vector<1024x128xi1>, vector<1024x128xi32>
    %lt3A_1297 = arith.cmpf olt, %select_n3A_1294, %select_n3A_1269 : vector<1024x128xf32>
    %select_n3A_1298 = arith.select %lt3A_1297, %select_n3A_1294, %select_n3A_1269 : vector<1024x128xi1>, vector<1024x128xf32>
    %select_n3A_1299 = arith.select %lt3A_1297, %select_n3A_1269, %select_n3A_1294 : vector<1024x128xi1>, vector<1024x128xf32>
    %select_n3A_1300 = arith.select %lt3A_1297, %select_n3A_1296, %select_n3A_1271 : vector<1024x128xi1>, vector<1024x128xi32>
    %select_n3A_1301 = arith.select %lt3A_1297, %select_n3A_1271, %select_n3A_1296 : vector<1024x128xi1>, vector<1024x128xi32>
    %lt3A_1302 = arith.cmpf olt, %select_n3A_1299, %select_n3A_1274 : vector<1024x128xf32>
    %select_n3A_1303 = arith.select %lt3A_1302, %select_n3A_1299, %select_n3A_1274 : vector<1024x128xi1>, vector<1024x128xf32>
    %select_n3A_1304 = arith.select %lt3A_1302, %select_n3A_1301, %select_n3A_1275 : vector<1024x128xi1>, vector<1024x128xi32>
    %get3A_1305 = arith.constant 0 : index
    %get3A_1306 = arith.constant 5632 : index
    %get3A_1307 = vector.load %arg10[%get3A_1305, %get3A_1306] : memref<1024x8192xf32, #tpu.memory_space<vmem>>, vector<1024x128xf32>
    %get3A_1308 = arith.constant 0 : index
    %get3A_1309 = arith.constant 5632 : index
    %get3A_1310 = vector.load %arg9[%get3A_1308, %get3A_1309] : memref<1x8192xf32, #tpu.memory_space<vmem>>, vector<1x128xf32>
    %add3A_1311 = vector.broadcast %get3A_1310 : vector<1x128xf32> to vector<1024x128xf32>
    %add3A_1312 = arith.addf %get3A_1307, %add3A_1311 : vector<1024x128xf32>
    %add3A_1313 = arith.constant 5632 : i32
    %add3A_1314 = vector.broadcast %add3A_1313 : i32 to vector<1024x128xi32>
    %add3A_1315 = arith.addi %iota3A, %add3A_1314 : vector<1024x128xi32>
    %lt3A_1316 = arith.cmpf olt, %add3A_1312, %select_n3A_1288 : vector<1024x128xf32>
    %select_n3A_1317 = arith.select %lt3A_1316, %add3A_1312, %select_n3A_1288 : vector<1024x128xi1>, vector<1024x128xf32>
    %select_n3A_1318 = arith.select %lt3A_1316, %select_n3A_1288, %add3A_1312 : vector<1024x128xi1>, vector<1024x128xf32>
    %select_n3A_1319 = arith.select %lt3A_1316, %add3A_1315, %select_n3A_1290 : vector<1024x128xi1>, vector<1024x128xi32>
    %select_n3A_1320 = arith.select %lt3A_1316, %select_n3A_1290, %add3A_1315 : vector<1024x128xi1>, vector<1024x128xi32>
    %lt3A_1321 = arith.cmpf olt, %select_n3A_1318, %select_n3A_1293 : vector<1024x128xf32>
    %select_n3A_1322 = arith.select %lt3A_1321, %select_n3A_1318, %select_n3A_1293 : vector<1024x128xi1>, vector<1024x128xf32>
    %select_n3A_1323 = arith.select %lt3A_1321, %select_n3A_1293, %select_n3A_1318 : vector<1024x128xi1>, vector<1024x128xf32>
    %select_n3A_1324 = arith.select %lt3A_1321, %select_n3A_1320, %select_n3A_1295 : vector<1024x128xi1>, vector<1024x128xi32>
    %select_n3A_1325 = arith.select %lt3A_1321, %select_n3A_1295, %select_n3A_1320 : vector<1024x128xi1>, vector<1024x128xi32>
    %lt3A_1326 = arith.cmpf olt, %select_n3A_1323, %select_n3A_1298 : vector<1024x128xf32>
    %select_n3A_1327 = arith.select %lt3A_1326, %select_n3A_1323, %select_n3A_1298 : vector<1024x128xi1>, vector<1024x128xf32>
    %select_n3A_1328 = arith.select %lt3A_1326, %select_n3A_1298, %select_n3A_1323 : vector<1024x128xi1>, vector<1024x128xf32>
    %select_n3A_1329 = arith.select %lt3A_1326, %select_n3A_1325, %select_n3A_1300 : vector<1024x128xi1>, vector<1024x128xi32>
    %select_n3A_1330 = arith.select %lt3A_1326, %select_n3A_1300, %select_n3A_1325 : vector<1024x128xi1>, vector<1024x128xi32>
    %lt3A_1331 = arith.cmpf olt, %select_n3A_1328, %select_n3A_1303 : vector<1024x128xf32>
    %select_n3A_1332 = arith.select %lt3A_1331, %select_n3A_1328, %select_n3A_1303 : vector<1024x128xi1>, vector<1024x128xf32>
    %select_n3A_1333 = arith.select %lt3A_1331, %select_n3A_1330, %select_n3A_1304 : vector<1024x128xi1>, vector<1024x128xi32>
    %get3A_1334 = arith.constant 0 : index
    %get3A_1335 = arith.constant 5760 : index
    %get3A_1336 = vector.load %arg10[%get3A_1334, %get3A_1335] : memref<1024x8192xf32, #tpu.memory_space<vmem>>, vector<1024x128xf32>
    %get3A_1337 = arith.constant 0 : index
    %get3A_1338 = arith.constant 5760 : index
    %get3A_1339 = vector.load %arg9[%get3A_1337, %get3A_1338] : memref<1x8192xf32, #tpu.memory_space<vmem>>, vector<1x128xf32>
    %add3A_1340 = vector.broadcast %get3A_1339 : vector<1x128xf32> to vector<1024x128xf32>
    %add3A_1341 = arith.addf %get3A_1336, %add3A_1340 : vector<1024x128xf32>
    %add3A_1342 = arith.constant 5760 : i32
    %add3A_1343 = vector.broadcast %add3A_1342 : i32 to vector<1024x128xi32>
    %add3A_1344 = arith.addi %iota3A, %add3A_1343 : vector<1024x128xi32>
    %lt3A_1345 = arith.cmpf olt, %add3A_1341, %select_n3A_1317 : vector<1024x128xf32>
    %select_n3A_1346 = arith.select %lt3A_1345, %add3A_1341, %select_n3A_1317 : vector<1024x128xi1>, vector<1024x128xf32>
    %select_n3A_1347 = arith.select %lt3A_1345, %select_n3A_1317, %add3A_1341 : vector<1024x128xi1>, vector<1024x128xf32>
    %select_n3A_1348 = arith.select %lt3A_1345, %add3A_1344, %select_n3A_1319 : vector<1024x128xi1>, vector<1024x128xi32>
    %select_n3A_1349 = arith.select %lt3A_1345, %select_n3A_1319, %add3A_1344 : vector<1024x128xi1>, vector<1024x128xi32>
    %lt3A_1350 = arith.cmpf olt, %select_n3A_1347, %select_n3A_1322 : vector<1024x128xf32>
    %select_n3A_1351 = arith.select %lt3A_1350, %select_n3A_1347, %select_n3A_1322 : vector<1024x128xi1>, vector<1024x128xf32>
    %select_n3A_1352 = arith.select %lt3A_1350, %select_n3A_1322, %select_n3A_1347 : vector<1024x128xi1>, vector<1024x128xf32>
    %select_n3A_1353 = arith.select %lt3A_1350, %select_n3A_1349, %select_n3A_1324 : vector<1024x128xi1>, vector<1024x128xi32>
    %select_n3A_1354 = arith.select %lt3A_1350, %select_n3A_1324, %select_n3A_1349 : vector<1024x128xi1>, vector<1024x128xi32>
    %lt3A_1355 = arith.cmpf olt, %select_n3A_1352, %select_n3A_1327 : vector<1024x128xf32>
    %select_n3A_1356 = arith.select %lt3A_1355, %select_n3A_1352, %select_n3A_1327 : vector<1024x128xi1>, vector<1024x128xf32>
    %select_n3A_1357 = arith.select %lt3A_1355, %select_n3A_1327, %select_n3A_1352 : vector<1024x128xi1>, vector<1024x128xf32>
    %select_n3A_1358 = arith.select %lt3A_1355, %select_n3A_1354, %select_n3A_1329 : vector<1024x128xi1>, vector<1024x128xi32>
    %select_n3A_1359 = arith.select %lt3A_1355, %select_n3A_1329, %select_n3A_1354 : vector<1024x128xi1>, vector<1024x128xi32>
    %lt3A_1360 = arith.cmpf olt, %select_n3A_1357, %select_n3A_1332 : vector<1024x128xf32>
    %select_n3A_1361 = arith.select %lt3A_1360, %select_n3A_1357, %select_n3A_1332 : vector<1024x128xi1>, vector<1024x128xf32>
    %select_n3A_1362 = arith.select %lt3A_1360, %select_n3A_1359, %select_n3A_1333 : vector<1024x128xi1>, vector<1024x128xi32>
    %get3A_1363 = arith.constant 0 : index
    %get3A_1364 = arith.constant 5888 : index
    %get3A_1365 = vector.load %arg10[%get3A_1363, %get3A_1364] : memref<1024x8192xf32, #tpu.memory_space<vmem>>, vector<1024x128xf32>
    %get3A_1366 = arith.constant 0 : index
    %get3A_1367 = arith.constant 5888 : index
    %get3A_1368 = vector.load %arg9[%get3A_1366, %get3A_1367] : memref<1x8192xf32, #tpu.memory_space<vmem>>, vector<1x128xf32>
    %add3A_1369 = vector.broadcast %get3A_1368 : vector<1x128xf32> to vector<1024x128xf32>
    %add3A_1370 = arith.addf %get3A_1365, %add3A_1369 : vector<1024x128xf32>
    %add3A_1371 = arith.constant 5888 : i32
    %add3A_1372 = vector.broadcast %add3A_1371 : i32 to vector<1024x128xi32>
    %add3A_1373 = arith.addi %iota3A, %add3A_1372 : vector<1024x128xi32>
    %lt3A_1374 = arith.cmpf olt, %add3A_1370, %select_n3A_1346 : vector<1024x128xf32>
    %select_n3A_1375 = arith.select %lt3A_1374, %add3A_1370, %select_n3A_1346 : vector<1024x128xi1>, vector<1024x128xf32>
    %select_n3A_1376 = arith.select %lt3A_1374, %select_n3A_1346, %add3A_1370 : vector<1024x128xi1>, vector<1024x128xf32>
    %select_n3A_1377 = arith.select %lt3A_1374, %add3A_1373, %select_n3A_1348 : vector<1024x128xi1>, vector<1024x128xi32>
    %select_n3A_1378 = arith.select %lt3A_1374, %select_n3A_1348, %add3A_1373 : vector<1024x128xi1>, vector<1024x128xi32>
    %lt3A_1379 = arith.cmpf olt, %select_n3A_1376, %select_n3A_1351 : vector<1024x128xf32>
    %select_n3A_1380 = arith.select %lt3A_1379, %select_n3A_1376, %select_n3A_1351 : vector<1024x128xi1>, vector<1024x128xf32>
    %select_n3A_1381 = arith.select %lt3A_1379, %select_n3A_1351, %select_n3A_1376 : vector<1024x128xi1>, vector<1024x128xf32>
    %select_n3A_1382 = arith.select %lt3A_1379, %select_n3A_1378, %select_n3A_1353 : vector<1024x128xi1>, vector<1024x128xi32>
    %select_n3A_1383 = arith.select %lt3A_1379, %select_n3A_1353, %select_n3A_1378 : vector<1024x128xi1>, vector<1024x128xi32>
    %lt3A_1384 = arith.cmpf olt, %select_n3A_1381, %select_n3A_1356 : vector<1024x128xf32>
    %select_n3A_1385 = arith.select %lt3A_1384, %select_n3A_1381, %select_n3A_1356 : vector<1024x128xi1>, vector<1024x128xf32>
    %select_n3A_1386 = arith.select %lt3A_1384, %select_n3A_1356, %select_n3A_1381 : vector<1024x128xi1>, vector<1024x128xf32>
    %select_n3A_1387 = arith.select %lt3A_1384, %select_n3A_1383, %select_n3A_1358 : vector<1024x128xi1>, vector<1024x128xi32>
    %select_n3A_1388 = arith.select %lt3A_1384, %select_n3A_1358, %select_n3A_1383 : vector<1024x128xi1>, vector<1024x128xi32>
    %lt3A_1389 = arith.cmpf olt, %select_n3A_1386, %select_n3A_1361 : vector<1024x128xf32>
    %select_n3A_1390 = arith.select %lt3A_1389, %select_n3A_1386, %select_n3A_1361 : vector<1024x128xi1>, vector<1024x128xf32>
    %select_n3A_1391 = arith.select %lt3A_1389, %select_n3A_1388, %select_n3A_1362 : vector<1024x128xi1>, vector<1024x128xi32>
    %get3A_1392 = arith.constant 0 : index
    %get3A_1393 = arith.constant 6016 : index
    %get3A_1394 = vector.load %arg10[%get3A_1392, %get3A_1393] : memref<1024x8192xf32, #tpu.memory_space<vmem>>, vector<1024x128xf32>
    %get3A_1395 = arith.constant 0 : index
    %get3A_1396 = arith.constant 6016 : index
    %get3A_1397 = vector.load %arg9[%get3A_1395, %get3A_1396] : memref<1x8192xf32, #tpu.memory_space<vmem>>, vector<1x128xf32>
    %add3A_1398 = vector.broadcast %get3A_1397 : vector<1x128xf32> to vector<1024x128xf32>
    %add3A_1399 = arith.addf %get3A_1394, %add3A_1398 : vector<1024x128xf32>
    %add3A_1400 = arith.constant 6016 : i32
    %add3A_1401 = vector.broadcast %add3A_1400 : i32 to vector<1024x128xi32>
    %add3A_1402 = arith.addi %iota3A, %add3A_1401 : vector<1024x128xi32>
    %lt3A_1403 = arith.cmpf olt, %add3A_1399, %select_n3A_1375 : vector<1024x128xf32>
    %select_n3A_1404 = arith.select %lt3A_1403, %add3A_1399, %select_n3A_1375 : vector<1024x128xi1>, vector<1024x128xf32>
    %select_n3A_1405 = arith.select %lt3A_1403, %select_n3A_1375, %add3A_1399 : vector<1024x128xi1>, vector<1024x128xf32>
    %select_n3A_1406 = arith.select %lt3A_1403, %add3A_1402, %select_n3A_1377 : vector<1024x128xi1>, vector<1024x128xi32>
    %select_n3A_1407 = arith.select %lt3A_1403, %select_n3A_1377, %add3A_1402 : vector<1024x128xi1>, vector<1024x128xi32>
    %lt3A_1408 = arith.cmpf olt, %select_n3A_1405, %select_n3A_1380 : vector<1024x128xf32>
    %select_n3A_1409 = arith.select %lt3A_1408, %select_n3A_1405, %select_n3A_1380 : vector<1024x128xi1>, vector<1024x128xf32>
    %select_n3A_1410 = arith.select %lt3A_1408, %select_n3A_1380, %select_n3A_1405 : vector<1024x128xi1>, vector<1024x128xf32>
    %select_n3A_1411 = arith.select %lt3A_1408, %select_n3A_1407, %select_n3A_1382 : vector<1024x128xi1>, vector<1024x128xi32>
    %select_n3A_1412 = arith.select %lt3A_1408, %select_n3A_1382, %select_n3A_1407 : vector<1024x128xi1>, vector<1024x128xi32>
    %lt3A_1413 = arith.cmpf olt, %select_n3A_1410, %select_n3A_1385 : vector<1024x128xf32>
    %select_n3A_1414 = arith.select %lt3A_1413, %select_n3A_1410, %select_n3A_1385 : vector<1024x128xi1>, vector<1024x128xf32>
    %select_n3A_1415 = arith.select %lt3A_1413, %select_n3A_1385, %select_n3A_1410 : vector<1024x128xi1>, vector<1024x128xf32>
    %select_n3A_1416 = arith.select %lt3A_1413, %select_n3A_1412, %select_n3A_1387 : vector<1024x128xi1>, vector<1024x128xi32>
    %select_n3A_1417 = arith.select %lt3A_1413, %select_n3A_1387, %select_n3A_1412 : vector<1024x128xi1>, vector<1024x128xi32>
    %lt3A_1418 = arith.cmpf olt, %select_n3A_1415, %select_n3A_1390 : vector<1024x128xf32>
    %select_n3A_1419 = arith.select %lt3A_1418, %select_n3A_1415, %select_n3A_1390 : vector<1024x128xi1>, vector<1024x128xf32>
    %select_n3A_1420 = arith.select %lt3A_1418, %select_n3A_1417, %select_n3A_1391 : vector<1024x128xi1>, vector<1024x128xi32>
    %get3A_1421 = arith.constant 0 : index
    %get3A_1422 = arith.constant 6144 : index
    %get3A_1423 = vector.load %arg10[%get3A_1421, %get3A_1422] : memref<1024x8192xf32, #tpu.memory_space<vmem>>, vector<1024x128xf32>
    %get3A_1424 = arith.constant 0 : index
    %get3A_1425 = arith.constant 6144 : index
    %get3A_1426 = vector.load %arg9[%get3A_1424, %get3A_1425] : memref<1x8192xf32, #tpu.memory_space<vmem>>, vector<1x128xf32>
    %add3A_1427 = vector.broadcast %get3A_1426 : vector<1x128xf32> to vector<1024x128xf32>
    %add3A_1428 = arith.addf %get3A_1423, %add3A_1427 : vector<1024x128xf32>
    %add3A_1429 = arith.constant 6144 : i32
    %add3A_1430 = vector.broadcast %add3A_1429 : i32 to vector<1024x128xi32>
    %add3A_1431 = arith.addi %iota3A, %add3A_1430 : vector<1024x128xi32>
    %lt3A_1432 = arith.cmpf olt, %add3A_1428, %select_n3A_1404 : vector<1024x128xf32>
    %select_n3A_1433 = arith.select %lt3A_1432, %add3A_1428, %select_n3A_1404 : vector<1024x128xi1>, vector<1024x128xf32>
    %select_n3A_1434 = arith.select %lt3A_1432, %select_n3A_1404, %add3A_1428 : vector<1024x128xi1>, vector<1024x128xf32>
    %select_n3A_1435 = arith.select %lt3A_1432, %add3A_1431, %select_n3A_1406 : vector<1024x128xi1>, vector<1024x128xi32>
    %select_n3A_1436 = arith.select %lt3A_1432, %select_n3A_1406, %add3A_1431 : vector<1024x128xi1>, vector<1024x128xi32>
    %lt3A_1437 = arith.cmpf olt, %select_n3A_1434, %select_n3A_1409 : vector<1024x128xf32>
    %select_n3A_1438 = arith.select %lt3A_1437, %select_n3A_1434, %select_n3A_1409 : vector<1024x128xi1>, vector<1024x128xf32>
    %select_n3A_1439 = arith.select %lt3A_1437, %select_n3A_1409, %select_n3A_1434 : vector<1024x128xi1>, vector<1024x128xf32>
    %select_n3A_1440 = arith.select %lt3A_1437, %select_n3A_1436, %select_n3A_1411 : vector<1024x128xi1>, vector<1024x128xi32>
    %select_n3A_1441 = arith.select %lt3A_1437, %select_n3A_1411, %select_n3A_1436 : vector<1024x128xi1>, vector<1024x128xi32>
    %lt3A_1442 = arith.cmpf olt, %select_n3A_1439, %select_n3A_1414 : vector<1024x128xf32>
    %select_n3A_1443 = arith.select %lt3A_1442, %select_n3A_1439, %select_n3A_1414 : vector<1024x128xi1>, vector<1024x128xf32>
    %select_n3A_1444 = arith.select %lt3A_1442, %select_n3A_1414, %select_n3A_1439 : vector<1024x128xi1>, vector<1024x128xf32>
    %select_n3A_1445 = arith.select %lt3A_1442, %select_n3A_1441, %select_n3A_1416 : vector<1024x128xi1>, vector<1024x128xi32>
    %select_n3A_1446 = arith.select %lt3A_1442, %select_n3A_1416, %select_n3A_1441 : vector<1024x128xi1>, vector<1024x128xi32>
    %lt3A_1447 = arith.cmpf olt, %select_n3A_1444, %select_n3A_1419 : vector<1024x128xf32>
    %select_n3A_1448 = arith.select %lt3A_1447, %select_n3A_1444, %select_n3A_1419 : vector<1024x128xi1>, vector<1024x128xf32>
    %select_n3A_1449 = arith.select %lt3A_1447, %select_n3A_1446, %select_n3A_1420 : vector<1024x128xi1>, vector<1024x128xi32>
    %get3A_1450 = arith.constant 0 : index
    %get3A_1451 = arith.constant 6272 : index
    %get3A_1452 = vector.load %arg10[%get3A_1450, %get3A_1451] : memref<1024x8192xf32, #tpu.memory_space<vmem>>, vector<1024x128xf32>
    %get3A_1453 = arith.constant 0 : index
    %get3A_1454 = arith.constant 6272 : index
    %get3A_1455 = vector.load %arg9[%get3A_1453, %get3A_1454] : memref<1x8192xf32, #tpu.memory_space<vmem>>, vector<1x128xf32>
    %add3A_1456 = vector.broadcast %get3A_1455 : vector<1x128xf32> to vector<1024x128xf32>
    %add3A_1457 = arith.addf %get3A_1452, %add3A_1456 : vector<1024x128xf32>
    %add3A_1458 = arith.constant 6272 : i32
    %add3A_1459 = vector.broadcast %add3A_1458 : i32 to vector<1024x128xi32>
    %add3A_1460 = arith.addi %iota3A, %add3A_1459 : vector<1024x128xi32>
    %lt3A_1461 = arith.cmpf olt, %add3A_1457, %select_n3A_1433 : vector<1024x128xf32>
    %select_n3A_1462 = arith.select %lt3A_1461, %add3A_1457, %select_n3A_1433 : vector<1024x128xi1>, vector<1024x128xf32>
    %select_n3A_1463 = arith.select %lt3A_1461, %select_n3A_1433, %add3A_1457 : vector<1024x128xi1>, vector<1024x128xf32>
    %select_n3A_1464 = arith.select %lt3A_1461, %add3A_1460, %select_n3A_1435 : vector<1024x128xi1>, vector<1024x128xi32>
    %select_n3A_1465 = arith.select %lt3A_1461, %select_n3A_1435, %add3A_1460 : vector<1024x128xi1>, vector<1024x128xi32>
    %lt3A_1466 = arith.cmpf olt, %select_n3A_1463, %select_n3A_1438 : vector<1024x128xf32>
    %select_n3A_1467 = arith.select %lt3A_1466, %select_n3A_1463, %select_n3A_1438 : vector<1024x128xi1>, vector<1024x128xf32>
    %select_n3A_1468 = arith.select %lt3A_1466, %select_n3A_1438, %select_n3A_1463 : vector<1024x128xi1>, vector<1024x128xf32>
    %select_n3A_1469 = arith.select %lt3A_1466, %select_n3A_1465, %select_n3A_1440 : vector<1024x128xi1>, vector<1024x128xi32>
    %select_n3A_1470 = arith.select %lt3A_1466, %select_n3A_1440, %select_n3A_1465 : vector<1024x128xi1>, vector<1024x128xi32>
    %lt3A_1471 = arith.cmpf olt, %select_n3A_1468, %select_n3A_1443 : vector<1024x128xf32>
    %select_n3A_1472 = arith.select %lt3A_1471, %select_n3A_1468, %select_n3A_1443 : vector<1024x128xi1>, vector<1024x128xf32>
    %select_n3A_1473 = arith.select %lt3A_1471, %select_n3A_1443, %select_n3A_1468 : vector<1024x128xi1>, vector<1024x128xf32>
    %select_n3A_1474 = arith.select %lt3A_1471, %select_n3A_1470, %select_n3A_1445 : vector<1024x128xi1>, vector<1024x128xi32>
    %select_n3A_1475 = arith.select %lt3A_1471, %select_n3A_1445, %select_n3A_1470 : vector<1024x128xi1>, vector<1024x128xi32>
    %lt3A_1476 = arith.cmpf olt, %select_n3A_1473, %select_n3A_1448 : vector<1024x128xf32>
    %select_n3A_1477 = arith.select %lt3A_1476, %select_n3A_1473, %select_n3A_1448 : vector<1024x128xi1>, vector<1024x128xf32>
    %select_n3A_1478 = arith.select %lt3A_1476, %select_n3A_1475, %select_n3A_1449 : vector<1024x128xi1>, vector<1024x128xi32>
    %get3A_1479 = arith.constant 0 : index
    %get3A_1480 = arith.constant 6400 : index
    %get3A_1481 = vector.load %arg10[%get3A_1479, %get3A_1480] : memref<1024x8192xf32, #tpu.memory_space<vmem>>, vector<1024x128xf32>
    %get3A_1482 = arith.constant 0 : index
    %get3A_1483 = arith.constant 6400 : index
    %get3A_1484 = vector.load %arg9[%get3A_1482, %get3A_1483] : memref<1x8192xf32, #tpu.memory_space<vmem>>, vector<1x128xf32>
    %add3A_1485 = vector.broadcast %get3A_1484 : vector<1x128xf32> to vector<1024x128xf32>
    %add3A_1486 = arith.addf %get3A_1481, %add3A_1485 : vector<1024x128xf32>
    %add3A_1487 = arith.constant 6400 : i32
    %add3A_1488 = vector.broadcast %add3A_1487 : i32 to vector<1024x128xi32>
    %add3A_1489 = arith.addi %iota3A, %add3A_1488 : vector<1024x128xi32>
    %lt3A_1490 = arith.cmpf olt, %add3A_1486, %select_n3A_1462 : vector<1024x128xf32>
    %select_n3A_1491 = arith.select %lt3A_1490, %add3A_1486, %select_n3A_1462 : vector<1024x128xi1>, vector<1024x128xf32>
    %select_n3A_1492 = arith.select %lt3A_1490, %select_n3A_1462, %add3A_1486 : vector<1024x128xi1>, vector<1024x128xf32>
    %select_n3A_1493 = arith.select %lt3A_1490, %add3A_1489, %select_n3A_1464 : vector<1024x128xi1>, vector<1024x128xi32>
    %select_n3A_1494 = arith.select %lt3A_1490, %select_n3A_1464, %add3A_1489 : vector<1024x128xi1>, vector<1024x128xi32>
    %lt3A_1495 = arith.cmpf olt, %select_n3A_1492, %select_n3A_1467 : vector<1024x128xf32>
    %select_n3A_1496 = arith.select %lt3A_1495, %select_n3A_1492, %select_n3A_1467 : vector<1024x128xi1>, vector<1024x128xf32>
    %select_n3A_1497 = arith.select %lt3A_1495, %select_n3A_1467, %select_n3A_1492 : vector<1024x128xi1>, vector<1024x128xf32>
    %select_n3A_1498 = arith.select %lt3A_1495, %select_n3A_1494, %select_n3A_1469 : vector<1024x128xi1>, vector<1024x128xi32>
    %select_n3A_1499 = arith.select %lt3A_1495, %select_n3A_1469, %select_n3A_1494 : vector<1024x128xi1>, vector<1024x128xi32>
    %lt3A_1500 = arith.cmpf olt, %select_n3A_1497, %select_n3A_1472 : vector<1024x128xf32>
    %select_n3A_1501 = arith.select %lt3A_1500, %select_n3A_1497, %select_n3A_1472 : vector<1024x128xi1>, vector<1024x128xf32>
    %select_n3A_1502 = arith.select %lt3A_1500, %select_n3A_1472, %select_n3A_1497 : vector<1024x128xi1>, vector<1024x128xf32>
    %select_n3A_1503 = arith.select %lt3A_1500, %select_n3A_1499, %select_n3A_1474 : vector<1024x128xi1>, vector<1024x128xi32>
    %select_n3A_1504 = arith.select %lt3A_1500, %select_n3A_1474, %select_n3A_1499 : vector<1024x128xi1>, vector<1024x128xi32>
    %lt3A_1505 = arith.cmpf olt, %select_n3A_1502, %select_n3A_1477 : vector<1024x128xf32>
    %select_n3A_1506 = arith.select %lt3A_1505, %select_n3A_1502, %select_n3A_1477 : vector<1024x128xi1>, vector<1024x128xf32>
    %select_n3A_1507 = arith.select %lt3A_1505, %select_n3A_1504, %select_n3A_1478 : vector<1024x128xi1>, vector<1024x128xi32>
    %get3A_1508 = arith.constant 0 : index
    %get3A_1509 = arith.constant 6528 : index
    %get3A_1510 = vector.load %arg10[%get3A_1508, %get3A_1509] : memref<1024x8192xf32, #tpu.memory_space<vmem>>, vector<1024x128xf32>
    %get3A_1511 = arith.constant 0 : index
    %get3A_1512 = arith.constant 6528 : index
    %get3A_1513 = vector.load %arg9[%get3A_1511, %get3A_1512] : memref<1x8192xf32, #tpu.memory_space<vmem>>, vector<1x128xf32>
    %add3A_1514 = vector.broadcast %get3A_1513 : vector<1x128xf32> to vector<1024x128xf32>
    %add3A_1515 = arith.addf %get3A_1510, %add3A_1514 : vector<1024x128xf32>
    %add3A_1516 = arith.constant 6528 : i32
    %add3A_1517 = vector.broadcast %add3A_1516 : i32 to vector<1024x128xi32>
    %add3A_1518 = arith.addi %iota3A, %add3A_1517 : vector<1024x128xi32>
    %lt3A_1519 = arith.cmpf olt, %add3A_1515, %select_n3A_1491 : vector<1024x128xf32>
    %select_n3A_1520 = arith.select %lt3A_1519, %add3A_1515, %select_n3A_1491 : vector<1024x128xi1>, vector<1024x128xf32>
    %select_n3A_1521 = arith.select %lt3A_1519, %select_n3A_1491, %add3A_1515 : vector<1024x128xi1>, vector<1024x128xf32>
    %select_n3A_1522 = arith.select %lt3A_1519, %add3A_1518, %select_n3A_1493 : vector<1024x128xi1>, vector<1024x128xi32>
    %select_n3A_1523 = arith.select %lt3A_1519, %select_n3A_1493, %add3A_1518 : vector<1024x128xi1>, vector<1024x128xi32>
    %lt3A_1524 = arith.cmpf olt, %select_n3A_1521, %select_n3A_1496 : vector<1024x128xf32>
    %select_n3A_1525 = arith.select %lt3A_1524, %select_n3A_1521, %select_n3A_1496 : vector<1024x128xi1>, vector<1024x128xf32>
    %select_n3A_1526 = arith.select %lt3A_1524, %select_n3A_1496, %select_n3A_1521 : vector<1024x128xi1>, vector<1024x128xf32>
    %select_n3A_1527 = arith.select %lt3A_1524, %select_n3A_1523, %select_n3A_1498 : vector<1024x128xi1>, vector<1024x128xi32>
    %select_n3A_1528 = arith.select %lt3A_1524, %select_n3A_1498, %select_n3A_1523 : vector<1024x128xi1>, vector<1024x128xi32>
    %lt3A_1529 = arith.cmpf olt, %select_n3A_1526, %select_n3A_1501 : vector<1024x128xf32>
    %select_n3A_1530 = arith.select %lt3A_1529, %select_n3A_1526, %select_n3A_1501 : vector<1024x128xi1>, vector<1024x128xf32>
    %select_n3A_1531 = arith.select %lt3A_1529, %select_n3A_1501, %select_n3A_1526 : vector<1024x128xi1>, vector<1024x128xf32>
    %select_n3A_1532 = arith.select %lt3A_1529, %select_n3A_1528, %select_n3A_1503 : vector<1024x128xi1>, vector<1024x128xi32>
    %select_n3A_1533 = arith.select %lt3A_1529, %select_n3A_1503, %select_n3A_1528 : vector<1024x128xi1>, vector<1024x128xi32>
    %lt3A_1534 = arith.cmpf olt, %select_n3A_1531, %select_n3A_1506 : vector<1024x128xf32>
    %select_n3A_1535 = arith.select %lt3A_1534, %select_n3A_1531, %select_n3A_1506 : vector<1024x128xi1>, vector<1024x128xf32>
    %select_n3A_1536 = arith.select %lt3A_1534, %select_n3A_1533, %select_n3A_1507 : vector<1024x128xi1>, vector<1024x128xi32>
    %get3A_1537 = arith.constant 0 : index
    %get3A_1538 = arith.constant 6656 : index
    %get3A_1539 = vector.load %arg10[%get3A_1537, %get3A_1538] : memref<1024x8192xf32, #tpu.memory_space<vmem>>, vector<1024x128xf32>
    %get3A_1540 = arith.constant 0 : index
    %get3A_1541 = arith.constant 6656 : index
    %get3A_1542 = vector.load %arg9[%get3A_1540, %get3A_1541] : memref<1x8192xf32, #tpu.memory_space<vmem>>, vector<1x128xf32>
    %add3A_1543 = vector.broadcast %get3A_1542 : vector<1x128xf32> to vector<1024x128xf32>
    %add3A_1544 = arith.addf %get3A_1539, %add3A_1543 : vector<1024x128xf32>
    %add3A_1545 = arith.constant 6656 : i32
    %add3A_1546 = vector.broadcast %add3A_1545 : i32 to vector<1024x128xi32>
    %add3A_1547 = arith.addi %iota3A, %add3A_1546 : vector<1024x128xi32>
    %lt3A_1548 = arith.cmpf olt, %add3A_1544, %select_n3A_1520 : vector<1024x128xf32>
    %select_n3A_1549 = arith.select %lt3A_1548, %add3A_1544, %select_n3A_1520 : vector<1024x128xi1>, vector<1024x128xf32>
    %select_n3A_1550 = arith.select %lt3A_1548, %select_n3A_1520, %add3A_1544 : vector<1024x128xi1>, vector<1024x128xf32>
    %select_n3A_1551 = arith.select %lt3A_1548, %add3A_1547, %select_n3A_1522 : vector<1024x128xi1>, vector<1024x128xi32>
    %select_n3A_1552 = arith.select %lt3A_1548, %select_n3A_1522, %add3A_1547 : vector<1024x128xi1>, vector<1024x128xi32>
    %lt3A_1553 = arith.cmpf olt, %select_n3A_1550, %select_n3A_1525 : vector<1024x128xf32>
    %select_n3A_1554 = arith.select %lt3A_1553, %select_n3A_1550, %select_n3A_1525 : vector<1024x128xi1>, vector<1024x128xf32>
    %select_n3A_1555 = arith.select %lt3A_1553, %select_n3A_1525, %select_n3A_1550 : vector<1024x128xi1>, vector<1024x128xf32>
    %select_n3A_1556 = arith.select %lt3A_1553, %select_n3A_1552, %select_n3A_1527 : vector<1024x128xi1>, vector<1024x128xi32>
    %select_n3A_1557 = arith.select %lt3A_1553, %select_n3A_1527, %select_n3A_1552 : vector<1024x128xi1>, vector<1024x128xi32>
    %lt3A_1558 = arith.cmpf olt, %select_n3A_1555, %select_n3A_1530 : vector<1024x128xf32>
    %select_n3A_1559 = arith.select %lt3A_1558, %select_n3A_1555, %select_n3A_1530 : vector<1024x128xi1>, vector<1024x128xf32>
    %select_n3A_1560 = arith.select %lt3A_1558, %select_n3A_1530, %select_n3A_1555 : vector<1024x128xi1>, vector<1024x128xf32>
    %select_n3A_1561 = arith.select %lt3A_1558, %select_n3A_1557, %select_n3A_1532 : vector<1024x128xi1>, vector<1024x128xi32>
    %select_n3A_1562 = arith.select %lt3A_1558, %select_n3A_1532, %select_n3A_1557 : vector<1024x128xi1>, vector<1024x128xi32>
    %lt3A_1563 = arith.cmpf olt, %select_n3A_1560, %select_n3A_1535 : vector<1024x128xf32>
    %select_n3A_1564 = arith.select %lt3A_1563, %select_n3A_1560, %select_n3A_1535 : vector<1024x128xi1>, vector<1024x128xf32>
    %select_n3A_1565 = arith.select %lt3A_1563, %select_n3A_1562, %select_n3A_1536 : vector<1024x128xi1>, vector<1024x128xi32>
    %get3A_1566 = arith.constant 0 : index
    %get3A_1567 = arith.constant 6784 : index
    %get3A_1568 = vector.load %arg10[%get3A_1566, %get3A_1567] : memref<1024x8192xf32, #tpu.memory_space<vmem>>, vector<1024x128xf32>
    %get3A_1569 = arith.constant 0 : index
    %get3A_1570 = arith.constant 6784 : index
    %get3A_1571 = vector.load %arg9[%get3A_1569, %get3A_1570] : memref<1x8192xf32, #tpu.memory_space<vmem>>, vector<1x128xf32>
    %add3A_1572 = vector.broadcast %get3A_1571 : vector<1x128xf32> to vector<1024x128xf32>
    %add3A_1573 = arith.addf %get3A_1568, %add3A_1572 : vector<1024x128xf32>
    %add3A_1574 = arith.constant 6784 : i32
    %add3A_1575 = vector.broadcast %add3A_1574 : i32 to vector<1024x128xi32>
    %add3A_1576 = arith.addi %iota3A, %add3A_1575 : vector<1024x128xi32>
    %lt3A_1577 = arith.cmpf olt, %add3A_1573, %select_n3A_1549 : vector<1024x128xf32>
    %select_n3A_1578 = arith.select %lt3A_1577, %add3A_1573, %select_n3A_1549 : vector<1024x128xi1>, vector<1024x128xf32>
    %select_n3A_1579 = arith.select %lt3A_1577, %select_n3A_1549, %add3A_1573 : vector<1024x128xi1>, vector<1024x128xf32>
    %select_n3A_1580 = arith.select %lt3A_1577, %add3A_1576, %select_n3A_1551 : vector<1024x128xi1>, vector<1024x128xi32>
    %select_n3A_1581 = arith.select %lt3A_1577, %select_n3A_1551, %add3A_1576 : vector<1024x128xi1>, vector<1024x128xi32>
    %lt3A_1582 = arith.cmpf olt, %select_n3A_1579, %select_n3A_1554 : vector<1024x128xf32>
    %select_n3A_1583 = arith.select %lt3A_1582, %select_n3A_1579, %select_n3A_1554 : vector<1024x128xi1>, vector<1024x128xf32>
    %select_n3A_1584 = arith.select %lt3A_1582, %select_n3A_1554, %select_n3A_1579 : vector<1024x128xi1>, vector<1024x128xf32>
    %select_n3A_1585 = arith.select %lt3A_1582, %select_n3A_1581, %select_n3A_1556 : vector<1024x128xi1>, vector<1024x128xi32>
    %select_n3A_1586 = arith.select %lt3A_1582, %select_n3A_1556, %select_n3A_1581 : vector<1024x128xi1>, vector<1024x128xi32>
    %lt3A_1587 = arith.cmpf olt, %select_n3A_1584, %select_n3A_1559 : vector<1024x128xf32>
    %select_n3A_1588 = arith.select %lt3A_1587, %select_n3A_1584, %select_n3A_1559 : vector<1024x128xi1>, vector<1024x128xf32>
    %select_n3A_1589 = arith.select %lt3A_1587, %select_n3A_1559, %select_n3A_1584 : vector<1024x128xi1>, vector<1024x128xf32>
    %select_n3A_1590 = arith.select %lt3A_1587, %select_n3A_1586, %select_n3A_1561 : vector<1024x128xi1>, vector<1024x128xi32>
    %select_n3A_1591 = arith.select %lt3A_1587, %select_n3A_1561, %select_n3A_1586 : vector<1024x128xi1>, vector<1024x128xi32>
    %lt3A_1592 = arith.cmpf olt, %select_n3A_1589, %select_n3A_1564 : vector<1024x128xf32>
    %select_n3A_1593 = arith.select %lt3A_1592, %select_n3A_1589, %select_n3A_1564 : vector<1024x128xi1>, vector<1024x128xf32>
    %select_n3A_1594 = arith.select %lt3A_1592, %select_n3A_1591, %select_n3A_1565 : vector<1024x128xi1>, vector<1024x128xi32>
    %get3A_1595 = arith.constant 0 : index
    %get3A_1596 = arith.constant 6912 : index
    %get3A_1597 = vector.load %arg10[%get3A_1595, %get3A_1596] : memref<1024x8192xf32, #tpu.memory_space<vmem>>, vector<1024x128xf32>
    %get3A_1598 = arith.constant 0 : index
    %get3A_1599 = arith.constant 6912 : index
    %get3A_1600 = vector.load %arg9[%get3A_1598, %get3A_1599] : memref<1x8192xf32, #tpu.memory_space<vmem>>, vector<1x128xf32>
    %add3A_1601 = vector.broadcast %get3A_1600 : vector<1x128xf32> to vector<1024x128xf32>
    %add3A_1602 = arith.addf %get3A_1597, %add3A_1601 : vector<1024x128xf32>
    %add3A_1603 = arith.constant 6912 : i32
    %add3A_1604 = vector.broadcast %add3A_1603 : i32 to vector<1024x128xi32>
    %add3A_1605 = arith.addi %iota3A, %add3A_1604 : vector<1024x128xi32>
    %lt3A_1606 = arith.cmpf olt, %add3A_1602, %select_n3A_1578 : vector<1024x128xf32>
    %select_n3A_1607 = arith.select %lt3A_1606, %add3A_1602, %select_n3A_1578 : vector<1024x128xi1>, vector<1024x128xf32>
    %select_n3A_1608 = arith.select %lt3A_1606, %select_n3A_1578, %add3A_1602 : vector<1024x128xi1>, vector<1024x128xf32>
    %select_n3A_1609 = arith.select %lt3A_1606, %add3A_1605, %select_n3A_1580 : vector<1024x128xi1>, vector<1024x128xi32>
    %select_n3A_1610 = arith.select %lt3A_1606, %select_n3A_1580, %add3A_1605 : vector<1024x128xi1>, vector<1024x128xi32>
    %lt3A_1611 = arith.cmpf olt, %select_n3A_1608, %select_n3A_1583 : vector<1024x128xf32>
    %select_n3A_1612 = arith.select %lt3A_1611, %select_n3A_1608, %select_n3A_1583 : vector<1024x128xi1>, vector<1024x128xf32>
    %select_n3A_1613 = arith.select %lt3A_1611, %select_n3A_1583, %select_n3A_1608 : vector<1024x128xi1>, vector<1024x128xf32>
    %select_n3A_1614 = arith.select %lt3A_1611, %select_n3A_1610, %select_n3A_1585 : vector<1024x128xi1>, vector<1024x128xi32>
    %select_n3A_1615 = arith.select %lt3A_1611, %select_n3A_1585, %select_n3A_1610 : vector<1024x128xi1>, vector<1024x128xi32>
    %lt3A_1616 = arith.cmpf olt, %select_n3A_1613, %select_n3A_1588 : vector<1024x128xf32>
    %select_n3A_1617 = arith.select %lt3A_1616, %select_n3A_1613, %select_n3A_1588 : vector<1024x128xi1>, vector<1024x128xf32>
    %select_n3A_1618 = arith.select %lt3A_1616, %select_n3A_1588, %select_n3A_1613 : vector<1024x128xi1>, vector<1024x128xf32>
    %select_n3A_1619 = arith.select %lt3A_1616, %select_n3A_1615, %select_n3A_1590 : vector<1024x128xi1>, vector<1024x128xi32>
    %select_n3A_1620 = arith.select %lt3A_1616, %select_n3A_1590, %select_n3A_1615 : vector<1024x128xi1>, vector<1024x128xi32>
    %lt3A_1621 = arith.cmpf olt, %select_n3A_1618, %select_n3A_1593 : vector<1024x128xf32>
    %select_n3A_1622 = arith.select %lt3A_1621, %select_n3A_1618, %select_n3A_1593 : vector<1024x128xi1>, vector<1024x128xf32>
    %select_n3A_1623 = arith.select %lt3A_1621, %select_n3A_1620, %select_n3A_1594 : vector<1024x128xi1>, vector<1024x128xi32>
    %get3A_1624 = arith.constant 0 : index
    %get3A_1625 = arith.constant 7040 : index
    %get3A_1626 = vector.load %arg10[%get3A_1624, %get3A_1625] : memref<1024x8192xf32, #tpu.memory_space<vmem>>, vector<1024x128xf32>
    %get3A_1627 = arith.constant 0 : index
    %get3A_1628 = arith.constant 7040 : index
    %get3A_1629 = vector.load %arg9[%get3A_1627, %get3A_1628] : memref<1x8192xf32, #tpu.memory_space<vmem>>, vector<1x128xf32>
    %add3A_1630 = vector.broadcast %get3A_1629 : vector<1x128xf32> to vector<1024x128xf32>
    %add3A_1631 = arith.addf %get3A_1626, %add3A_1630 : vector<1024x128xf32>
    %add3A_1632 = arith.constant 7040 : i32
    %add3A_1633 = vector.broadcast %add3A_1632 : i32 to vector<1024x128xi32>
    %add3A_1634 = arith.addi %iota3A, %add3A_1633 : vector<1024x128xi32>
    %lt3A_1635 = arith.cmpf olt, %add3A_1631, %select_n3A_1607 : vector<1024x128xf32>
    %select_n3A_1636 = arith.select %lt3A_1635, %add3A_1631, %select_n3A_1607 : vector<1024x128xi1>, vector<1024x128xf32>
    %select_n3A_1637 = arith.select %lt3A_1635, %select_n3A_1607, %add3A_1631 : vector<1024x128xi1>, vector<1024x128xf32>
    %select_n3A_1638 = arith.select %lt3A_1635, %add3A_1634, %select_n3A_1609 : vector<1024x128xi1>, vector<1024x128xi32>
    %select_n3A_1639 = arith.select %lt3A_1635, %select_n3A_1609, %add3A_1634 : vector<1024x128xi1>, vector<1024x128xi32>
    %lt3A_1640 = arith.cmpf olt, %select_n3A_1637, %select_n3A_1612 : vector<1024x128xf32>
    %select_n3A_1641 = arith.select %lt3A_1640, %select_n3A_1637, %select_n3A_1612 : vector<1024x128xi1>, vector<1024x128xf32>
    %select_n3A_1642 = arith.select %lt3A_1640, %select_n3A_1612, %select_n3A_1637 : vector<1024x128xi1>, vector<1024x128xf32>
    %select_n3A_1643 = arith.select %lt3A_1640, %select_n3A_1639, %select_n3A_1614 : vector<1024x128xi1>, vector<1024x128xi32>
    %select_n3A_1644 = arith.select %lt3A_1640, %select_n3A_1614, %select_n3A_1639 : vector<1024x128xi1>, vector<1024x128xi32>
    %lt3A_1645 = arith.cmpf olt, %select_n3A_1642, %select_n3A_1617 : vector<1024x128xf32>
    %select_n3A_1646 = arith.select %lt3A_1645, %select_n3A_1642, %select_n3A_1617 : vector<1024x128xi1>, vector<1024x128xf32>
    %select_n3A_1647 = arith.select %lt3A_1645, %select_n3A_1617, %select_n3A_1642 : vector<1024x128xi1>, vector<1024x128xf32>
    %select_n3A_1648 = arith.select %lt3A_1645, %select_n3A_1644, %select_n3A_1619 : vector<1024x128xi1>, vector<1024x128xi32>
    %select_n3A_1649 = arith.select %lt3A_1645, %select_n3A_1619, %select_n3A_1644 : vector<1024x128xi1>, vector<1024x128xi32>
    %lt3A_1650 = arith.cmpf olt, %select_n3A_1647, %select_n3A_1622 : vector<1024x128xf32>
    %select_n3A_1651 = arith.select %lt3A_1650, %select_n3A_1647, %select_n3A_1622 : vector<1024x128xi1>, vector<1024x128xf32>
    %select_n3A_1652 = arith.select %lt3A_1650, %select_n3A_1649, %select_n3A_1623 : vector<1024x128xi1>, vector<1024x128xi32>
    %get3A_1653 = arith.constant 0 : index
    %get3A_1654 = arith.constant 7168 : index
    %get3A_1655 = vector.load %arg10[%get3A_1653, %get3A_1654] : memref<1024x8192xf32, #tpu.memory_space<vmem>>, vector<1024x128xf32>
    %get3A_1656 = arith.constant 0 : index
    %get3A_1657 = arith.constant 7168 : index
    %get3A_1658 = vector.load %arg9[%get3A_1656, %get3A_1657] : memref<1x8192xf32, #tpu.memory_space<vmem>>, vector<1x128xf32>
    %add3A_1659 = vector.broadcast %get3A_1658 : vector<1x128xf32> to vector<1024x128xf32>
    %add3A_1660 = arith.addf %get3A_1655, %add3A_1659 : vector<1024x128xf32>
    %add3A_1661 = arith.constant 7168 : i32
    %add3A_1662 = vector.broadcast %add3A_1661 : i32 to vector<1024x128xi32>
    %add3A_1663 = arith.addi %iota3A, %add3A_1662 : vector<1024x128xi32>
    %lt3A_1664 = arith.cmpf olt, %add3A_1660, %select_n3A_1636 : vector<1024x128xf32>
    %select_n3A_1665 = arith.select %lt3A_1664, %add3A_1660, %select_n3A_1636 : vector<1024x128xi1>, vector<1024x128xf32>
    %select_n3A_1666 = arith.select %lt3A_1664, %select_n3A_1636, %add3A_1660 : vector<1024x128xi1>, vector<1024x128xf32>
    %select_n3A_1667 = arith.select %lt3A_1664, %add3A_1663, %select_n3A_1638 : vector<1024x128xi1>, vector<1024x128xi32>
    %select_n3A_1668 = arith.select %lt3A_1664, %select_n3A_1638, %add3A_1663 : vector<1024x128xi1>, vector<1024x128xi32>
    %lt3A_1669 = arith.cmpf olt, %select_n3A_1666, %select_n3A_1641 : vector<1024x128xf32>
    %select_n3A_1670 = arith.select %lt3A_1669, %select_n3A_1666, %select_n3A_1641 : vector<1024x128xi1>, vector<1024x128xf32>
    %select_n3A_1671 = arith.select %lt3A_1669, %select_n3A_1641, %select_n3A_1666 : vector<1024x128xi1>, vector<1024x128xf32>
    %select_n3A_1672 = arith.select %lt3A_1669, %select_n3A_1668, %select_n3A_1643 : vector<1024x128xi1>, vector<1024x128xi32>
    %select_n3A_1673 = arith.select %lt3A_1669, %select_n3A_1643, %select_n3A_1668 : vector<1024x128xi1>, vector<1024x128xi32>
    %lt3A_1674 = arith.cmpf olt, %select_n3A_1671, %select_n3A_1646 : vector<1024x128xf32>
    %select_n3A_1675 = arith.select %lt3A_1674, %select_n3A_1671, %select_n3A_1646 : vector<1024x128xi1>, vector<1024x128xf32>
    %select_n3A_1676 = arith.select %lt3A_1674, %select_n3A_1646, %select_n3A_1671 : vector<1024x128xi1>, vector<1024x128xf32>
    %select_n3A_1677 = arith.select %lt3A_1674, %select_n3A_1673, %select_n3A_1648 : vector<1024x128xi1>, vector<1024x128xi32>
    %select_n3A_1678 = arith.select %lt3A_1674, %select_n3A_1648, %select_n3A_1673 : vector<1024x128xi1>, vector<1024x128xi32>
    %lt3A_1679 = arith.cmpf olt, %select_n3A_1676, %select_n3A_1651 : vector<1024x128xf32>
    %select_n3A_1680 = arith.select %lt3A_1679, %select_n3A_1676, %select_n3A_1651 : vector<1024x128xi1>, vector<1024x128xf32>
    %select_n3A_1681 = arith.select %lt3A_1679, %select_n3A_1678, %select_n3A_1652 : vector<1024x128xi1>, vector<1024x128xi32>
    %get3A_1682 = arith.constant 0 : index
    %get3A_1683 = arith.constant 7296 : index
    %get3A_1684 = vector.load %arg10[%get3A_1682, %get3A_1683] : memref<1024x8192xf32, #tpu.memory_space<vmem>>, vector<1024x128xf32>
    %get3A_1685 = arith.constant 0 : index
    %get3A_1686 = arith.constant 7296 : index
    %get3A_1687 = vector.load %arg9[%get3A_1685, %get3A_1686] : memref<1x8192xf32, #tpu.memory_space<vmem>>, vector<1x128xf32>
    %add3A_1688 = vector.broadcast %get3A_1687 : vector<1x128xf32> to vector<1024x128xf32>
    %add3A_1689 = arith.addf %get3A_1684, %add3A_1688 : vector<1024x128xf32>
    %add3A_1690 = arith.constant 7296 : i32
    %add3A_1691 = vector.broadcast %add3A_1690 : i32 to vector<1024x128xi32>
    %add3A_1692 = arith.addi %iota3A, %add3A_1691 : vector<1024x128xi32>
    %lt3A_1693 = arith.cmpf olt, %add3A_1689, %select_n3A_1665 : vector<1024x128xf32>
    %select_n3A_1694 = arith.select %lt3A_1693, %add3A_1689, %select_n3A_1665 : vector<1024x128xi1>, vector<1024x128xf32>
    %select_n3A_1695 = arith.select %lt3A_1693, %select_n3A_1665, %add3A_1689 : vector<1024x128xi1>, vector<1024x128xf32>
    %select_n3A_1696 = arith.select %lt3A_1693, %add3A_1692, %select_n3A_1667 : vector<1024x128xi1>, vector<1024x128xi32>
    %select_n3A_1697 = arith.select %lt3A_1693, %select_n3A_1667, %add3A_1692 : vector<1024x128xi1>, vector<1024x128xi32>
    %lt3A_1698 = arith.cmpf olt, %select_n3A_1695, %select_n3A_1670 : vector<1024x128xf32>
    %select_n3A_1699 = arith.select %lt3A_1698, %select_n3A_1695, %select_n3A_1670 : vector<1024x128xi1>, vector<1024x128xf32>
    %select_n3A_1700 = arith.select %lt3A_1698, %select_n3A_1670, %select_n3A_1695 : vector<1024x128xi1>, vector<1024x128xf32>
    %select_n3A_1701 = arith.select %lt3A_1698, %select_n3A_1697, %select_n3A_1672 : vector<1024x128xi1>, vector<1024x128xi32>
    %select_n3A_1702 = arith.select %lt3A_1698, %select_n3A_1672, %select_n3A_1697 : vector<1024x128xi1>, vector<1024x128xi32>
    %lt3A_1703 = arith.cmpf olt, %select_n3A_1700, %select_n3A_1675 : vector<1024x128xf32>
    %select_n3A_1704 = arith.select %lt3A_1703, %select_n3A_1700, %select_n3A_1675 : vector<1024x128xi1>, vector<1024x128xf32>
    %select_n3A_1705 = arith.select %lt3A_1703, %select_n3A_1675, %select_n3A_1700 : vector<1024x128xi1>, vector<1024x128xf32>
    %select_n3A_1706 = arith.select %lt3A_1703, %select_n3A_1702, %select_n3A_1677 : vector<1024x128xi1>, vector<1024x128xi32>
    %select_n3A_1707 = arith.select %lt3A_1703, %select_n3A_1677, %select_n3A_1702 : vector<1024x128xi1>, vector<1024x128xi32>
    %lt3A_1708 = arith.cmpf olt, %select_n3A_1705, %select_n3A_1680 : vector<1024x128xf32>
    %select_n3A_1709 = arith.select %lt3A_1708, %select_n3A_1705, %select_n3A_1680 : vector<1024x128xi1>, vector<1024x128xf32>
    %select_n3A_1710 = arith.select %lt3A_1708, %select_n3A_1707, %select_n3A_1681 : vector<1024x128xi1>, vector<1024x128xi32>
    %get3A_1711 = arith.constant 0 : index
    %get3A_1712 = arith.constant 7424 : index
    %get3A_1713 = vector.load %arg10[%get3A_1711, %get3A_1712] : memref<1024x8192xf32, #tpu.memory_space<vmem>>, vector<1024x128xf32>
    %get3A_1714 = arith.constant 0 : index
    %get3A_1715 = arith.constant 7424 : index
    %get3A_1716 = vector.load %arg9[%get3A_1714, %get3A_1715] : memref<1x8192xf32, #tpu.memory_space<vmem>>, vector<1x128xf32>
    %add3A_1717 = vector.broadcast %get3A_1716 : vector<1x128xf32> to vector<1024x128xf32>
    %add3A_1718 = arith.addf %get3A_1713, %add3A_1717 : vector<1024x128xf32>
    %add3A_1719 = arith.constant 7424 : i32
    %add3A_1720 = vector.broadcast %add3A_1719 : i32 to vector<1024x128xi32>
    %add3A_1721 = arith.addi %iota3A, %add3A_1720 : vector<1024x128xi32>
    %lt3A_1722 = arith.cmpf olt, %add3A_1718, %select_n3A_1694 : vector<1024x128xf32>
    %select_n3A_1723 = arith.select %lt3A_1722, %add3A_1718, %select_n3A_1694 : vector<1024x128xi1>, vector<1024x128xf32>
    %select_n3A_1724 = arith.select %lt3A_1722, %select_n3A_1694, %add3A_1718 : vector<1024x128xi1>, vector<1024x128xf32>
    %select_n3A_1725 = arith.select %lt3A_1722, %add3A_1721, %select_n3A_1696 : vector<1024x128xi1>, vector<1024x128xi32>
    %select_n3A_1726 = arith.select %lt3A_1722, %select_n3A_1696, %add3A_1721 : vector<1024x128xi1>, vector<1024x128xi32>
    %lt3A_1727 = arith.cmpf olt, %select_n3A_1724, %select_n3A_1699 : vector<1024x128xf32>
    %select_n3A_1728 = arith.select %lt3A_1727, %select_n3A_1724, %select_n3A_1699 : vector<1024x128xi1>, vector<1024x128xf32>
    %select_n3A_1729 = arith.select %lt3A_1727, %select_n3A_1699, %select_n3A_1724 : vector<1024x128xi1>, vector<1024x128xf32>
    %select_n3A_1730 = arith.select %lt3A_1727, %select_n3A_1726, %select_n3A_1701 : vector<1024x128xi1>, vector<1024x128xi32>
    %select_n3A_1731 = arith.select %lt3A_1727, %select_n3A_1701, %select_n3A_1726 : vector<1024x128xi1>, vector<1024x128xi32>
    %lt3A_1732 = arith.cmpf olt, %select_n3A_1729, %select_n3A_1704 : vector<1024x128xf32>
    %select_n3A_1733 = arith.select %lt3A_1732, %select_n3A_1729, %select_n3A_1704 : vector<1024x128xi1>, vector<1024x128xf32>
    %select_n3A_1734 = arith.select %lt3A_1732, %select_n3A_1704, %select_n3A_1729 : vector<1024x128xi1>, vector<1024x128xf32>
    %select_n3A_1735 = arith.select %lt3A_1732, %select_n3A_1731, %select_n3A_1706 : vector<1024x128xi1>, vector<1024x128xi32>
    %select_n3A_1736 = arith.select %lt3A_1732, %select_n3A_1706, %select_n3A_1731 : vector<1024x128xi1>, vector<1024x128xi32>
    %lt3A_1737 = arith.cmpf olt, %select_n3A_1734, %select_n3A_1709 : vector<1024x128xf32>
    %select_n3A_1738 = arith.select %lt3A_1737, %select_n3A_1734, %select_n3A_1709 : vector<1024x128xi1>, vector<1024x128xf32>
    %select_n3A_1739 = arith.select %lt3A_1737, %select_n3A_1736, %select_n3A_1710 : vector<1024x128xi1>, vector<1024x128xi32>
    %get3A_1740 = arith.constant 0 : index
    %get3A_1741 = arith.constant 7552 : index
    %get3A_1742 = vector.load %arg10[%get3A_1740, %get3A_1741] : memref<1024x8192xf32, #tpu.memory_space<vmem>>, vector<1024x128xf32>
    %get3A_1743 = arith.constant 0 : index
    %get3A_1744 = arith.constant 7552 : index
    %get3A_1745 = vector.load %arg9[%get3A_1743, %get3A_1744] : memref<1x8192xf32, #tpu.memory_space<vmem>>, vector<1x128xf32>
    %add3A_1746 = vector.broadcast %get3A_1745 : vector<1x128xf32> to vector<1024x128xf32>
    %add3A_1747 = arith.addf %get3A_1742, %add3A_1746 : vector<1024x128xf32>
    %add3A_1748 = arith.constant 7552 : i32
    %add3A_1749 = vector.broadcast %add3A_1748 : i32 to vector<1024x128xi32>
    %add3A_1750 = arith.addi %iota3A, %add3A_1749 : vector<1024x128xi32>
    %lt3A_1751 = arith.cmpf olt, %add3A_1747, %select_n3A_1723 : vector<1024x128xf32>
    %select_n3A_1752 = arith.select %lt3A_1751, %add3A_1747, %select_n3A_1723 : vector<1024x128xi1>, vector<1024x128xf32>
    %select_n3A_1753 = arith.select %lt3A_1751, %select_n3A_1723, %add3A_1747 : vector<1024x128xi1>, vector<1024x128xf32>
    %select_n3A_1754 = arith.select %lt3A_1751, %add3A_1750, %select_n3A_1725 : vector<1024x128xi1>, vector<1024x128xi32>
    %select_n3A_1755 = arith.select %lt3A_1751, %select_n3A_1725, %add3A_1750 : vector<1024x128xi1>, vector<1024x128xi32>
    %lt3A_1756 = arith.cmpf olt, %select_n3A_1753, %select_n3A_1728 : vector<1024x128xf32>
    %select_n3A_1757 = arith.select %lt3A_1756, %select_n3A_1753, %select_n3A_1728 : vector<1024x128xi1>, vector<1024x128xf32>
    %select_n3A_1758 = arith.select %lt3A_1756, %select_n3A_1728, %select_n3A_1753 : vector<1024x128xi1>, vector<1024x128xf32>
    %select_n3A_1759 = arith.select %lt3A_1756, %select_n3A_1755, %select_n3A_1730 : vector<1024x128xi1>, vector<1024x128xi32>
    %select_n3A_1760 = arith.select %lt3A_1756, %select_n3A_1730, %select_n3A_1755 : vector<1024x128xi1>, vector<1024x128xi32>
    %lt3A_1761 = arith.cmpf olt, %select_n3A_1758, %select_n3A_1733 : vector<1024x128xf32>
    %select_n3A_1762 = arith.select %lt3A_1761, %select_n3A_1758, %select_n3A_1733 : vector<1024x128xi1>, vector<1024x128xf32>
    %select_n3A_1763 = arith.select %lt3A_1761, %select_n3A_1733, %select_n3A_1758 : vector<1024x128xi1>, vector<1024x128xf32>
    %select_n3A_1764 = arith.select %lt3A_1761, %select_n3A_1760, %select_n3A_1735 : vector<1024x128xi1>, vector<1024x128xi32>
    %select_n3A_1765 = arith.select %lt3A_1761, %select_n3A_1735, %select_n3A_1760 : vector<1024x128xi1>, vector<1024x128xi32>
    %lt3A_1766 = arith.cmpf olt, %select_n3A_1763, %select_n3A_1738 : vector<1024x128xf32>
    %select_n3A_1767 = arith.select %lt3A_1766, %select_n3A_1763, %select_n3A_1738 : vector<1024x128xi1>, vector<1024x128xf32>
    %select_n3A_1768 = arith.select %lt3A_1766, %select_n3A_1765, %select_n3A_1739 : vector<1024x128xi1>, vector<1024x128xi32>
    %get3A_1769 = arith.constant 0 : index
    %get3A_1770 = arith.constant 7680 : index
    %get3A_1771 = vector.load %arg10[%get3A_1769, %get3A_1770] : memref<1024x8192xf32, #tpu.memory_space<vmem>>, vector<1024x128xf32>
    %get3A_1772 = arith.constant 0 : index
    %get3A_1773 = arith.constant 7680 : index
    %get3A_1774 = vector.load %arg9[%get3A_1772, %get3A_1773] : memref<1x8192xf32, #tpu.memory_space<vmem>>, vector<1x128xf32>
    %add3A_1775 = vector.broadcast %get3A_1774 : vector<1x128xf32> to vector<1024x128xf32>
    %add3A_1776 = arith.addf %get3A_1771, %add3A_1775 : vector<1024x128xf32>
    %add3A_1777 = arith.constant 7680 : i32
    %add3A_1778 = vector.broadcast %add3A_1777 : i32 to vector<1024x128xi32>
    %add3A_1779 = arith.addi %iota3A, %add3A_1778 : vector<1024x128xi32>
    %lt3A_1780 = arith.cmpf olt, %add3A_1776, %select_n3A_1752 : vector<1024x128xf32>
    %select_n3A_1781 = arith.select %lt3A_1780, %add3A_1776, %select_n3A_1752 : vector<1024x128xi1>, vector<1024x128xf32>
    %select_n3A_1782 = arith.select %lt3A_1780, %select_n3A_1752, %add3A_1776 : vector<1024x128xi1>, vector<1024x128xf32>
    %select_n3A_1783 = arith.select %lt3A_1780, %add3A_1779, %select_n3A_1754 : vector<1024x128xi1>, vector<1024x128xi32>
    %select_n3A_1784 = arith.select %lt3A_1780, %select_n3A_1754, %add3A_1779 : vector<1024x128xi1>, vector<1024x128xi32>
    %lt3A_1785 = arith.cmpf olt, %select_n3A_1782, %select_n3A_1757 : vector<1024x128xf32>
    %select_n3A_1786 = arith.select %lt3A_1785, %select_n3A_1782, %select_n3A_1757 : vector<1024x128xi1>, vector<1024x128xf32>
    %select_n3A_1787 = arith.select %lt3A_1785, %select_n3A_1757, %select_n3A_1782 : vector<1024x128xi1>, vector<1024x128xf32>
    %select_n3A_1788 = arith.select %lt3A_1785, %select_n3A_1784, %select_n3A_1759 : vector<1024x128xi1>, vector<1024x128xi32>
    %select_n3A_1789 = arith.select %lt3A_1785, %select_n3A_1759, %select_n3A_1784 : vector<1024x128xi1>, vector<1024x128xi32>
    %lt3A_1790 = arith.cmpf olt, %select_n3A_1787, %select_n3A_1762 : vector<1024x128xf32>
    %select_n3A_1791 = arith.select %lt3A_1790, %select_n3A_1787, %select_n3A_1762 : vector<1024x128xi1>, vector<1024x128xf32>
    %select_n3A_1792 = arith.select %lt3A_1790, %select_n3A_1762, %select_n3A_1787 : vector<1024x128xi1>, vector<1024x128xf32>
    %select_n3A_1793 = arith.select %lt3A_1790, %select_n3A_1789, %select_n3A_1764 : vector<1024x128xi1>, vector<1024x128xi32>
    %select_n3A_1794 = arith.select %lt3A_1790, %select_n3A_1764, %select_n3A_1789 : vector<1024x128xi1>, vector<1024x128xi32>
    %lt3A_1795 = arith.cmpf olt, %select_n3A_1792, %select_n3A_1767 : vector<1024x128xf32>
    %select_n3A_1796 = arith.select %lt3A_1795, %select_n3A_1792, %select_n3A_1767 : vector<1024x128xi1>, vector<1024x128xf32>
    %select_n3A_1797 = arith.select %lt3A_1795, %select_n3A_1794, %select_n3A_1768 : vector<1024x128xi1>, vector<1024x128xi32>
    %get3A_1798 = arith.constant 0 : index
    %get3A_1799 = arith.constant 7808 : index
    %get3A_1800 = vector.load %arg10[%get3A_1798, %get3A_1799] : memref<1024x8192xf32, #tpu.memory_space<vmem>>, vector<1024x128xf32>
    %get3A_1801 = arith.constant 0 : index
    %get3A_1802 = arith.constant 7808 : index
    %get3A_1803 = vector.load %arg9[%get3A_1801, %get3A_1802] : memref<1x8192xf32, #tpu.memory_space<vmem>>, vector<1x128xf32>
    %add3A_1804 = vector.broadcast %get3A_1803 : vector<1x128xf32> to vector<1024x128xf32>
    %add3A_1805 = arith.addf %get3A_1800, %add3A_1804 : vector<1024x128xf32>
    %add3A_1806 = arith.constant 7808 : i32
    %add3A_1807 = vector.broadcast %add3A_1806 : i32 to vector<1024x128xi32>
    %add3A_1808 = arith.addi %iota3A, %add3A_1807 : vector<1024x128xi32>
    %lt3A_1809 = arith.cmpf olt, %add3A_1805, %select_n3A_1781 : vector<1024x128xf32>
    %select_n3A_1810 = arith.select %lt3A_1809, %add3A_1805, %select_n3A_1781 : vector<1024x128xi1>, vector<1024x128xf32>
    %select_n3A_1811 = arith.select %lt3A_1809, %select_n3A_1781, %add3A_1805 : vector<1024x128xi1>, vector<1024x128xf32>
    %select_n3A_1812 = arith.select %lt3A_1809, %add3A_1808, %select_n3A_1783 : vector<1024x128xi1>, vector<1024x128xi32>
    %select_n3A_1813 = arith.select %lt3A_1809, %select_n3A_1783, %add3A_1808 : vector<1024x128xi1>, vector<1024x128xi32>
    %lt3A_1814 = arith.cmpf olt, %select_n3A_1811, %select_n3A_1786 : vector<1024x128xf32>
    %select_n3A_1815 = arith.select %lt3A_1814, %select_n3A_1811, %select_n3A_1786 : vector<1024x128xi1>, vector<1024x128xf32>
    %select_n3A_1816 = arith.select %lt3A_1814, %select_n3A_1786, %select_n3A_1811 : vector<1024x128xi1>, vector<1024x128xf32>
    %select_n3A_1817 = arith.select %lt3A_1814, %select_n3A_1813, %select_n3A_1788 : vector<1024x128xi1>, vector<1024x128xi32>
    %select_n3A_1818 = arith.select %lt3A_1814, %select_n3A_1788, %select_n3A_1813 : vector<1024x128xi1>, vector<1024x128xi32>
    %lt3A_1819 = arith.cmpf olt, %select_n3A_1816, %select_n3A_1791 : vector<1024x128xf32>
    %select_n3A_1820 = arith.select %lt3A_1819, %select_n3A_1816, %select_n3A_1791 : vector<1024x128xi1>, vector<1024x128xf32>
    %select_n3A_1821 = arith.select %lt3A_1819, %select_n3A_1791, %select_n3A_1816 : vector<1024x128xi1>, vector<1024x128xf32>
    %select_n3A_1822 = arith.select %lt3A_1819, %select_n3A_1818, %select_n3A_1793 : vector<1024x128xi1>, vector<1024x128xi32>
    %select_n3A_1823 = arith.select %lt3A_1819, %select_n3A_1793, %select_n3A_1818 : vector<1024x128xi1>, vector<1024x128xi32>
    %lt3A_1824 = arith.cmpf olt, %select_n3A_1821, %select_n3A_1796 : vector<1024x128xf32>
    %select_n3A_1825 = arith.select %lt3A_1824, %select_n3A_1821, %select_n3A_1796 : vector<1024x128xi1>, vector<1024x128xf32>
    %select_n3A_1826 = arith.select %lt3A_1824, %select_n3A_1823, %select_n3A_1797 : vector<1024x128xi1>, vector<1024x128xi32>
    %get3A_1827 = arith.constant 0 : index
    %get3A_1828 = arith.constant 7936 : index
    %get3A_1829 = vector.load %arg10[%get3A_1827, %get3A_1828] : memref<1024x8192xf32, #tpu.memory_space<vmem>>, vector<1024x128xf32>
    %get3A_1830 = arith.constant 0 : index
    %get3A_1831 = arith.constant 7936 : index
    %get3A_1832 = vector.load %arg9[%get3A_1830, %get3A_1831] : memref<1x8192xf32, #tpu.memory_space<vmem>>, vector<1x128xf32>
    %add3A_1833 = vector.broadcast %get3A_1832 : vector<1x128xf32> to vector<1024x128xf32>
    %add3A_1834 = arith.addf %get3A_1829, %add3A_1833 : vector<1024x128xf32>
    %add3A_1835 = arith.constant 7936 : i32
    %add3A_1836 = vector.broadcast %add3A_1835 : i32 to vector<1024x128xi32>
    %add3A_1837 = arith.addi %iota3A, %add3A_1836 : vector<1024x128xi32>
    %lt3A_1838 = arith.cmpf olt, %add3A_1834, %select_n3A_1810 : vector<1024x128xf32>
    %select_n3A_1839 = arith.select %lt3A_1838, %add3A_1834, %select_n3A_1810 : vector<1024x128xi1>, vector<1024x128xf32>
    %select_n3A_1840 = arith.select %lt3A_1838, %select_n3A_1810, %add3A_1834 : vector<1024x128xi1>, vector<1024x128xf32>
    %select_n3A_1841 = arith.select %lt3A_1838, %add3A_1837, %select_n3A_1812 : vector<1024x128xi1>, vector<1024x128xi32>
    %select_n3A_1842 = arith.select %lt3A_1838, %select_n3A_1812, %add3A_1837 : vector<1024x128xi1>, vector<1024x128xi32>
    %lt3A_1843 = arith.cmpf olt, %select_n3A_1840, %select_n3A_1815 : vector<1024x128xf32>
    %select_n3A_1844 = arith.select %lt3A_1843, %select_n3A_1840, %select_n3A_1815 : vector<1024x128xi1>, vector<1024x128xf32>
    %select_n3A_1845 = arith.select %lt3A_1843, %select_n3A_1815, %select_n3A_1840 : vector<1024x128xi1>, vector<1024x128xf32>
    %select_n3A_1846 = arith.select %lt3A_1843, %select_n3A_1842, %select_n3A_1817 : vector<1024x128xi1>, vector<1024x128xi32>
    %select_n3A_1847 = arith.select %lt3A_1843, %select_n3A_1817, %select_n3A_1842 : vector<1024x128xi1>, vector<1024x128xi32>
    %lt3A_1848 = arith.cmpf olt, %select_n3A_1845, %select_n3A_1820 : vector<1024x128xf32>
    %select_n3A_1849 = arith.select %lt3A_1848, %select_n3A_1845, %select_n3A_1820 : vector<1024x128xi1>, vector<1024x128xf32>
    %select_n3A_1850 = arith.select %lt3A_1848, %select_n3A_1820, %select_n3A_1845 : vector<1024x128xi1>, vector<1024x128xf32>
    %select_n3A_1851 = arith.select %lt3A_1848, %select_n3A_1847, %select_n3A_1822 : vector<1024x128xi1>, vector<1024x128xi32>
    %select_n3A_1852 = arith.select %lt3A_1848, %select_n3A_1822, %select_n3A_1847 : vector<1024x128xi1>, vector<1024x128xi32>
    %lt3A_1853 = arith.cmpf olt, %select_n3A_1850, %select_n3A_1825 : vector<1024x128xf32>
    %select_n3A_1854 = arith.select %lt3A_1853, %select_n3A_1850, %select_n3A_1825 : vector<1024x128xi1>, vector<1024x128xf32>
    %select_n3A_1855 = arith.select %lt3A_1853, %select_n3A_1852, %select_n3A_1826 : vector<1024x128xi1>, vector<1024x128xi32>
    %get3A_1856 = arith.constant 0 : index
    %get3A_1857 = arith.constant 8064 : index
    %get3A_1858 = vector.load %arg10[%get3A_1856, %get3A_1857] : memref<1024x8192xf32, #tpu.memory_space<vmem>>, vector<1024x128xf32>
    %get3A_1859 = arith.constant 0 : index
    %get3A_1860 = arith.constant 8064 : index
    %get3A_1861 = vector.load %arg9[%get3A_1859, %get3A_1860] : memref<1x8192xf32, #tpu.memory_space<vmem>>, vector<1x128xf32>
    %add3A_1862 = vector.broadcast %get3A_1861 : vector<1x128xf32> to vector<1024x128xf32>
    %add3A_1863 = arith.addf %get3A_1858, %add3A_1862 : vector<1024x128xf32>
    %add3A_1864 = arith.constant 8064 : i32
    %add3A_1865 = vector.broadcast %add3A_1864 : i32 to vector<1024x128xi32>
    %add3A_1866 = arith.addi %iota3A, %add3A_1865 : vector<1024x128xi32>
    %lt3A_1867 = arith.cmpf olt, %add3A_1863, %select_n3A_1839 : vector<1024x128xf32>
    %select_n3A_1868 = arith.select %lt3A_1867, %add3A_1863, %select_n3A_1839 : vector<1024x128xi1>, vector<1024x128xf32>
    %select_n3A_1869 = arith.select %lt3A_1867, %select_n3A_1839, %add3A_1863 : vector<1024x128xi1>, vector<1024x128xf32>
    %select_n3A_1870 = arith.select %lt3A_1867, %add3A_1866, %select_n3A_1841 : vector<1024x128xi1>, vector<1024x128xi32>
    %select_n3A_1871 = arith.select %lt3A_1867, %select_n3A_1841, %add3A_1866 : vector<1024x128xi1>, vector<1024x128xi32>
    %lt3A_1872 = arith.cmpf olt, %select_n3A_1869, %select_n3A_1844 : vector<1024x128xf32>
    %select_n3A_1873 = arith.select %lt3A_1872, %select_n3A_1869, %select_n3A_1844 : vector<1024x128xi1>, vector<1024x128xf32>
    %select_n3A_1874 = arith.select %lt3A_1872, %select_n3A_1844, %select_n3A_1869 : vector<1024x128xi1>, vector<1024x128xf32>
    %select_n3A_1875 = arith.select %lt3A_1872, %select_n3A_1871, %select_n3A_1846 : vector<1024x128xi1>, vector<1024x128xi32>
    %select_n3A_1876 = arith.select %lt3A_1872, %select_n3A_1846, %select_n3A_1871 : vector<1024x128xi1>, vector<1024x128xi32>
    %lt3A_1877 = arith.cmpf olt, %select_n3A_1874, %select_n3A_1849 : vector<1024x128xf32>
    %select_n3A_1878 = arith.select %lt3A_1877, %select_n3A_1874, %select_n3A_1849 : vector<1024x128xi1>, vector<1024x128xf32>
    %select_n3A_1879 = arith.select %lt3A_1877, %select_n3A_1849, %select_n3A_1874 : vector<1024x128xi1>, vector<1024x128xf32>
    %select_n3A_1880 = arith.select %lt3A_1877, %select_n3A_1876, %select_n3A_1851 : vector<1024x128xi1>, vector<1024x128xi32>
    %select_n3A_1881 = arith.select %lt3A_1877, %select_n3A_1851, %select_n3A_1876 : vector<1024x128xi1>, vector<1024x128xi32>
    %lt3A_1882 = arith.cmpf olt, %select_n3A_1879, %select_n3A_1854 : vector<1024x128xf32>
    %select_n3A_1883 = arith.select %lt3A_1882, %select_n3A_1879, %select_n3A_1854 : vector<1024x128xi1>, vector<1024x128xf32>
    %select_n3A_1884 = arith.select %lt3A_1882, %select_n3A_1881, %select_n3A_1855 : vector<1024x128xi1>, vector<1024x128xi32>
    %concatenate3A = tpu.concatenate %select_n3A_1868, %select_n3A_1873, %select_n3A_1878, %select_n3A_1883 in 1 : vector<1024x128xf32>, vector<1024x128xf32>, vector<1024x128xf32>, vector<1024x128xf32> -> vector<1024x512xf32>
    %concatenate3A_1885 = tpu.concatenate %select_n3A_1870, %select_n3A_1875, %select_n3A_1880, %select_n3A_1884 in 1 : vector<1024x128xi32>, vector<1024x128xi32>, vector<1024x128xi32>, vector<1024x128xi32> -> vector<1024x512xi32>
    %reduce_min3A = arith.constant dense<0x7F800000> : vector<1024xf32>
    %reduce_min3A_1886 = vector.multi_reduction <minimumf>, %concatenate3A, %reduce_min3A [1] : vector<1024x512xf32> to vector<1024xf32>
    %broadcast_in_dim3A_1887 = vector.shape_cast %reduce_min3A_1886 : vector<1024xf32> to vector<1024x1xf32>
    %eq3A_1888 = vector.broadcast %broadcast_in_dim3A_1887 : vector<1024x1xf32> to vector<1024x512xf32>
    %eq3A_1889 = arith.cmpf oeq, %concatenate3A, %eq3A_1888 : vector<1024x512xf32>
    %jit3A = arith.constant 8192 : i32
    %broadcast_in_dim3A_1890 = vector.broadcast %jit3A : i32 to vector<1024x512xi32>
    %select_n3A_1891 = arith.select %eq3A_1889, %concatenate3A_1885, %broadcast_in_dim3A_1890 : vector<1024x512xi1>, vector<1024x512xi32>
    %reduce_min3A_1892 = arith.constant dense<2147483647> : vector<1024xi32>
    %reduce_min3A_1893 = vector.multi_reduction <minsi>, %select_n3A_1891, %reduce_min3A_1892 [1] : vector<1024x512xi32> to vector<1024xi32>
    %broadcast_in_dim3A_1894 = vector.shape_cast %reduce_min3A_1893 : vector<1024xi32> to vector<1024x1xi32>
    %eq3A_1895 = vector.broadcast %broadcast_in_dim3A_1894 : vector<1024x1xi32> to vector<1024x512xi32>
    %eq3A_1896 = arith.cmpi eq, %concatenate3A_1885, %eq3A_1895 : vector<1024x512xi32>
    %jit3A_1897 = arith.constant 0x7F800000 : f32
    %broadcast_in_dim3A_1898 = vector.broadcast %jit3A_1897 : f32 to vector<1024x512xf32>
    %select_n3A_1899 = arith.select %eq3A_1896, %broadcast_in_dim3A_1898, %concatenate3A : vector<1024x512xi1>, vector<1024x512xf32>
    %reduce_min3A_1900 = arith.constant dense<0x7F800000> : vector<1024xf32>
    %reduce_min3A_1901 = vector.multi_reduction <minimumf>, %select_n3A_1899, %reduce_min3A_1900 [1] : vector<1024x512xf32> to vector<1024xf32>
    %broadcast_in_dim3A_1902 = vector.shape_cast %reduce_min3A_1901 : vector<1024xf32> to vector<1024x1xf32>
    %eq3A_1903 = vector.broadcast %broadcast_in_dim3A_1902 : vector<1024x1xf32> to vector<1024x512xf32>
    %eq3A_1904 = arith.cmpf oeq, %select_n3A_1899, %eq3A_1903 : vector<1024x512xf32>
    %jit3A_1905 = arith.constant 8192 : i32
    %broadcast_in_dim3A_1906 = vector.broadcast %jit3A_1905 : i32 to vector<1024x512xi32>
    %select_n3A_1907 = arith.select %eq3A_1904, %concatenate3A_1885, %broadcast_in_dim3A_1906 : vector<1024x512xi1>, vector<1024x512xi32>
    %reduce_min3A_1908 = arith.constant dense<2147483647> : vector<1024xi32>
    %reduce_min3A_1909 = vector.multi_reduction <minsi>, %select_n3A_1907, %reduce_min3A_1908 [1] : vector<1024x512xi32> to vector<1024xi32>
    %broadcast_in_dim3A_1910 = vector.shape_cast %reduce_min3A_1909 : vector<1024xi32> to vector<1024x1xi32>
    %eq3A_1911 = vector.broadcast %broadcast_in_dim3A_1910 : vector<1024x1xi32> to vector<1024x512xi32>
    %eq3A_1912 = arith.cmpi eq, %concatenate3A_1885, %eq3A_1911 : vector<1024x512xi32>
    %jit3A_1913 = arith.constant 0x7F800000 : f32
    %broadcast_in_dim3A_1914 = vector.broadcast %jit3A_1913 : f32 to vector<1024x512xf32>
    %select_n3A_1915 = arith.select %eq3A_1912, %broadcast_in_dim3A_1914, %select_n3A_1899 : vector<1024x512xi1>, vector<1024x512xf32>
    %reduce_min3A_1916 = arith.constant dense<0x7F800000> : vector<1024xf32>
    %reduce_min3A_1917 = vector.multi_reduction <minimumf>, %select_n3A_1915, %reduce_min3A_1916 [1] : vector<1024x512xf32> to vector<1024xf32>
    %broadcast_in_dim3A_1918 = vector.shape_cast %reduce_min3A_1917 : vector<1024xf32> to vector<1024x1xf32>
    %eq3A_1919 = vector.broadcast %broadcast_in_dim3A_1918 : vector<1024x1xf32> to vector<1024x512xf32>
    %eq3A_1920 = arith.cmpf oeq, %select_n3A_1915, %eq3A_1919 : vector<1024x512xf32>
    %jit3A_1921 = arith.constant 8192 : i32
    %broadcast_in_dim3A_1922 = vector.broadcast %jit3A_1921 : i32 to vector<1024x512xi32>
    %select_n3A_1923 = arith.select %eq3A_1920, %concatenate3A_1885, %broadcast_in_dim3A_1922 : vector<1024x512xi1>, vector<1024x512xi32>
    %reduce_min3A_1924 = arith.constant dense<2147483647> : vector<1024xi32>
    %reduce_min3A_1925 = vector.multi_reduction <minsi>, %select_n3A_1923, %reduce_min3A_1924 [1] : vector<1024x512xi32> to vector<1024xi32>
    %broadcast_in_dim3A_1926 = vector.shape_cast %reduce_min3A_1925 : vector<1024xi32> to vector<1024x1xi32>
    %eq3A_1927 = vector.broadcast %broadcast_in_dim3A_1926 : vector<1024x1xi32> to vector<1024x512xi32>
    %eq3A_1928 = arith.cmpi eq, %concatenate3A_1885, %eq3A_1927 : vector<1024x512xi32>
    %jit3A_1929 = arith.constant 0x7F800000 : f32
    %broadcast_in_dim3A_1930 = vector.broadcast %jit3A_1929 : f32 to vector<1024x512xf32>
    %select_n3A_1931 = arith.select %eq3A_1928, %broadcast_in_dim3A_1930, %select_n3A_1915 : vector<1024x512xi1>, vector<1024x512xf32>
    %reduce_min3A_1932 = arith.constant dense<0x7F800000> : vector<1024xf32>
    %reduce_min3A_1933 = vector.multi_reduction <minimumf>, %select_n3A_1931, %reduce_min3A_1932 [1] : vector<1024x512xf32> to vector<1024xf32>
    %broadcast_in_dim3A_1934 = vector.shape_cast %reduce_min3A_1933 : vector<1024xf32> to vector<1024x1xf32>
    %eq3A_1935 = vector.broadcast %broadcast_in_dim3A_1934 : vector<1024x1xf32> to vector<1024x512xf32>
    %eq3A_1936 = arith.cmpf oeq, %select_n3A_1931, %eq3A_1935 : vector<1024x512xf32>
    %jit3A_1937 = arith.constant 8192 : i32
    %broadcast_in_dim3A_1938 = vector.broadcast %jit3A_1937 : i32 to vector<1024x512xi32>
    %select_n3A_1939 = arith.select %eq3A_1936, %concatenate3A_1885, %broadcast_in_dim3A_1938 : vector<1024x512xi1>, vector<1024x512xi32>
    %reduce_min3A_1940 = arith.constant dense<2147483647> : vector<1024xi32>
    %reduce_min3A_1941 = vector.multi_reduction <minsi>, %select_n3A_1939, %reduce_min3A_1940 [1] : vector<1024x512xi32> to vector<1024xi32>
    %broadcast_in_dim3A_1942 = vector.shape_cast %reduce_min3A_1941 : vector<1024xi32> to vector<1024x1xi32>
    %concatenate3A_1943 = tpu.concatenate %broadcast_in_dim3A_1894, %broadcast_in_dim3A_1910, %broadcast_in_dim3A_1926, %broadcast_in_dim3A_1942 in 1 : vector<1024x1xi32>, vector<1024x1xi32>, vector<1024x1xi32>, vector<1024x1xi32> -> vector<1024x4xi32>
    %swap3A_1944 = arith.constant 0 : index
    %swap3A_1945 = arith.constant 0 : index
    %swap3A_1946 = vector.load %arg7[%swap3A_1944, %swap3A_1945] : memref<1024x4xi32, #tpu.memory_space<vmem>>, vector<1024x4xi32>
    tpu.vector_store %arg7[%swap3A_1944, %swap3A_1945], %concatenate3A_1943 {strides = array<i32>} : memref<1024x4xi32, #tpu.memory_space<vmem>>, vector<1024x4xi32>,
    return
  }
  func.func @transform_0(%arg0: i32) -> (i32, i32) {
    %c0_i32 = arith.constant 0 : i32
    %c0_i32_0 = arith.constant 0 : i32
    %c0_i32_1 = arith.constant 0 : i32
    return %c0_i32, %c0_i32_0 : i32, i32
  }
  func.func @transform_1(%arg0: i32) -> (i32, i32) {
    %c0_i32 = arith.constant 0 : i32
    %c0_i32_0 = arith.constant 0 : i32
    %c0_i32_1 = arith.constant 0 : i32
    return %c0_i32, %c0_i32_0 : i32, i32
  }
  func.func @transform_2(%arg0: i32) -> (i32, i32) {
    %c0_i32 = arith.constant 0 : i32
    %c0_i32_0 = arith.constant 0 : i32
    %c0_i32_1 = arith.constant 0 : i32
    return %c0_i32, %c0_i32_0 : i32, i32
  }
  func.func @transform_3(%arg0: i32) -> (i32, i32) {
    %c0_i32 = arith.constant 0 : i32
    %c0_i32_0 = arith.constant 0 : i32
    %c0_i32_1 = arith.constant 0 : i32
    return %c0_i32, %c0_i32_0 : i32, i32
  }
  func.func @transform_4(%arg0: i32) -> (i32, i32) {
    %c0_i32 = arith.constant 0 : i32
    %c0_i32_0 = arith.constant 0 : i32
    %c0_i32_1 = arith.constant 0 : i32
    return %c0_i32, %c0_i32_0 : i32, i32
  }
  func.func @transform_5(%arg0: i32) -> (i32, i32) {
    %c0_i32 = arith.constant 0 : i32
    %c0_i32_0 = arith.constant 0 : i32
    return %arg0, %c0_i32 : i32, i32
  }
  func.func @transform_6(%arg0: i32) -> (i32, i32) {
    %c0_i32 = arith.constant 0 : i32
    %c0_i32_0 = arith.constant 0 : i32
    return %arg0, %c0_i32 : i32, i32
  }
}

module attributes {stable_mosaic.version = 14 : i64} {
  func.func @_decoder_body(%arg0: i32, %arg1: memref<4096x128xf32, #tpu.memory_space<vmem>>, %arg2: memref<256x256xf32, #tpu.memory_space<vmem>>, %arg3: memref<1x256xf32, #tpu.memory_space<vmem>>, %arg4: memref<256x128xf32, #tpu.memory_space<vmem>>, %arg5: memref<1x128xf32, #tpu.memory_space<vmem>>, %arg6: memref<1024x64xf32, #tpu.memory_space<vmem>>, %arg7: memref<1024x64xf32, #tpu.memory_space<vmem>>) attributes {dimension_semantics = [#tpu.dimension_semantics<arbitrary>], iteration_bounds = array<i64: 8>, scalar_prefetch = 0 : i64, scratch_operands = 0 : i64, tpu.core_type = #tpu.core_type<tc>, window_params = [{transform_indices = @transform_0, window_bounds = array<i64: 4096, 128>}, {pipeline_mode = #tpu.pipeline_mode<synchronous>, transform_indices = @transform_1, window_bounds = array<i64: 256, 256>}, {pipeline_mode = #tpu.pipeline_mode<synchronous>, transform_indices = @transform_2, window_bounds = array<i64: 1, 256>}, {pipeline_mode = #tpu.pipeline_mode<synchronous>, transform_indices = @transform_3, window_bounds = array<i64: 256, 128>}, {pipeline_mode = #tpu.pipeline_mode<synchronous>, transform_indices = @transform_4, window_bounds = array<i64: 1, 128>}, {transform_indices = @transform_5, window_bounds = array<i64: 1024, 64>}, {transform_indices = @transform_6, window_bounds = array<i64: 1024, 64>}]} {
    %get3A = arith.constant 0 : index
    %get3A_0 = arith.constant 0 : index
    %get3A_1 = vector.load %arg1[%get3A, %get3A_0] : memref<4096x128xf32, #tpu.memory_space<vmem>>, vector<4096x128xf32>
    %reshape3A = vector.shape_cast %get3A_1 : vector<4096x128xf32> to vector<1024x4x128xf32>
    %slice3A = vector.extract_strided_slice %reshape3A {offsets = [0, 0, 0], sizes = [1024, 1, 128], strides = [1, 1, 1]} : vector<1024x4x128xf32> to vector<1024x1x128xf32>
    %squeeze3A = vector.shape_cast %slice3A : vector<1024x1x128xf32> to vector<1024x128xf32>
    %slice3A_2 = vector.extract_strided_slice %reshape3A {offsets = [0, 1, 0], sizes = [1024, 1, 128], strides = [1, 1, 1]} : vector<1024x4x128xf32> to vector<1024x1x128xf32>
    %squeeze3A_3 = vector.shape_cast %slice3A_2 : vector<1024x1x128xf32> to vector<1024x128xf32>
    %slice3A_4 = vector.extract_strided_slice %reshape3A {offsets = [0, 2, 0], sizes = [1024, 1, 128], strides = [1, 1, 1]} : vector<1024x4x128xf32> to vector<1024x1x128xf32>
    %squeeze3A_5 = vector.shape_cast %slice3A_4 : vector<1024x1x128xf32> to vector<1024x128xf32>
    %slice3A_6 = vector.extract_strided_slice %reshape3A {offsets = [0, 3, 0], sizes = [1024, 1, 128], strides = [1, 1, 1]} : vector<1024x4x128xf32> to vector<1024x1x128xf32>
    %squeeze3A_7 = vector.shape_cast %slice3A_6 : vector<1024x1x128xf32> to vector<1024x128xf32>
    %add3A = arith.addf %squeeze3A, %squeeze3A_3 : vector<1024x128xf32>
    %add3A_8 = arith.addf %add3A, %squeeze3A_5 : vector<1024x128xf32>
    %add3A_9 = arith.addf %add3A_8, %squeeze3A_7 : vector<1024x128xf32>
    %mul3A = arith.constant 2.500000e-01 : f32
    %mul3A_10 = vector.broadcast %mul3A : f32 to vector<1024x128xf32>
    %mul3A_11 = arith.mulf %add3A_9, %mul3A_10 : vector<1024x128xf32>
    %max3A = arith.maximumf %squeeze3A, %squeeze3A_3 : vector<1024x128xf32>
    %max3A_12 = arith.maximumf %squeeze3A_5, %squeeze3A_7 : vector<1024x128xf32>
    %max3A_13 = arith.maximumf %max3A, %max3A_12 : vector<1024x128xf32>
    %concatenate3A = tpu.concatenate %mul3A_11, %max3A_13 in 1 : vector<1024x128xf32>, vector<1024x128xf32> -> vector<1024x256xf32>
    %get3A_14 = arith.constant 0 : index
    %get3A_15 = arith.constant 0 : index
    %get3A_16 = vector.load %arg2[%get3A_14, %get3A_15] : memref<256x256xf32, #tpu.memory_space<vmem>>, vector<256x256xf32>
    %dot_general3A = arith.constant dense<0.000000e+00> : vector<1024x256xf32>
    %dot_general3A_17 = tpu.matmul %concatenate3A, %get3A_16, %dot_general3A {dimension_numbers = #tpu.dot_dimension_numbers<[1], [0], [0], [1], [0, 0, 1, 1], [], []>, transpose_lhs_hint = false} : vector<1024x256xf32>, vector<256x256xf32>, vector<1024x256xf32> -> vector<1024x256xf32>
    %get3A_18 = arith.constant 0 : index
    %get3A_19 = arith.constant 0 : index
    %get3A_20 = vector.load %arg3[%get3A_18, %get3A_19] : memref<1x256xf32, #tpu.memory_space<vmem>>, vector<1x256xf32>
    %add3A_21 = vector.broadcast %get3A_20 : vector<1x256xf32> to vector<1024x256xf32>
    %add3A_22 = arith.addf %dot_general3A_17, %add3A_21 : vector<1024x256xf32>
    %max3A_23 = arith.constant 0.000000e+00 : f32
    %max3A_24 = vector.broadcast %max3A_23 : f32 to vector<1024x256xf32>
    %max3A_25 = arith.maximumf %add3A_22, %max3A_24 : vector<1024x256xf32>
    %get3A_26 = arith.constant 0 : index
    %get3A_27 = arith.constant 0 : index
    %get3A_28 = vector.load %arg4[%get3A_26, %get3A_27] : memref<256x128xf32, #tpu.memory_space<vmem>>, vector<256x128xf32>
    %dot_general3A_29 = arith.constant dense<0.000000e+00> : vector<1024x128xf32>
    %dot_general3A_30 = tpu.matmul %max3A_25, %get3A_28, %dot_general3A_29 {dimension_numbers = #tpu.dot_dimension_numbers<[1], [0], [0], [1], [0, 0, 1, 1], [], []>, transpose_lhs_hint = false} : vector<1024x256xf32>, vector<256x128xf32>, vector<1024x128xf32> -> vector<1024x128xf32>
    %get3A_31 = arith.constant 0 : index
    %get3A_32 = arith.constant 0 : index
    %get3A_33 = vector.load %arg5[%get3A_31, %get3A_32] : memref<1x128xf32, #tpu.memory_space<vmem>>, vector<1x128xf32>
    %add3A_34 = vector.broadcast %get3A_33 : vector<1x128xf32> to vector<1024x128xf32>
    %add3A_35 = arith.addf %dot_general3A_30, %add3A_34 : vector<1024x128xf32>
    %slice3A_36 = vector.extract_strided_slice %add3A_35 {offsets = [0, 0], sizes = [1024, 64], strides = [1, 1]} : vector<1024x128xf32> to vector<1024x64xf32>
    %swap3A = arith.constant 0 : index
    %swap3A_37 = arith.constant 0 : index
    %swap3A_38 = vector.load %arg6[%swap3A, %swap3A_37] : memref<1024x64xf32, #tpu.memory_space<vmem>>, vector<1024x64xf32>
    tpu.vector_store %arg6[%swap3A, %swap3A_37], %slice3A_36 {strides = array<i32>} : memref<1024x64xf32, #tpu.memory_space<vmem>>, vector<1024x64xf32>,
    %slice3A_39 = vector.extract_strided_slice %add3A_35 {offsets = [0, 64], sizes = [1024, 64], strides = [1, 1]} : vector<1024x128xf32> to vector<1024x64xf32>
    %swap3A_40 = arith.constant 0 : index
    %swap3A_41 = arith.constant 0 : index
    %swap3A_42 = vector.load %arg7[%swap3A_40, %swap3A_41] : memref<1024x64xf32, #tpu.memory_space<vmem>>, vector<1024x64xf32>
    tpu.vector_store %arg7[%swap3A_40, %swap3A_41], %slice3A_39 {strides = array<i32>} : memref<1024x64xf32, #tpu.memory_space<vmem>>, vector<1024x64xf32>,
    return
  }
  func.func @transform_0(%arg0: i32) -> (i32, i32) {
    %c0_i32 = arith.constant 0 : i32
    %c0_i32_0 = arith.constant 0 : i32
    return %arg0, %c0_i32 : i32, i32
  }
  func.func @transform_1(%arg0: i32) -> (i32, i32) {
    %c0_i32 = arith.constant 0 : i32
    %c0_i32_0 = arith.constant 0 : i32
    %c0_i32_1 = arith.constant 0 : i32
    return %c0_i32, %c0_i32_0 : i32, i32
  }
  func.func @transform_2(%arg0: i32) -> (i32, i32) {
    %c0_i32 = arith.constant 0 : i32
    %c0_i32_0 = arith.constant 0 : i32
    %c0_i32_1 = arith.constant 0 : i32
    return %c0_i32, %c0_i32_0 : i32, i32
  }
  func.func @transform_3(%arg0: i32) -> (i32, i32) {
    %c0_i32 = arith.constant 0 : i32
    %c0_i32_0 = arith.constant 0 : i32
    %c0_i32_1 = arith.constant 0 : i32
    return %c0_i32, %c0_i32_0 : i32, i32
  }
  func.func @transform_4(%arg0: i32) -> (i32, i32) {
    %c0_i32 = arith.constant 0 : i32
    %c0_i32_0 = arith.constant 0 : i32
    %c0_i32_1 = arith.constant 0 : i32
    return %c0_i32, %c0_i32_0 : i32, i32
  }
  func.func @transform_5(%arg0: i32) -> (i32, i32) {
    %c0_i32 = arith.constant 0 : i32
    %c0_i32_0 = arith.constant 0 : i32
    return %arg0, %c0_i32 : i32, i32
  }
  func.func @transform_6(%arg0: i32) -> (i32, i32) {
    %c0_i32 = arith.constant 0 : i32
    %c0_i32_0 = arith.constant 0 : i32
    return %arg0, %c0_i32 : i32, i32
  }
}

</mosaic_0001>

<sc_bundles>
// kernel: kernel.5.cloned.1.call-start
scs
__scs_entry_jumppad:
0x0: {  	(pc) =	sbr.rel $0x88, $3  }
0x1: {  	(tag) =	ssettag $0x0;
	lr =	simm.s32 $0x1  }
0x2: {  	[smem:$0x3F98] =	sst lr;
	_ =	strace $0xD0000000  }
0x3: {  	_ = 	snop  }
0x4: {  	_ = 	snop  }
0x5: {  	_ = 	snop  }
0x6: {  	_ = 	snop  }
0x7: {  	_ = 	snop  }
__scs_overlays_trampoline_lowered:
0x8: {  	[smem:$0x3FA7] =	sst s0  }
0x9: {  	[smem:$0x3FA8] =	sst s1  }
0xa: {  	[smem:$0x3FA9] =	sst s2  }
0xb: {  	[smem:$0x3FAA] =	sst s3  }
0xc: {  	[smem:$0x3FAB] =	sst s4  }
0xd: {  	[smem:$0x3FAC] =	sst s5  }
0xe: {  	[smem:$0x3FAD] =	sst s6  }
0xf: {  	[smem:$0x3FAE] =	sst s7  }
0x10: {  	[smem:$0x3FAF] =	sst s8  }
0x11: {  	[smem:$0x3FB0] =	sst s9;
	s0 =	simm.s32 @!p0 $0x0  }
0x12: {  	s1 =	sld [smem:$0x3F96];
	s0 =	simm.s32 @p0 $0x1  }
0x13: {  	[smem:$0x3FB1] =	sst s0;
	s0 =	simm.s32 @!p1 $0x0  }
0x14: {  	s2 =	sld [smem:$0x3F95];
	s0 =	simm.s32 @p1 $0x1  }
0x15: {  	[smem:$0x3FB2] =	sst s0;
	s0 =	simm.s32 @!p2 $0x0  }
0x16: {  	s3 =	sld [smem:$0x3FDB];
	s0 =	simm.s32 @p2 $0x1  }
0x17: {  	s4 =	simm.s32 $0x1BF5;
	[smem:$0x3FB4] =	sst s0  }
0x18: {  	s0 =	sld [smem:$0x3F97];
	_ =	swait.ge [sflag:s4], $0x0  }
0x19: {  	s7 =	sld [smem:$0x3F98]  }
0x1a: {  	s8 =	sadd.s32 $0xFFFFE003, lr  }
0x1b: {  	s9 =	sadd.s32 $0xFFFFFEF7, lr;
	s5 =	simm.s32 $0xFFFFFFFF;
	p2 =	slt.u32 s8, $0xFFFFF086  }
0x1c: {  	p1 =	slt.u32 s9, $0xF7A;
	s5 =	simm.s32 @!p2 $0x0  }
0x1d: {  	s5 =	simm.s32 @p1 $0x1;
	p0 =	seq.s32 s7, s2  }
0x1e: {  	s7 =	smul.u32 @!p0 $0xF7A, s2;
	p2 =	seq.s32 @!p0 s5, $0x0  }
0x1f: {  	s9 =	smul.u32 $0xF7A, s1;
	s8 =	simm.s32 @!p0 $0x1BF5;
	p2 =	por !p2, p0  }
0x20: {  	[sflag:s8] =	ssyncset.s32 @!p0 $0xFFFFF086;
	s6 =	sadd.s32 @!p0 s3, s7;
	s7 =	simm.s32 @!p0 $0x108  }
0x21: {  	s3 =	sadd.s32 s3, s9;
	s6 =	sadd.s32 @!p0 $0x88, s6;
	s7 =	simm.s32 @p2 $0x1082  }
0x22: {  	[simem:s7], [sflag:s8] =	dma.local @!p0 [hbm:s6], $0xF7A  }
0x23: {  	s9 =	sor.u32 $0xD0000000, s2;
	s6 =	simm.s32 $0x108;
	_ =	swait.ge @!p0 [sflag:s8], $0x0  }
0x24: {  	s3 =	sadd.s32 $0x88, s3;
	s6 =	simm.s32 @!p1 $0x1082;
	[sflag:s4] =	ssyncset.s32 $0xFFFFF086  }
0x25: {  	[simem:s6], [sflag:s4] =	dma.local [hbm:s3], $0xF7A  }
0x26: {  	[smem:$0x3F98] =	sst s1;
	(tag) =	ssettag s2;
	_ =	strace s9  }
0x27: {  	s1 =	sld [smem:$0x3FA8]  }
0x28: {  	s2 =	sld [smem:$0x3FA9]  }
0x29: {  	s4 =	sld [smem:$0x3FAB]  }
0x2a: {  	p0 =	seq.s32 s5, $0x0;
	s5 =	sld [smem:$0x3FAC]  }
0x2b: {  	s6 =	sld [smem:$0x3FAD]  }
0x2c: {  	s7 =	sld [smem:$0x3FAE]  }
0x2d: {  	s3 =	simm.s32 $0x108;
	s8 =	sld [smem:$0x3FAF]  }
0x2e: {  	s3 =	simm.s32 @!p0 $0x1082;
	s9 =	sld [smem:$0x3FB0]  }
0x2f: {  	lr =	sadd.s32 s0, s3;
	s0 =	sld [smem:$0x3FA7]  }
0x30: {  	s3 =	sld [smem:$0x3FAA]  }
0x31: {  	[smem:$0x3FB3] =	sst s10  }
0x32: {  	s10 =	sld [smem:$0x3FB1];
	_ =	sdelay $0x3  }
0x33: {  	p0 =	seq.s32 s10, $0x1;
	s10 =	sld [smem:$0x3FB3];
	_ =	sdelay $0x3  }
0x34: {  	[smem:$0x3FB3] =	sst s10  }
0x35: {  	s10 =	sld [smem:$0x3FB2];
	_ =	sdelay $0x3  }
0x36: {  	p1 =	seq.s32 s10, $0x1;
	s10 =	sld [smem:$0x3FB3];
	_ =	sdelay $0x3  }
0x37: {  	[smem:$0x3FB3] =	sst s10  }
0x38: {  	s10 =	sld [smem:$0x3FB4]  }
0x39: {  	_ = 	snop;
	(pc) =	sbr.ind lr, $3  }
0x3a: {  	_ = 	snop  }
0x3b: {  	_ = 	snop  }
0x3c: {  	p2 =	seq.s32 s10, $0x1;
	s10 =	sld [smem:$0x3FB3]  }
0x3d: {  	_ =	shalt  }
0x3e: {  	_ =	shalt  }
0x3f: {  	_ =	shalt  }
0x40: {  	_ =	shalt  }
0x41: {  	_ =	shalt  }
0x42: {  	_ =	shalt  }
0x43: {  	_ =	shalt  }
0x44: {  	_ =	shalt  }
0x45: {  	_ =	shalt  }
0x46: {  	_ =	shalt  }
0x47: {  	_ =	shalt  }
0x48: {  	_ =	shalt  }
0x49: {  	_ =	shalt  }
0x4a: {  	_ =	shalt  }
0x4b: {  	_ =	shalt  }
0x4c: {  	_ =	shalt  }
0x4d: {  	_ =	shalt  }
0x4e: {  	_ =	shalt  }
0x4f: {  	_ =	shalt  }
0x50: {  	_ =	shalt  }
0x51: {  	_ =	shalt  }
0x52: {  	_ =	shalt  }
0x53: {  	_ =	shalt  }
0x54: {  	_ =	shalt  }
0x55: {  	_ =	shalt  }
0x56: {  	_ =	shalt  }
0x57: {  	_ =	shalt  }
0x58: {  	_ =	shalt  }
0x59: {  	_ =	shalt  }
0x5a: {  	_ =	shalt  }
0x5b: {  	_ =	shalt  }
0x5c: {  	_ =	shalt  }
0x5d: {  	_ =	shalt  }
0x5e: {  	_ =	shalt  }
0x5f: {  	_ =	shalt  }
0x60: {  	_ =	shalt  }
0x61: {  	_ =	shalt  }
0x62: {  	_ =	shalt  }
0x63: {  	_ =	shalt  }
0x64: {  	_ =	shalt  }
0x65: {  	_ =	shalt  }
0x66: {  	_ =	shalt  }
0x67: {  	_ =	shalt  }
0x68: {  	_ =	shalt  }
0x69: {  	_ =	shalt  }
0x6a: {  	_ =	shalt  }
0x6b: {  	_ =	shalt  }
0x6c: {  	_ =	shalt  }
0x6d: {  	_ =	shalt  }
0x6e: {  	_ =	shalt  }
0x6f: {  	_ =	shalt  }
0x70: {  	_ =	shalt  }
0x71: {  	_ =	shalt  }
0x72: {  	_ =	shalt  }
0x73: {  	_ =	shalt  }
0x74: {  	_ =	shalt  }
0x75: {  	_ =	shalt  }
0x76: {  	_ =	shalt  }
0x77: {  	_ =	shalt  }
0x78: {  	_ =	shalt  }
0x79: {  	_ =	shalt  }
0x7a: {  	_ =	shalt  }
0x7b: {  	_ =	shalt  }
0x7c: {  	_ =	shalt  }
0x7d: {  	_ =	shalt  }
0x7e: {  	_ =	shalt  }
0x7f: {  	_ =	shalt  }
0x80: {  	_ =	shalt  }
0x81: {  	_ =	shalt  }
0x82: {  	_ =	shalt  }
0x83: {  	_ =	shalt  }
0x84: {  	_ =	shalt  }
0x85: {  	_ =	shalt  }
0x86: {  	_ =	shalt  }
0x87: {  	_ =	shalt  }
.Lfunc_end0:
.L_simem_size_0:
called_computation_lowered:
.L_overlay_start_0:
0x88: {  	s2 =	sld [smem:$0x3FD9]  }
0x89: {  	s3 =	sld [smem:$0x3FFE];
	_ =	sdelay $0x1  }
0x8a: {  	s1 =	srdreg.scid  }
0x8b: {  	s0 =	sand.u32 $0x1, s1  }
0x8c: {  	s14 =	sshll.u32 s0, $0xA;
	s2 =	sadd.s32 s3, s2  }
0x8d: {  	s2 =	sadd.s32 s2, s14  }
0x8e: {  	[smem:$0x3FBF] =	sst s2  }
0x8f: {  	_ = 	snop  }
0x90: {  	s2 =	sld [smem:$0x3FD0];
	_ =	sdelay $0x2  }
0x91: {  	s15 =	simm.s32 $0xA;
	s4 =	simm.s32 $0x10  }
0x92: {  	[smem:s4], [sflag:s15] =	dma.local [hbm:s2], $0x1  }
0x93: {  	_ =	swait.eq [sflag:s15], $0x1  }
0x94: {  	[sflag:s15] =	ssyncset.done $0x0  }
0x95: {  	[sflag:s15] =	ssyncadd.s32 $0xFFFFFFFF  }
0x96: {  	s16 =	sld [smem:$0x11];
	(tm) =	ssettm $0x1  }
0x97: {  	s17 =	sld [smem:$0x3FFB];
	_ =	sdelay $0x3  }
0x98: {  	_ =	strace s17  }
0x99: {  	s3 =	sld [smem:$0x3FFC];
	_ =	sdelay $0x3  }
0x9a: {  	_ =	strace s3  }
0x9b: {  	s3 =	sld [smem:$0x3FFD];
	_ =	sdelay $0x3  }
0x9c: {  	_ =	strace s3  }
0x9d: {  	_ =	strace $0x8FFFFFFF  }
0x9e: {  	s18 =	sld [smem:$0x3FDB];
	_ =	sdelay $0x1  }
0x9f: {  	s19 =	simm.s32 $_scs_section_size  }
0xa0: {  	s5 =	simm.s32 $_size__tile_overlayer_lowered;
	s6 =	simm.s32 $_tile_overlayer_lowered  }
0xa1: {  	s22 =	simm.s32 $0x1BFF;
	s21 =	sshll.u32 s6, $0x1;
	s3 =	sadd.s32 s19, s18  }
0xa2: {  	s7 =	simm.s32 $0x0;
	s20 =	sshll.u32 s5, $0x1;
	s5 =	sadd.s32 s21, s3  }
0xa3: {  	[timem:s7], [sflag:s22] =	dma.local [hbm:s5], s20  }
0xa4: {  	_ =	swait.ge [sflag:s22], s20  }
0xa5: {  	s4 =	ssub.s32 $0x0, s20;
	[sflag:s22] =	ssyncset.done $0x0  }
0xa6: {  	[sflag:s22] =	ssyncadd.s32 s4;
	_ =	sdelay $0x1  }
0xa7: {  	s23 =	simm.s32 $0x1B8B  }
0xa8: {  	_ =	swait.ge [sflag:s23], $0x1  }
0xa9: {  	[sflag:s23] =	ssyncset.done $0x0  }
0xaa: {  	s25 =	simm.s32 $0x1B8E;
	s24 =	sld [smem:$0x3FFE];
	[sflag:s23] =	ssyncadd.s32 $0xFFFFFFFF  }
0xab: {  	s26 =	simm.s32 $execute0_lowered;
	[smem:$0x3FD2] =	sst s25  }
0xac: {  	s5 =	sshll.u32 s26, $0x1;
	_ =	strace $0x80000046;
	[dreg:$0x1] =	wrdreg $0xFFFFFFFF  }
0xad: {  	s28 =	simm.s32 $_size_execute0_lowered;
	s3 =	sadd.s32 s3, s5;
	[dreg:$0x0] =	wrdreg $0x0  }
0xae: {  	s5 =	sshll.u32 s28, $0x1;
	[dreg:$0x2] =	wrdreg s3  }
0xaf: {  	[dreg:$0x3] =	wrdreg s5  }
0xb0: {  	[dreg:$0x4] =	wrdreg $0xC0  }
0xb1: {  	_ =	task [dreg:s7], $0x5FFFF  }
0xb2: {  	[dreg:$0x1] =	wrdreg $0xFFFFFFFF  }
0xb3: {  	[dreg:$0x0] =	wrdreg $0x60  }
0xb4: {  	[dreg:$0x2] =	wrdreg s24  }
0xb5: {  	[dreg:$0x3] =	wrdreg s16  }
0xb6: {  	[dreg:$0x4] =	wrdreg $0x9  }
0xb7: {  	_ =	task.clear_ibuf [dreg:s7], $0x5FFFF;
	_ =	strace $0x90000046  }
0xb8: {  	s29 =	simm.s32 $0x9;
	_ =	strace $0x80000048  }
0xb9: {  	_ =	swait.ge [sflag:s29], $0x1  }
0xba: {  	[sflag:s29] =	ssyncadd.s32 $0xFFFFFFFF  }
0xbb: {  	_ =	strace $0x90000048  }
0xbc: {  	_ =	sfence  }
0xbd: {  	s30 =	sld [smem:$0x0];
	_ =	sdelay $0x2  }
0xbe: {  	s31 =	sshll.u32 s1, $0xD;
	s1 =	sshrl.u32 s1, $0x2  }
0xbf: {  	s3 =	sand.u32 $0x4000, s31;
	s1 =	sadd.s32 s1, s30  }
0xc0: {  	s0 =	sor.u32 s3, s0;
	s1 =	sshll.u32 s1, $0x11  }
0xc1: {  	s0 =	sor.u32 s1, s0  }
0xc2: {  	s0 =	sadd.s32 $0x8F2B, s0  }
0xc3: {  	[sflag:s0] =	ssyncadd.remote.s32 $0x1  }
0xc4: {  	_ =	sfence.sel $0xFFFF  }
0xc5: {  	[dreg:$0x0] =	wrdreg $0xFFFFFFFF;
	(pc) =	sbr.abs _section_cstart, $3  }
0xc6: {  	[dreg:$0x1] =	wrdreg $0xFFFFFFFF  }
0xc7: {  	_ =	task.clear_ibuf [dreg:s7], $0x2FFFF;
	_ =	strace $0x9FFFFFFF  }
0xc8: {  	(tm) =	ssettm $0x7FFFFFFF  }
0xc9: {  	_ =	shalt  }
tec
execute0_lowered:
.L_overlay_start_1:
0x0: {  	(tag) =	ssettag $0x1  }
0x1: {  	s1 =	srdreg.scid  }
0x2: {  	s11 =	rddreg [dreg:$0x0];
	s0 =	stileid.u32;
	s19 =	sand.u32 $0x1, s1  }
0x3: {  	s16 =	rddreg [dreg:$0x1];
	s3 =	sshll.u32 s0, $0xB;
	s4 =	sshll.u32 s19, $0xA  }
0x4: {  	s2 =	simm.s32 $0x0;
	s1 =	rddreg [dreg:$0x2];
	s15 =	sor.u32 s4, s3  }
0x5: {  	[smem:$0x7FF] =	sst s2;
	s3 =	sshrl.u32 s15, $0x3  }
0x6: {  	_ =	strace $0x80000047;
	s4 =	simm.s32 $0x5;
	s3 =	sadd.s32 s16, s3  }
0x7: {  	[tilespmem:s2], [sflag:$0x5] =	stream.linear.gather [hbm4b:s3+s2], $0x100, $0x38;
	[tilespmem:$0x10200] =	vst v63  }
0x8: {  	s6 =	simm.s32 $0x100;
	_ =	swait.ge [sflag:s4], $0x100  }
0x9: {  	s7 =	simm.s32 $0x200;
	s17 =	sor.u32 $0x100, s15;
	[sflag:s4] =	ssyncset.done $0x0  }
0xa: {  	s5 =	sadd.s32 $0x1A00, s11;
	s8 =	sshrl.u32 s17, $0x3;
	[sflag:s4] =	ssyncadd.s32 $0xFFFFFF00  }
0xb: {  	[tilespmem:s7], [sflag:$0x1] =	stream.indirect.gather [hbm4b:s5+s6], $0x80, s2, s6, $0xb8;
	[tilespmem:$0x10200] =	vst v63  }
0xc: {  	s8 =	sadd.s32 s16, s8  }
0xd: {  	[tilespmem:s6], [sflag:$0x5] =	stream.linear.gather [hbm4b:s8+s2], $0x100, $0x38;
	[tilespmem:$0x10200] =	vst v63  }
0xe: {  	_ =	swait.ge [sflag:s4], $0x100  }
0xf: {  	[sflag:s4] =	ssyncset.done $0x0  }
0x10: {  	s9 =	simm.s32 $0x8200;
	s10 =	simm.s32 $0x1;
	[sflag:s4] =	ssyncadd.s32 $0xFFFFFF00  }
0x11: {  	[tilespmem:s9], [sflag:$0x2] =	stream.indirect.gather [hbm4b:s5+s6], $0x80, s6, s6, $0xb8;
	[tilespmem:$0x10200] =	vst v63  }
0x12: {  	s20 =	sadd.s32 $0x21A00, s11;
	_ =	swait.ge [sflag:s10], $0x8000  }
0x13: {  	s29 =	sshll.u32 s15, $0x4;
	s18 =	sor.u32 $0x200, s15;
	[sflag:s10] =	ssyncset.done $0x0  }
0x14: {  	s11 =	sadd.s32 s20, s29;
	s12 =	sshrl.u32 s18, $0x3;
	[sflag:s10] =	ssyncadd.s32 $0xFFFF8000  }
0x15: {  	[hbm4b:s11+s2] =	stream.linear.scatter [tilespmem:s7], [sflag:$0x3], $0x8000, $0x38;
	[tilespmem:$0x10200] =	vst v63  }
0x16: {  	s12 =	sadd.s32 s16, s12  }
0x17: {  	[tilespmem:s2], [sflag:$0x5] =	stream.linear.gather [hbm4b:s12+s2], $0x100, $0x38;
	[tilespmem:$0x10200] =	vst v63  }
0x18: {  	_ =	swait.ge [sflag:s4], $0x100  }
0x19: {  	[sflag:s4] =	ssyncset.done $0x0  }
0x1a: {  	s13 =	simm.s32 $0x3;
	[sflag:s4] =	ssyncadd.s32 $0xFFFFFF00  }
0x1b: {  	_ =	swait.ge [sflag:s13], $0x8000  }
0x1c: {  	[sflag:s13] =	ssyncset.done $0x0  }
0x1d: {  	s14 =	simm.s32 $0x2;
	[sflag:s13] =	ssyncadd.s32 $0xFFFF8000  }
0x1e: {  	[tilespmem:s7], [sflag:$0x1] =	stream.indirect.gather [hbm4b:s5+s6], $0x80, s2, s6, $0xb8;
	[tilespmem:$0x10200] =	vst v63  }
0x1f: {  	_ =	swait.ge [sflag:s14], $0x8000  }
0x20: {  	s21 =	sor.u32 $0x300, s15;
	s17 =	sshll.u32 s17, $0x4;
	[sflag:s14] =	ssyncset.done $0x0  }
0x21: {  	s30 =	sshrl.u32 s21, $0x3;
	s15 =	sadd.s32 s20, s17;
	[sflag:s14] =	ssyncadd.s32 $0xFFFF8000  }
0x22: {  	[hbm4b:s15+s2] =	stream.linear.scatter [tilespmem:s9], [sflag:$0x4], $0x8000, $0x38;
	[tilespmem:$0x10200] =	vst v63  }
0x23: {  	s16 =	sadd.s32 s16, s30  }
0x24: {  	[tilespmem:s6], [sflag:$0x5] =	stream.linear.gather [hbm4b:s16+s2], $0x100, $0x38;
	[tilespmem:$0x10200] =	vst v63  }
0x25: {  	_ =	swait.ge [sflag:s4], $0x100  }
0x26: {  	[sflag:s4] =	ssyncset.done $0x0  }
0x27: {  	s17 =	simm.s32 $0x4;
	[sflag:s4] =	ssyncadd.s32 $0xFFFFFF00  }
0x28: {  	_ =	swait.ge [sflag:s17], $0x8000  }
0x29: {  	[sflag:s17] =	ssyncset.done $0x0  }
0x2a: {  	[sflag:s17] =	ssyncadd.s32 $0xFFFF8000  }
0x2b: {  	[tilespmem:s9], [sflag:$0x2] =	stream.indirect.gather [hbm4b:s5+s6], $0x80, s6, s6, $0xb8;
	[tilespmem:$0x10200] =	vst v63  }
0x2c: {  	s22 =	ssub.s32 $0x2, s19;
	_ =	swait.ge [sflag:s10], $0x8000  }
0x2d: {  	s31 =	sshrl.u32 s22, $0x1;
	s18 =	sshll.u32 s18, $0x4;
	[sflag:s10] =	ssyncset.done $0x0  }
0x2e: {  	s21 =	sshll.u32 s21, $0x4;
	s18 =	sadd.s32 s20, s18;
	[sflag:s10] =	ssyncadd.s32 $0xFFFF8000  }
0x2f: {  	[hbm4b:s18+s2] =	stream.linear.scatter [tilespmem:s7], [sflag:$0x3], $0x8000, $0x38;
	[tilespmem:$0x10200] =	vst v63  }
0x30: {  	s19 =	sadd.s32 s20, s21;
	s20 =	ssub.s32 s22, s31;
	_ =	swait.ge [sflag:s14], $0x8000  }
0x31: {  	s20 =	smax.u32 s20, $0x1;
	[sflag:s14] =	ssyncset.done $0x0  }
0x32: {  	p0 =	sne.s32 s20, $0x1;
	[sflag:s14] =	ssyncadd.s32 $0xFFFF8000  }
0x33: {  	[hbm4b:s19+s2] =	stream.linear.scatter [tilespmem:s9], [sflag:$0x4], $0x8000, $0x38;
	[tilespmem:$0x10200] =	vst v63  }
.Ltmp0:
0x34: {  	_ =	swait.ge [sflag:s13], $0x8000;
	(pc) =	sbr.rel @!p0 .LBB2_2-.Ltmp0, $4  }
0x35: {  	[sflag:s13] =	ssyncset.done $0x0  }
0x36: {  	[sflag:s13] =	ssyncadd.s32 $0xFFFF8000  }
0x37: {  	_ =	swait.ge [sflag:s17], $0x8000  }
0x38: {  	s20 =	sadd.s32 $0xFFFFFFFF, s20;
	[sflag:s17] =	ssyncset.done $0x0  }
.LBB2_1:
0x39: {  	p0 =	sne.s32 s20, $0x1;
	s20 =	sadd.s32 $0xFFFFFFFF, s20;
	[sflag:s17] =	ssyncadd.s32 $0xFFFF8000  }
0x3a: {  	[tilespmem:s2], [sflag:$0x5] =	stream.linear.gather [hbm4b:s3+s2], $0x100, $0x38;
	[tilespmem:$0x10200] =	vst v63  }
0x3b: {  	_ =	swait.ge [sflag:s4], $0x100  }
0x3c: {  	[sflag:s4] =	ssyncset.done $0x0  }
0x3d: {  	[sflag:s4] =	ssyncadd.s32 $0xFFFFFF00  }
0x3e: {  	[tilespmem:s7], [sflag:$0x1] =	stream.indirect.gather [hbm4b:s5+s6], $0x80, s2, s6, $0xb8;
	[tilespmem:$0x10200] =	vst v63  }
0x3f: {  	_ = 	snop  }
0x40: {  	[tilespmem:s6], [sflag:$0x5] =	stream.linear.gather [hbm4b:s8+s2], $0x100, $0x38;
	[tilespmem:$0x10200] =	vst v63  }
0x41: {  	_ =	swait.ge [sflag:s4], $0x100  }
0x42: {  	[sflag:s4] =	ssyncset.done $0x0  }
0x43: {  	[sflag:s4] =	ssyncadd.s32 $0xFFFFFF00  }
0x44: {  	[tilespmem:s9], [sflag:$0x2] =	stream.indirect.gather [hbm4b:s5+s6], $0x80, s6, s6, $0xb8;
	[tilespmem:$0x10200] =	vst v63  }
0x45: {  	_ =	swait.ge [sflag:s10], $0x8000  }
0x46: {  	[sflag:s10] =	ssyncset.done $0x0  }
0x47: {  	[sflag:s10] =	ssyncadd.s32 $0xFFFF8000  }
0x48: {  	[hbm4b:s11+s2] =	stream.linear.scatter [tilespmem:s7], [sflag:$0x3], $0x8000, $0x38;
	[tilespmem:$0x10200] =	vst v63  }
0x49: {  	_ = 	snop  }
0x4a: {  	[tilespmem:s2], [sflag:$0x5] =	stream.linear.gather [hbm4b:s12+s2], $0x100, $0x38;
	[tilespmem:$0x10200] =	vst v63  }
0x4b: {  	_ =	swait.ge [sflag:s4], $0x100  }
0x4c: {  	[sflag:s4] =	ssyncset.done $0x0  }
0x4d: {  	[sflag:s4] =	ssyncadd.s32 $0xFFFFFF00  }
0x4e: {  	_ =	swait.ge [sflag:s13], $0x8000  }
0x4f: {  	[sflag:s13] =	ssyncset.done $0x0  }
0x50: {  	[sflag:s13] =	ssyncadd.s32 $0xFFFF8000  }
0x51: {  	[tilespmem:s7], [sflag:$0x1] =	stream.indirect.gather [hbm4b:s5+s6], $0x80, s2, s6, $0xb8;
	[tilespmem:$0x10200] =	vst v63  }
0x52: {  	_ =	swait.ge [sflag:s14], $0x8000  }
0x53: {  	[sflag:s14] =	ssyncset.done $0x0  }
0x54: {  	[sflag:s14] =	ssyncadd.s32 $0xFFFF8000  }
0x55: {  	[hbm4b:s15+s2] =	stream.linear.scatter [tilespmem:s9], [sflag:$0x4], $0x8000, $0x38;
	[tilespmem:$0x10200] =	vst v63  }
0x56: {  	_ = 	snop  }
0x57: {  	[tilespmem:s6], [sflag:$0x5] =	stream.linear.gather [hbm4b:s16+s2], $0x100, $0x38;
	[tilespmem:$0x10200] =	vst v63  }
0x58: {  	_ =	swait.ge [sflag:s4], $0x100  }
0x59: {  	[sflag:s4] =	ssyncset.done $0x0  }
0x5a: {  	[sflag:s4] =	ssyncadd.s32 $0xFFFFFF00  }
0x5b: {  	_ =	swait.ge [sflag:s17], $0x8000  }
0x5c: {  	[sflag:s17] =	ssyncset.done $0x0  }
0x5d: {  	[sflag:s17] =	ssyncadd.s32 $0xFFFF8000  }
0x5e: {  	[tilespmem:s9], [sflag:$0x2] =	stream.indirect.gather [hbm4b:s5+s6], $0x80, s6, s6, $0xb8;
	[tilespmem:$0x10200] =	vst v63  }
0x5f: {  	_ =	swait.ge [sflag:s10], $0x8000  }
0x60: {  	[sflag:s10] =	ssyncset.done $0x0  }
0x61: {  	[sflag:s10] =	ssyncadd.s32 $0xFFFF8000  }
0x62: {  	[hbm4b:s18+s2] =	stream.linear.scatter [tilespmem:s7], [sflag:$0x3], $0x8000, $0x38;
	[tilespmem:$0x10200] =	vst v63  }
0x63: {  	_ =	swait.ge [sflag:s14], $0x8000  }
0x64: {  	[sflag:s14] =	ssyncset.done $0x0  }
0x65: {  	[sflag:s14] =	ssyncadd.s32 $0xFFFF8000  }
0x66: {  	[hbm4b:s19+s2] =	stream.linear.scatter [tilespmem:s9], [sflag:$0x4], $0x8000, $0x38;
	[tilespmem:$0x10200] =	vst v63  }
.Ltmp1:
0x67: {  	_ =	swait.ge [sflag:s13], $0x8000;
	(pc) =	sbr.rel @p0 .LBB2_1-.Ltmp1, $4  }
0x68: {  	[sflag:s13] =	ssyncset.done $0x0  }
0x69: {  	[sflag:s13] =	ssyncadd.s32 $0xFFFF8000  }
0x6a: {  	_ =	swait.ge [sflag:s17], $0x8000  }
0x6b: {  	[sflag:s17] =	ssyncset.done $0x0  }
.LBB2_2:
0x6c: {  	[sflag:s17] =	ssyncadd.s32 $0xFFFF8000  }
0x6d: {  	_ =	sfence.sel $0x180000  }
0x6e: {  	[bflag:$0x0] =	sbarrier.arrive $0xFFFF  }
0x6f: {  	p0 =	sne.s32 s0, $0x0;
	_ =	strace $0x90000047  }
0x70: {  	s0 =	sadd.s32 @!p0 $0x100000, s1;
	[bflag:$0x2] =	sbarrier.arrive $0xFFFF  }
0x71: {  	[sflag:s0] =	ssyncadd.tile.s32 @!p0 $0x1;
	_ =	shalt  }
.Lfunc_end2:
_tile_overlayer_lowered:
.L_overlay_start_2:
0x72: {  	(tag) =	ssettag $0x2  }
0x73: {  	s0 =	rddreg [dreg:$0x0];
	s2 =	stileid.u32  }
0x74: {  	s1 =	rddreg [dreg:$0x1];
	p0 =	sne.s32 s2, $0x0  }
0x75: {  	s3 =	rddreg [dreg:$0x2];
	[bflag:$0x3] =	sbarrier.arrive $0xFFFF;
	s2 =	simm.s32 @!p0 $0x1C05  }
0x76: {  	[timem:s3], [sflag:s2] =	dma.local @!p0 [hbm:s0], s1  }
0x77: {  	s0 =	simm.s32 @!p0 $0x5  }
0x78: {  	_ =	swait.ge @!p0 [sflag:s0], s1  }
0x79: {  	s1 =	ssub.s32 @!p0 $0x0, s1;
	[sflag:s0] =	ssyncset.done @!p0 $0x0  }
0x7a: {  	[sflag:s0] =	ssyncadd.s32 @!p0 s1  }
0x7b: {  	[bflag:$0x3] =	sbarrier.arrive $0xFFFF  }
0x7c: {  	_ =	shalt  }

</sc_bundles>
